<compile_context>
chip_gen: v7x
topology: tpu7x:2x2x1
jax: 0.10.2.dev20260603
libtpu: 0.0.44.dev20260713+nightly
codegen_flags: <defaults>
</compile_context>

<pallas_src>
import functools

import jax
import jax.numpy as jnp
from jax import lax
from jax.experimental import pallas as pl
from jax.experimental.pallas import tpu as pltpu
from jax.experimental.pallas import tpu_sc as plsc

N = 10000
NPAD = 10240
E = 160000
D = 256
H = 128
G = 128
R = 1024
NBLK = NPAD // R

EC = 80
NCH = E // (16 * EC)
SUB = 25
DC = 40
DCH = E // (32 * DC)
RPT = NPAD // 16

@functools.cache
def _mesh():
    return plsc.VectorSubcoreMesh(
        core_axis_name="c", subcore_axis_name="s", num_cores=2,
        num_subcores=16)



def _deg_body(dst_hbm, degp_hbm, dst_v, ones_v, buf_v, deg_sh):
    cid = lax.axis_index("c")
    sid = lax.axis_index("s")
    t = cid * 16 + sid

    for i in range(RPT // 16):
        buf_v[pl.ds(i * 16, 16)] = jnp.zeros((16,), jnp.float32)
    pltpu.sync_copy(buf_v, deg_sh.at[pl.ds(sid * RPT, RPT)])
    plsc.subcore_barrier()

    for i in range(DC // 16 + 1):
        ones_v[pl.ds(i * 16, 16)] = jnp.ones((16,), jnp.float32)

    def outer(o, _):
        pltpu.sync_copy(dst_hbm.at[t, o], dst_v)

        def chunk(j, _):
            pltpu.sync_copy(ones_v.at[pl.ds(0, DC)], deg_sh.at[dst_v.at[j]],
                            add=True)
            return 0
        lax.fori_loop(0, DCH // 5, chunk, 0)
        return 0
    lax.fori_loop(0, 5, outer, 0)
    plsc.subcore_barrier()

    pltpu.sync_copy(deg_sh.at[pl.ds(sid * RPT, RPT)], buf_v)
    pltpu.sync_copy(buf_v, degp_hbm.at[pl.ds(cid * NPAD + sid * RPT, RPT)])


def _deg_call(dst_slabs):
    flat = pl.kernel(
        _deg_body,
        out_type=jax.ShapeDtypeStruct((2 * NPAD,), jnp.float32),
        mesh=_mesh(),
        scratch_types=[
            pltpu.VMEM((DCH // 5, DC), jnp.int32),
            pltpu.VMEM((48,), jnp.float32),
            pltpu.VMEM((RPT,), jnp.float32),
            pltpu.VMEM_SHARED((NPAD,), jnp.float32),
        ],
    )(dst_slabs)
    return jnp.stack([flat[:NPAD], flat[NPAD:]], axis=1)


def _prop_body(g_hbm, src_hbm, dst_hbm, s_hbm,
               src_v, dst_v, rows0_v, rows1_v, rows2_v, rows3_v, accum,
               sem0, sem1, sem2, sem3):
    cid = lax.axis_index("c")
    sid = lax.axis_index("s")

    def zrow(r, _):
        for b in range(H // 16):
            rows0_v[r, pl.ds(b * 16, 16)] = jnp.zeros((16,), jnp.float32)
        return 0
    lax.fori_loop(0, EC, zrow, 0)
    for k in range(RPT // EC):
        pltpu.sync_copy(rows0_v, accum.at[pl.ds(sid * RPT + k * EC, EC), :])
    plsc.subcore_barrier()

    rows = (rows0_v, rows1_v, rows2_v, rows3_v)
    sems = (sem0, sem1, sem2, sem3)
    nb = len(rows)

    def outer(o, _):
        pltpu.sync_copy(src_hbm.at[cid, sid, o], src_v)
        pltpu.sync_copy(dst_hbm.at[sid, o], dst_v)
        for b in range(nb - 1):
            pltpu.async_copy(g_hbm.at[src_v.at[b]], rows[b], sems[b])

        def chunk(j, _):
            for b in range(nb):
                @pl.when(j % nb == b)
                def _():
                    pltpu.make_async_copy(
                        g_hbm.at[src_v.at[j]], rows[b], sems[b]).wait()

                    @pl.when(j < SUB - (nb - 1))
                    def _():
                        pltpu.async_copy(
                            g_hbm.at[src_v.at[j + nb - 1]], rows[(b - 1) % nb],
                            sems[(b - 1) % nb])
                    pltpu.sync_copy(rows[b], accum.at[dst_v.at[j]], add=True)
            return 0
        lax.fori_loop(0, SUB, chunk, 0)
        return 0
    lax.fori_loop(0, NCH // SUB, outer, 0)
    plsc.subcore_barrier()

    pltpu.sync_copy(accum.at[pl.ds(sid * RPT, RPT), :],
                    s_hbm.at[pl.ds(cid * NPAD + sid * RPT, RPT), :])


def _prop_call(g_flat, src_slabs, dst_slabs):
    return pl.kernel(
        _prop_body,
        out_type=jax.ShapeDtypeStruct((2 * NPAD, H), jnp.float32),
        mesh=_mesh(),
        scratch_types=[
            pltpu.VMEM((SUB, EC), jnp.int32),
            pltpu.VMEM((SUB, EC), jnp.int32),
            pltpu.VMEM((EC, H), jnp.float32),
            pltpu.VMEM((EC, H), jnp.float32),
            pltpu.VMEM((EC, H), jnp.float32),
            pltpu.VMEM((EC, H), jnp.float32),
            pltpu.VMEM_SHARED((NPAD, H), jnp.float32),
            pltpu.SemaphoreType.DMA,
            pltpu.SemaphoreType.DMA,
            pltpu.SemaphoreType.DMA,
            pltpu.SemaphoreType.DMA,
        ],
    )(g_flat, src_slabs, dst_slabs)



def _dinv(dp_ref):
    deg = dp_ref[:, 0] + dp_ref[:, 1] + 1.0
    return lax.rsqrt(deg)


def _tc1_body(x_ref, w_ref, dp_ref, o_ref):
    dinv = _dinv(dp_ref)[:, None]
    h = jnp.dot(x_ref[...], w_ref[...], preferred_element_type=jnp.float32)
    o_ref[0] = h[:, :H] * dinv
    o_ref[1] = h[:, H:] * dinv


def _tc1_call(xp, W1, degp):
    out = pl.pallas_call(
        _tc1_body,
        grid=(NBLK,),
        in_specs=[
            pl.BlockSpec((R, D), lambda r: (r, 0)),
            pl.BlockSpec((D, D), lambda r: (0, 0)),
            pl.BlockSpec((R, 2), lambda r: (r, 0)),
        ],
        out_specs=pl.BlockSpec((2, R, H), lambda r: (0, r, 0)),
        out_shape=jax.ShapeDtypeStruct((2, NPAD, H), jnp.float32),
    )(xp, W1, degp)
    return out.reshape(2 * NPAD, H)


def _tc2_body(sa_ref, sb_ref, ga_ref, gb_ref, dp_ref, b_ref, w_ref, o_ref):
    dinv = _dinv(dp_ref)[:, None]
    ha = jnp.maximum((sa_ref[...] + ga_ref[...]) * dinv + b_ref[0, :H], 0.0)
    hb = jnp.maximum((sb_ref[...] + gb_ref[...]) * dinv + b_ref[0, H:], 0.0)
    h2 = (jnp.dot(ha, w_ref[:H, :], preferred_element_type=jnp.float32)
          + jnp.dot(hb, w_ref[H:, :], preferred_element_type=jnp.float32))
    o_ref[0] = h2[:, :H] * dinv
    o_ref[1] = h2[:, H:] * dinv


def _tc2_call(s_flat, g_flat, degp, b1, W2):
    half_a = pl.BlockSpec((R, H), lambda r: (r, 0))
    half_b = pl.BlockSpec((R, H), lambda r: (NBLK + r, 0))
    out = pl.pallas_call(
        _tc2_body,
        grid=(NBLK,),
        in_specs=[
            half_a, half_b, half_a, half_b,
            pl.BlockSpec((R, 2), lambda r: (r, 0)),
            pl.BlockSpec((1, D), lambda r: (0, 0)),
            pl.BlockSpec((D, D), lambda r: (0, 0)),
        ],
        out_specs=pl.BlockSpec((2, R, H), lambda r: (0, r, 0)),
        out_shape=jax.ShapeDtypeStruct((2, NPAD, H), jnp.float32),
    )(s_flat, s_flat, g_flat, g_flat, degp, b1, W2)
    return out.reshape(2 * NPAD, H)


def _tc3_body(sa_ref, sb_ref, ga_ref, gb_ref, dp_ref, b_ref, wl_ref, bl_ref,
              bat_ref, o_ref):
    r = pl.program_id(0)
    dinv = _dinv(dp_ref)[:, None]
    ha = jnp.maximum((sa_ref[...] + ga_ref[...]) * dinv + b_ref[0, :H], 0.0)
    hb = jnp.maximum((sb_ref[...] + gb_ref[...]) * dinv + b_ref[0, H:], 0.0)
    y = (jnp.dot(ha, wl_ref[:H, :], preferred_element_type=jnp.float32)
         + jnp.dot(hb, wl_ref[H:, :], preferred_element_type=jnp.float32))
    gids = lax.broadcasted_iota(jnp.int32, (R, G), 1)
    p = (bat_ref[...] == gids).astype(jnp.float32)
    contrib = lax.dot_general(p, y, (((0,), (0,)), ((), ())),
                              preferred_element_type=jnp.float32)

    @pl.when(r == 0)
    def _():
        o_ref[...] = contrib + bl_ref[...]

    @pl.when(r != 0)
    def _():
        o_ref[...] = o_ref[...] + contrib


def _tc3_call(s_flat, g_flat, degp, b2, Wl, bl, batchp):
    half_a = pl.BlockSpec((R, H), lambda r: (r, 0))
    half_b = pl.BlockSpec((R, H), lambda r: (NBLK + r, 0))
    return pl.pallas_call(
        _tc3_body,
        grid=(NBLK,),
        in_specs=[
            half_a, half_b, half_a, half_b,
            pl.BlockSpec((R, 2), lambda r: (r, 0)),
            pl.BlockSpec((1, D), lambda r: (0, 0)),
            pl.BlockSpec((D, 64), lambda r: (0, 0)),
            pl.BlockSpec((1, 64), lambda r: (0, 0)),
            pl.BlockSpec((R, 1), lambda r: (r, 0)),
        ],
        out_specs=pl.BlockSpec((G, 64), lambda r: (0, 0)),
        out_shape=jax.ShapeDtypeStruct((G, 64), jnp.float32),
    )(s_flat, s_flat, g_flat, g_flat, degp, b2, Wl, bl, batchp)



def kernel(x, edge_index, batch, W1, b1, W2, b2, Wl, bl):
    src = edge_index[0]
    dst = edge_index[1]

    xp = jnp.pad(x, ((0, NPAD - N), (0, 0)))
    batchp = jnp.concatenate(
        [batch, jnp.full((NPAD - N,), G, dtype=batch.dtype)]).reshape(NPAD, 1)
    src_t = src.reshape(16, NCH // SUB, SUB, EC)
    src_slabs = jnp.stack([src_t, src_t + NPAD])
    dst_slabs = dst.reshape(16, NCH // SUB, SUB, EC)
    dst_deg = dst.reshape(32, 5, DCH // 5, DC)
    b1r = b1.reshape(1, D)
    b2r = b2.reshape(1, D)
    blr = bl.reshape(1, 64)

    degp = _deg_call(dst_deg)
    g1 = _tc1_call(xp, W1, degp)
    s1 = _prop_call(g1, src_slabs, dst_slabs)
    g2 = _tc2_call(s1, g1, degp, b1r, W2)
    s2 = _prop_call(g2, src_slabs, dst_slabs)
    return _tc3_call(s2, g2, degp, b2r, Wl, blr, batchp)

# --- scband reference (transcript-rebuilt; emitter-appended) ---
"""Pipeline reference for scband-gnn-30837865185807 (READ-ONLY COPY).

The authoritative reference and input builder live on the scoring server;
editing this copy changes nothing except your own understanding.
"""

import jax, jax.numpy as jnp
import numpy as np

N = 10000
E = 160000
D_IN = 256
D_H = 256
D_OUT = 64
G = 128


def gcn_conv(x, edge_index, W, b):
    # x' = x @ W; propagate with symmetric normalization and self-loops (PyG GCNConv)
    h = x @ W
    n = h.shape[0]
    loop = jnp.arange(n, dtype=edge_index.dtype)
    src = jnp.concatenate([edge_index[0], loop])
    dst = jnp.concatenate([edge_index[1], loop])
    ones = jnp.ones(src.shape[0], dtype=h.dtype)
    deg = jax.ops.segment_sum(ones, dst, num_segments=n)
    deg_inv_sqrt = jnp.where(deg > 0, deg ** -0.5, 0.0)
    norm = deg_inv_sqrt[src] * deg_inv_sqrt[dst]
    msg = h[src] * norm[:, None]
    out = jax.ops.segment_sum(msg, dst, num_segments=n)
    return out + b


def setup_inputs(seed: int = 0) -> dict:
    key = jax.random.key(seed)
    ks = jax.random.split(key, 9)
    x = jax.random.normal(ks[0], (N, D_IN), dtype=jnp.float32)
    edge_index = jax.random.randint(ks[1], (2, E), 0, N, dtype=jnp.int32)
    batch = jnp.sort(jax.random.randint(ks[2], (N,), 0, G, dtype=jnp.int32))
    W1 = jax.random.normal(ks[3], (D_IN, D_H), dtype=jnp.float32) * 0.05
    b1 = jnp.zeros((D_H,), dtype=jnp.float32)
    W2 = jax.random.normal(ks[4], (D_H, D_H), dtype=jnp.float32) * 0.05
    b2 = jnp.zeros((D_H,), dtype=jnp.float32)
    Wl = jax.random.normal(ks[5], (D_H, D_OUT), dtype=jnp.float32) * 0.05
    bl = jnp.zeros((D_OUT,), dtype=jnp.float32)
    return {"x": x, "edge_index": edge_index, "batch": batch, "W1": W1, "b1": b1, "W2": W2, "b2": b2, "Wl": Wl, "bl": bl}


def reference(x, edge_index, batch, W1, b1, W2, b2, Wl, bl):
    h = jax.nn.relu(gcn_conv(x, edge_index, W1, b1))
    h = jax.nn.relu(gcn_conv(h, edge_index, W2, b2))
    pooled = jax.ops.segment_sum(h, batch, num_segments=G)
    return pooled @ Wl + bl

if __name__ == "__main__":
    import jax
    _d = setup_inputs()
    print(jax.jit(kernel)(*tuple(_d.values())))

</pallas_src>

<mosaic_0001>
#map = affine_map<(d0, d1) -> (0, 0)>
#map1 = affine_map<(d0, d1) -> (0, 0, 0, 0, 0)>
#map2 = affine_map<(d0, d1) -> (0, 0, 0, 0)>
module attributes {stable_mosaic.version = 14 : i64} {
  func.func @_prop_body(%arg0: i32, %arg1: i32, %arg2: memref<20480x128xf32, #tpu.memory_space<hbm>>, %arg3: memref<2x16x5x25x80xi32, #tpu.memory_space<hbm>>, %arg4: memref<16x5x25x80xi32, #tpu.memory_space<hbm>>, %arg5: memref<20480x128xf32, #tpu.memory_space<hbm>>, %arg6: memref<25x80xi32, #tpu.memory_space<vmem>>, %arg7: memref<25x80xi32, #tpu.memory_space<vmem>>, %arg8: memref<80x128xf32, #tpu.memory_space<vmem>>, %arg9: memref<80x128xf32, #tpu.memory_space<vmem>>, %arg10: memref<80x128xf32, #tpu.memory_space<vmem>>, %arg11: memref<80x128xf32, #tpu.memory_space<vmem>>, %arg12: memref<10240x128xf32, #tpu.memory_space<vmem_shared>>, %arg13: memref<!tpu.dma_semaphore, #tpu.memory_space<semaphore_mem>>, %arg14: memref<!tpu.dma_semaphore, #tpu.memory_space<semaphore_mem>>, %arg15: memref<!tpu.dma_semaphore, #tpu.memory_space<semaphore_mem>>, %arg16: memref<!tpu.dma_semaphore, #tpu.memory_space<semaphore_mem>>) attributes {dimension_semantics = [#tpu.dimension_semantics<core_parallel>, #tpu.dimension_semantics<subcore_parallel>], iteration_bounds = array<i64: 2, 16>, scalar_prefetch = 0 : i64, scratch_operands = 11 : i64, tpu.core_type = #tpu.core_type<sc_vector_subcore>, window_params = [{transform_indices = #map}, {transform_indices = #map1}, {transform_indices = #map2}, {transform_indices = #map}]} {
    %scan3A = arith.constant 0 : i32
    %scan3A_0 = arith.constant 0 : i32
    %scan3A_1 = arith.constant 80 : i32
    %scan3A_2 = arith.addi %scan3A_0, %scan3A_1 : i32
    %scan3A_3 = arith.constant 1 : i32
    %scan3A_4 = scf.for %scan3A_51 = %scan3A_0 to %scan3A_2 step %scan3A_3 iter_args(%scan3A_52 = %scan3A) -> (i32)  : i32 {
      %broadcast_in_dim3A = arith.constant 0.000000e+00 : f32
      %broadcast_in_dim3A_53 = vector.broadcast %broadcast_in_dim3A : f32 to vector<16xf32>
      %swap3A = arith.index_cast %scan3A_51 : i32 to index
      %swap3A_54 = arith.constant 0 : index
      %swap3A_55 = tpu.vector_load %arg8[%swap3A, %swap3A_54] {strides = array<i32>} : memref<80x128xf32, #tpu.memory_space<vmem>>, vector<1x16xf32>,
      %swap3A_56 = vector.shape_cast %swap3A_55 : vector<1x16xf32> to vector<16xf32>
      %swap3A_57 = vector.shape_cast %broadcast_in_dim3A_53 : vector<16xf32> to vector<1x16xf32>
      tpu.vector_store %arg8[%swap3A, %swap3A_54], %swap3A_57 {strides = array<i32>} : memref<80x128xf32, #tpu.memory_space<vmem>>, vector<1x16xf32>,
      %broadcast_in_dim3A_58 = arith.constant 0.000000e+00 : f32
      %broadcast_in_dim3A_59 = vector.broadcast %broadcast_in_dim3A_58 : f32 to vector<16xf32>
      %swap3A_60 = arith.index_cast %scan3A_51 : i32 to index
      %swap3A_61 = arith.constant 16 : index
      %swap3A_62 = tpu.vector_load %arg8[%swap3A_60, %swap3A_61] {strides = array<i32>} : memref<80x128xf32, #tpu.memory_space<vmem>>, vector<1x16xf32>,
      %swap3A_63 = vector.shape_cast %swap3A_62 : vector<1x16xf32> to vector<16xf32>
      %swap3A_64 = vector.shape_cast %broadcast_in_dim3A_59 : vector<16xf32> to vector<1x16xf32>
      tpu.vector_store %arg8[%swap3A_60, %swap3A_61], %swap3A_64 {strides = array<i32>} : memref<80x128xf32, #tpu.memory_space<vmem>>, vector<1x16xf32>,
      %broadcast_in_dim3A_65 = arith.constant 0.000000e+00 : f32
      %broadcast_in_dim3A_66 = vector.broadcast %broadcast_in_dim3A_65 : f32 to vector<16xf32>
      %swap3A_67 = arith.index_cast %scan3A_51 : i32 to index
      %swap3A_68 = arith.constant 32 : index
      %swap3A_69 = tpu.vector_load %arg8[%swap3A_67, %swap3A_68] {strides = array<i32>} : memref<80x128xf32, #tpu.memory_space<vmem>>, vector<1x16xf32>,
      %swap3A_70 = vector.shape_cast %swap3A_69 : vector<1x16xf32> to vector<16xf32>
      %swap3A_71 = vector.shape_cast %broadcast_in_dim3A_66 : vector<16xf32> to vector<1x16xf32>
      tpu.vector_store %arg8[%swap3A_67, %swap3A_68], %swap3A_71 {strides = array<i32>} : memref<80x128xf32, #tpu.memory_space<vmem>>, vector<1x16xf32>,
      %broadcast_in_dim3A_72 = arith.constant 0.000000e+00 : f32
      %broadcast_in_dim3A_73 = vector.broadcast %broadcast_in_dim3A_72 : f32 to vector<16xf32>
      %swap3A_74 = arith.index_cast %scan3A_51 : i32 to index
      %swap3A_75 = arith.constant 48 : index
      %swap3A_76 = tpu.vector_load %arg8[%swap3A_74, %swap3A_75] {strides = array<i32>} : memref<80x128xf32, #tpu.memory_space<vmem>>, vector<1x16xf32>,
      %swap3A_77 = vector.shape_cast %swap3A_76 : vector<1x16xf32> to vector<16xf32>
      %swap3A_78 = vector.shape_cast %broadcast_in_dim3A_73 : vector<16xf32> to vector<1x16xf32>
      tpu.vector_store %arg8[%swap3A_74, %swap3A_75], %swap3A_78 {strides = array<i32>} : memref<80x128xf32, #tpu.memory_space<vmem>>, vector<1x16xf32>,
      %broadcast_in_dim3A_79 = arith.constant 0.000000e+00 : f32
      %broadcast_in_dim3A_80 = vector.broadcast %broadcast_in_dim3A_79 : f32 to vector<16xf32>
      %swap3A_81 = arith.index_cast %scan3A_51 : i32 to index
      %swap3A_82 = arith.constant 64 : index
      %swap3A_83 = tpu.vector_load %arg8[%swap3A_81, %swap3A_82] {strides = array<i32>} : memref<80x128xf32, #tpu.memory_space<vmem>>, vector<1x16xf32>,
      %swap3A_84 = vector.shape_cast %swap3A_83 : vector<1x16xf32> to vector<16xf32>
      %swap3A_85 = vector.shape_cast %broadcast_in_dim3A_80 : vector<16xf32> to vector<1x16xf32>
      tpu.vector_store %arg8[%swap3A_81, %swap3A_82], %swap3A_85 {strides = array<i32>} : memref<80x128xf32, #tpu.memory_space<vmem>>, vector<1x16xf32>,
      %broadcast_in_dim3A_86 = arith.constant 0.000000e+00 : f32
      %broadcast_in_dim3A_87 = vector.broadcast %broadcast_in_dim3A_86 : f32 to vector<16xf32>
      %swap3A_88 = arith.index_cast %scan3A_51 : i32 to index
      %swap3A_89 = arith.constant 80 : index
      %swap3A_90 = tpu.vector_load %arg8[%swap3A_88, %swap3A_89] {strides = array<i32>} : memref<80x128xf32, #tpu.memory_space<vmem>>, vector<1x16xf32>,
      %swap3A_91 = vector.shape_cast %swap3A_90 : vector<1x16xf32> to vector<16xf32>
      %swap3A_92 = vector.shape_cast %broadcast_in_dim3A_87 : vector<16xf32> to vector<1x16xf32>
      tpu.vector_store %arg8[%swap3A_88, %swap3A_89], %swap3A_92 {strides = array<i32>} : memref<80x128xf32, #tpu.memory_space<vmem>>, vector<1x16xf32>,
      %broadcast_in_dim3A_93 = arith.constant 0.000000e+00 : f32
      %broadcast_in_dim3A_94 = vector.broadcast %broadcast_in_dim3A_93 : f32 to vector<16xf32>
      %swap3A_95 = arith.index_cast %scan3A_51 : i32 to index
      %swap3A_96 = arith.constant 96 : index
      %swap3A_97 = tpu.vector_load %arg8[%swap3A_95, %swap3A_96] {strides = array<i32>} : memref<80x128xf32, #tpu.memory_space<vmem>>, vector<1x16xf32>,
      %swap3A_98 = vector.shape_cast %swap3A_97 : vector<1x16xf32> to vector<16xf32>
      %swap3A_99 = vector.shape_cast %broadcast_in_dim3A_94 : vector<16xf32> to vector<1x16xf32>
      tpu.vector_store %arg8[%swap3A_95, %swap3A_96], %swap3A_99 {strides = array<i32>} : memref<80x128xf32, #tpu.memory_space<vmem>>, vector<1x16xf32>,
      %broadcast_in_dim3A_100 = arith.constant 0.000000e+00 : f32
      %broadcast_in_dim3A_101 = vector.broadcast %broadcast_in_dim3A_100 : f32 to vector<16xf32>
      %swap3A_102 = arith.index_cast %scan3A_51 : i32 to index
      %swap3A_103 = arith.constant 112 : index
      %swap3A_104 = tpu.vector_load %arg8[%swap3A_102, %swap3A_103] {strides = array<i32>} : memref<80x128xf32, #tpu.memory_space<vmem>>, vector<1x16xf32>,
      %swap3A_105 = vector.shape_cast %swap3A_104 : vector<1x16xf32> to vector<16xf32>
      %swap3A_106 = vector.shape_cast %broadcast_in_dim3A_101 : vector<16xf32> to vector<1x16xf32>
      tpu.vector_store %arg8[%swap3A_102, %swap3A_103], %swap3A_106 {strides = array<i32>} : memref<80x128xf32, #tpu.memory_space<vmem>>, vector<1x16xf32>,
      %scan3A_107 = arith.constant 0 : i32
      scf.yield %scan3A_107 : i32
    }
    %scan3A_5 = arith.constant 80 : i32
    %mul3A = arith.constant 640 : i32
    %mul3A_6 = arith.muli %arg1, %mul3A : i32
    %add3A = arith.constant 0 : i32
    %add3A_7 = arith.addi %mul3A_6, %add3A : i32
    "tpu.region"() ({
      %run_scoped3A = tpu.sem_alloc : memref<!tpu.dma_semaphore, #tpu.memory_space<semaphore_mem>>
      %dma_start3A = arith.constant 0 : i32
      %dma_start3A_51 = tpu.memref_slice %arg12[%add3A_7, %dma_start3A] : memref<10240x128xf32, #tpu.memory_space<vmem_shared>> -> memref<80x128xf32, #tpu.memory_space<vmem_shared>>
      %dma_start3A_52 = arith.constant 0 : i32
      %dma_start3A_53 = tpu.memref_slice %arg12[%add3A_7, %dma_start3A_52] : memref<10240x128xf32, #tpu.memory_space<vmem_shared>> -> memref<80x128xf32, #tpu.memory_space<vmem_shared>>
      tpu.enqueue_dma source(%arg8 : memref<80x128xf32, #tpu.memory_space<vmem>>) target(%dma_start3A_53 : memref<80x128xf32, #tpu.memory_space<vmem_shared>>) target_semaphore(%run_scoped3A : memref<!tpu.dma_semaphore, #tpu.memory_space<semaphore_mem>>)
      %dma_wait3A = arith.constant 0 : i32
      %dma_wait3A_54 = tpu.memref_slice %arg12[%add3A_7, %dma_wait3A] : memref<10240x128xf32, #tpu.memory_space<vmem_shared>> -> memref<80x128xf32, #tpu.memory_space<vmem_shared>>
      %dma_wait3A_55 = arith.constant 0 : i32
      %dma_wait3A_56 = tpu.memref_slice %arg12[%add3A_7, %dma_wait3A_55] : memref<10240x128xf32, #tpu.memory_space<vmem_shared>> -> memref<80x128xf32, #tpu.memory_space<vmem_shared>>
      tpu.wait_dma2 semaphore(%run_scoped3A : memref<!tpu.dma_semaphore, #tpu.memory_space<semaphore_mem>>) src(%arg8 : memref<80x128xf32, #tpu.memory_space<vmem>>) dst(%dma_wait3A_56 : memref<80x128xf32, #tpu.memory_space<vmem_shared>>)
      tpu.yield
    }) : () -> ()
    %mul3A_8 = arith.constant 640 : i32
    %mul3A_9 = arith.muli %arg1, %mul3A_8 : i32
    %add3A_10 = arith.constant 80 : i32
    %add3A_11 = arith.addi %mul3A_9, %add3A_10 : i32
    "tpu.region"() ({
      %run_scoped3A = tpu.sem_alloc : memref<!tpu.dma_semaphore, #tpu.memory_space<semaphore_mem>>
      %dma_start3A = arith.constant 0 : i32
      %dma_start3A_51 = tpu.memref_slice %arg12[%add3A_11, %dma_start3A] : memref<10240x128xf32, #tpu.memory_space<vmem_shared>> -> memref<80x128xf32, #tpu.memory_space<vmem_shared>>
      %dma_start3A_52 = arith.constant 0 : i32
      %dma_start3A_53 = tpu.memref_slice %arg12[%add3A_11, %dma_start3A_52] : memref<10240x128xf32, #tpu.memory_space<vmem_shared>> -> memref<80x128xf32, #tpu.memory_space<vmem_shared>>
      tpu.enqueue_dma source(%arg8 : memref<80x128xf32, #tpu.memory_space<vmem>>) target(%dma_start3A_53 : memref<80x128xf32, #tpu.memory_space<vmem_shared>>) target_semaphore(%run_scoped3A : memref<!tpu.dma_semaphore, #tpu.memory_space<semaphore_mem>>)
      %dma_wait3A = arith.constant 0 : i32
      %dma_wait3A_54 = tpu.memref_slice %arg12[%add3A_11, %dma_wait3A] : memref<10240x128xf32, #tpu.memory_space<vmem_shared>> -> memref<80x128xf32, #tpu.memory_space<vmem_shared>>
      %dma_wait3A_55 = arith.constant 0 : i32
      %dma_wait3A_56 = tpu.memref_slice %arg12[%add3A_11, %dma_wait3A_55] : memref<10240x128xf32, #tpu.memory_space<vmem_shared>> -> memref<80x128xf32, #tpu.memory_space<vmem_shared>>
      tpu.wait_dma2 semaphore(%run_scoped3A : memref<!tpu.dma_semaphore, #tpu.memory_space<semaphore_mem>>) src(%arg8 : memref<80x128xf32, #tpu.memory_space<vmem>>) dst(%dma_wait3A_56 : memref<80x128xf32, #tpu.memory_space<vmem_shared>>)
      tpu.yield
    }) : () -> ()
    %mul3A_12 = arith.constant 640 : i32
    %mul3A_13 = arith.muli %arg1, %mul3A_12 : i32
    %add3A_14 = arith.constant 160 : i32
    %add3A_15 = arith.addi %mul3A_13, %add3A_14 : i32
    "tpu.region"() ({
      %run_scoped3A = tpu.sem_alloc : memref<!tpu.dma_semaphore, #tpu.memory_space<semaphore_mem>>
      %dma_start3A = arith.constant 0 : i32
      %dma_start3A_51 = tpu.memref_slice %arg12[%add3A_15, %dma_start3A] : memref<10240x128xf32, #tpu.memory_space<vmem_shared>> -> memref<80x128xf32, #tpu.memory_space<vmem_shared>>
      %dma_start3A_52 = arith.constant 0 : i32
      %dma_start3A_53 = tpu.memref_slice %arg12[%add3A_15, %dma_start3A_52] : memref<10240x128xf32, #tpu.memory_space<vmem_shared>> -> memref<80x128xf32, #tpu.memory_space<vmem_shared>>
      tpu.enqueue_dma source(%arg8 : memref<80x128xf32, #tpu.memory_space<vmem>>) target(%dma_start3A_53 : memref<80x128xf32, #tpu.memory_space<vmem_shared>>) target_semaphore(%run_scoped3A : memref<!tpu.dma_semaphore, #tpu.memory_space<semaphore_mem>>)
      %dma_wait3A = arith.constant 0 : i32
      %dma_wait3A_54 = tpu.memref_slice %arg12[%add3A_15, %dma_wait3A] : memref<10240x128xf32, #tpu.memory_space<vmem_shared>> -> memref<80x128xf32, #tpu.memory_space<vmem_shared>>
      %dma_wait3A_55 = arith.constant 0 : i32
      %dma_wait3A_56 = tpu.memref_slice %arg12[%add3A_15, %dma_wait3A_55] : memref<10240x128xf32, #tpu.memory_space<vmem_shared>> -> memref<80x128xf32, #tpu.memory_space<vmem_shared>>
      tpu.wait_dma2 semaphore(%run_scoped3A : memref<!tpu.dma_semaphore, #tpu.memory_space<semaphore_mem>>) src(%arg8 : memref<80x128xf32, #tpu.memory_space<vmem>>) dst(%dma_wait3A_56 : memref<80x128xf32, #tpu.memory_space<vmem_shared>>)
      tpu.yield
    }) : () -> ()
    %mul3A_16 = arith.constant 640 : i32
    %mul3A_17 = arith.muli %arg1, %mul3A_16 : i32
    %add3A_18 = arith.constant 240 : i32
    %add3A_19 = arith.addi %mul3A_17, %add3A_18 : i32
    "tpu.region"() ({
      %run_scoped3A = tpu.sem_alloc : memref<!tpu.dma_semaphore, #tpu.memory_space<semaphore_mem>>
      %dma_start3A = arith.constant 0 : i32
      %dma_start3A_51 = tpu.memref_slice %arg12[%add3A_19, %dma_start3A] : memref<10240x128xf32, #tpu.memory_space<vmem_shared>> -> memref<80x128xf32, #tpu.memory_space<vmem_shared>>
      %dma_start3A_52 = arith.constant 0 : i32
      %dma_start3A_53 = tpu.memref_slice %arg12[%add3A_19, %dma_start3A_52] : memref<10240x128xf32, #tpu.memory_space<vmem_shared>> -> memref<80x128xf32, #tpu.memory_space<vmem_shared>>
      tpu.enqueue_dma source(%arg8 : memref<80x128xf32, #tpu.memory_space<vmem>>) target(%dma_start3A_53 : memref<80x128xf32, #tpu.memory_space<vmem_shared>>) target_semaphore(%run_scoped3A : memref<!tpu.dma_semaphore, #tpu.memory_space<semaphore_mem>>)
      %dma_wait3A = arith.constant 0 : i32
      %dma_wait3A_54 = tpu.memref_slice %arg12[%add3A_19, %dma_wait3A] : memref<10240x128xf32, #tpu.memory_space<vmem_shared>> -> memref<80x128xf32, #tpu.memory_space<vmem_shared>>
      %dma_wait3A_55 = arith.constant 0 : i32
      %dma_wait3A_56 = tpu.memref_slice %arg12[%add3A_19, %dma_wait3A_55] : memref<10240x128xf32, #tpu.memory_space<vmem_shared>> -> memref<80x128xf32, #tpu.memory_space<vmem_shared>>
      tpu.wait_dma2 semaphore(%run_scoped3A : memref<!tpu.dma_semaphore, #tpu.memory_space<semaphore_mem>>) src(%arg8 : memref<80x128xf32, #tpu.memory_space<vmem>>) dst(%dma_wait3A_56 : memref<80x128xf32, #tpu.memory_space<vmem_shared>>)
      tpu.yield
    }) : () -> ()
    %mul3A_20 = arith.constant 640 : i32
    %mul3A_21 = arith.muli %arg1, %mul3A_20 : i32
    %add3A_22 = arith.constant 320 : i32
    %add3A_23 = arith.addi %mul3A_21, %add3A_22 : i32
    "tpu.region"() ({
      %run_scoped3A = tpu.sem_alloc : memref<!tpu.dma_semaphore, #tpu.memory_space<semaphore_mem>>
      %dma_start3A = arith.constant 0 : i32
      %dma_start3A_51 = tpu.memref_slice %arg12[%add3A_23, %dma_start3A] : memref<10240x128xf32, #tpu.memory_space<vmem_shared>> -> memref<80x128xf32, #tpu.memory_space<vmem_shared>>
      %dma_start3A_52 = arith.constant 0 : i32
      %dma_start3A_53 = tpu.memref_slice %arg12[%add3A_23, %dma_start3A_52] : memref<10240x128xf32, #tpu.memory_space<vmem_shared>> -> memref<80x128xf32, #tpu.memory_space<vmem_shared>>
      tpu.enqueue_dma source(%arg8 : memref<80x128xf32, #tpu.memory_space<vmem>>) target(%dma_start3A_53 : memref<80x128xf32, #tpu.memory_space<vmem_shared>>) target_semaphore(%run_scoped3A : memref<!tpu.dma_semaphore, #tpu.memory_space<semaphore_mem>>)
      %dma_wait3A = arith.constant 0 : i32
      %dma_wait3A_54 = tpu.memref_slice %arg12[%add3A_23, %dma_wait3A] : memref<10240x128xf32, #tpu.memory_space<vmem_shared>> -> memref<80x128xf32, #tpu.memory_space<vmem_shared>>
      %dma_wait3A_55 = arith.constant 0 : i32
      %dma_wait3A_56 = tpu.memref_slice %arg12[%add3A_23, %dma_wait3A_55] : memref<10240x128xf32, #tpu.memory_space<vmem_shared>> -> memref<80x128xf32, #tpu.memory_space<vmem_shared>>
      tpu.wait_dma2 semaphore(%run_scoped3A : memref<!tpu.dma_semaphore, #tpu.memory_space<semaphore_mem>>) src(%arg8 : memref<80x128xf32, #tpu.memory_space<vmem>>) dst(%dma_wait3A_56 : memref<80x128xf32, #tpu.memory_space<vmem_shared>>)
      tpu.yield
    }) : () -> ()
    %mul3A_24 = arith.constant 640 : i32
    %mul3A_25 = arith.muli %arg1, %mul3A_24 : i32
    %add3A_26 = arith.constant 400 : i32
    %add3A_27 = arith.addi %mul3A_25, %add3A_26 : i32
    "tpu.region"() ({
      %run_scoped3A = tpu.sem_alloc : memref<!tpu.dma_semaphore, #tpu.memory_space<semaphore_mem>>
      %dma_start3A = arith.constant 0 : i32
      %dma_start3A_51 = tpu.memref_slice %arg12[%add3A_27, %dma_start3A] : memref<10240x128xf32, #tpu.memory_space<vmem_shared>> -> memref<80x128xf32, #tpu.memory_space<vmem_shared>>
      %dma_start3A_52 = arith.constant 0 : i32
      %dma_start3A_53 = tpu.memref_slice %arg12[%add3A_27, %dma_start3A_52] : memref<10240x128xf32, #tpu.memory_space<vmem_shared>> -> memref<80x128xf32, #tpu.memory_space<vmem_shared>>
      tpu.enqueue_dma source(%arg8 : memref<80x128xf32, #tpu.memory_space<vmem>>) target(%dma_start3A_53 : memref<80x128xf32, #tpu.memory_space<vmem_shared>>) target_semaphore(%run_scoped3A : memref<!tpu.dma_semaphore, #tpu.memory_space<semaphore_mem>>)
      %dma_wait3A = arith.constant 0 : i32
      %dma_wait3A_54 = tpu.memref_slice %arg12[%add3A_27, %dma_wait3A] : memref<10240x128xf32, #tpu.memory_space<vmem_shared>> -> memref<80x128xf32, #tpu.memory_space<vmem_shared>>
      %dma_wait3A_55 = arith.constant 0 : i32
      %dma_wait3A_56 = tpu.memref_slice %arg12[%add3A_27, %dma_wait3A_55] : memref<10240x128xf32, #tpu.memory_space<vmem_shared>> -> memref<80x128xf32, #tpu.memory_space<vmem_shared>>
      tpu.wait_dma2 semaphore(%run_scoped3A : memref<!tpu.dma_semaphore, #tpu.memory_space<semaphore_mem>>) src(%arg8 : memref<80x128xf32, #tpu.memory_space<vmem>>) dst(%dma_wait3A_56 : memref<80x128xf32, #tpu.memory_space<vmem_shared>>)
      tpu.yield
    }) : () -> ()
    %mul3A_28 = arith.constant 640 : i32
    %mul3A_29 = arith.muli %arg1, %mul3A_28 : i32
    %add3A_30 = arith.constant 480 : i32
    %add3A_31 = arith.addi %mul3A_29, %add3A_30 : i32
    "tpu.region"() ({
      %run_scoped3A = tpu.sem_alloc : memref<!tpu.dma_semaphore, #tpu.memory_space<semaphore_mem>>
      %dma_start3A = arith.constant 0 : i32
      %dma_start3A_51 = tpu.memref_slice %arg12[%add3A_31, %dma_start3A] : memref<10240x128xf32, #tpu.memory_space<vmem_shared>> -> memref<80x128xf32, #tpu.memory_space<vmem_shared>>
      %dma_start3A_52 = arith.constant 0 : i32
      %dma_start3A_53 = tpu.memref_slice %arg12[%add3A_31, %dma_start3A_52] : memref<10240x128xf32, #tpu.memory_space<vmem_shared>> -> memref<80x128xf32, #tpu.memory_space<vmem_shared>>
      tpu.enqueue_dma source(%arg8 : memref<80x128xf32, #tpu.memory_space<vmem>>) target(%dma_start3A_53 : memref<80x128xf32, #tpu.memory_space<vmem_shared>>) target_semaphore(%run_scoped3A : memref<!tpu.dma_semaphore, #tpu.memory_space<semaphore_mem>>)
      %dma_wait3A = arith.constant 0 : i32
      %dma_wait3A_54 = tpu.memref_slice %arg12[%add3A_31, %dma_wait3A] : memref<10240x128xf32, #tpu.memory_space<vmem_shared>> -> memref<80x128xf32, #tpu.memory_space<vmem_shared>>
      %dma_wait3A_55 = arith.constant 0 : i32
      %dma_wait3A_56 = tpu.memref_slice %arg12[%add3A_31, %dma_wait3A_55] : memref<10240x128xf32, #tpu.memory_space<vmem_shared>> -> memref<80x128xf32, #tpu.memory_space<vmem_shared>>
      tpu.wait_dma2 semaphore(%run_scoped3A : memref<!tpu.dma_semaphore, #tpu.memory_space<semaphore_mem>>) src(%arg8 : memref<80x128xf32, #tpu.memory_space<vmem>>) dst(%dma_wait3A_56 : memref<80x128xf32, #tpu.memory_space<vmem_shared>>)
      tpu.yield
    }) : () -> ()
    %mul3A_32 = arith.constant 640 : i32
    %mul3A_33 = arith.muli %arg1, %mul3A_32 : i32
    %add3A_34 = arith.constant 560 : i32
    %add3A_35 = arith.addi %mul3A_33, %add3A_34 : i32
    "tpu.region"() ({
      %run_scoped3A = tpu.sem_alloc : memref<!tpu.dma_semaphore, #tpu.memory_space<semaphore_mem>>
      %dma_start3A = arith.constant 0 : i32
      %dma_start3A_51 = tpu.memref_slice %arg12[%add3A_35, %dma_start3A] : memref<10240x128xf32, #tpu.memory_space<vmem_shared>> -> memref<80x128xf32, #tpu.memory_space<vmem_shared>>
      %dma_start3A_52 = arith.constant 0 : i32
      %dma_start3A_53 = tpu.memref_slice %arg12[%add3A_35, %dma_start3A_52] : memref<10240x128xf32, #tpu.memory_space<vmem_shared>> -> memref<80x128xf32, #tpu.memory_space<vmem_shared>>
      tpu.enqueue_dma source(%arg8 : memref<80x128xf32, #tpu.memory_space<vmem>>) target(%dma_start3A_53 : memref<80x128xf32, #tpu.memory_space<vmem_shared>>) target_semaphore(%run_scoped3A : memref<!tpu.dma_semaphore, #tpu.memory_space<semaphore_mem>>)
      %dma_wait3A = arith.constant 0 : i32
      %dma_wait3A_54 = tpu.memref_slice %arg12[%add3A_35, %dma_wait3A] : memref<10240x128xf32, #tpu.memory_space<vmem_shared>> -> memref<80x128xf32, #tpu.memory_space<vmem_shared>>
      %dma_wait3A_55 = arith.constant 0 : i32
      %dma_wait3A_56 = tpu.memref_slice %arg12[%add3A_35, %dma_wait3A_55] : memref<10240x128xf32, #tpu.memory_space<vmem_shared>> -> memref<80x128xf32, #tpu.memory_space<vmem_shared>>
      tpu.wait_dma2 semaphore(%run_scoped3A : memref<!tpu.dma_semaphore, #tpu.memory_space<semaphore_mem>>) src(%arg8 : memref<80x128xf32, #tpu.memory_space<vmem>>) dst(%dma_wait3A_56 : memref<80x128xf32, #tpu.memory_space<vmem_shared>>)
      tpu.yield
    }) : () -> ()
    %barrier3A = arith.constant 0 : index
    tpu.barrier barrier_id(%barrier3A)
    %scan3A_36 = arith.constant 0 : i32
    %scan3A_37 = arith.constant 0 : i32
    %scan3A_38 = arith.constant 5 : i32
    %scan3A_39 = arith.addi %scan3A_37, %scan3A_38 : i32
    %scan3A_40 = arith.constant 1 : i32
    %scan3A_41 = scf.for %scan3A_51 = %scan3A_37 to %scan3A_39 step %scan3A_40 iter_args(%scan3A_52 = %scan3A_36) -> (i32)  : i32 {
      "tpu.region"() ({
        %run_scoped3A = tpu.sem_alloc : memref<!tpu.dma_semaphore, #tpu.memory_space<semaphore_mem>>
        %dma_start3A_81 = arith.constant 0 : i32
        %dma_start3A_82 = arith.constant 0 : i32
        %dma_start3A_83 = tpu.memref_slice %arg3[%arg0, %arg1, %scan3A_51, %dma_start3A_81, %dma_start3A_82] : memref<2x16x5x25x80xi32, #tpu.memory_space<hbm>> -> memref<1x1x1x25x80xi32, #tpu.memory_space<hbm>>
        %dma_start3A_84 = tpu.memref_squeeze %dma_start3A_83 : memref<1x1x1x25x80xi32, #tpu.memory_space<hbm>> -> memref<25x80xi32, #tpu.memory_space<hbm>>
        %dma_start3A_85 = arith.constant 0 : i32
        %dma_start3A_86 = arith.constant 0 : i32
        %dma_start3A_87 = tpu.memref_slice %arg3[%arg0, %arg1, %scan3A_51, %dma_start3A_85, %dma_start3A_86] : memref<2x16x5x25x80xi32, #tpu.memory_space<hbm>> -> memref<1x1x1x25x80xi32, #tpu.memory_space<hbm>>
        %dma_start3A_88 = tpu.memref_squeeze %dma_start3A_87 : memref<1x1x1x25x80xi32, #tpu.memory_space<hbm>> -> memref<25x80xi32, #tpu.memory_space<hbm>>
        tpu.enqueue_dma source(%dma_start3A_88 : memref<25x80xi32, #tpu.memory_space<hbm>>) target(%arg6 : memref<25x80xi32, #tpu.memory_space<vmem>>) target_semaphore(%run_scoped3A : memref<!tpu.dma_semaphore, #tpu.memory_space<semaphore_mem>>)
        %dma_wait3A = arith.constant 0 : i32
        %dma_wait3A_89 = arith.constant 0 : i32
        %dma_wait3A_90 = tpu.memref_slice %arg3[%arg0, %arg1, %scan3A_51, %dma_wait3A, %dma_wait3A_89] : memref<2x16x5x25x80xi32, #tpu.memory_space<hbm>> -> memref<1x1x1x25x80xi32, #tpu.memory_space<hbm>>
        %dma_wait3A_91 = tpu.memref_squeeze %dma_wait3A_90 : memref<1x1x1x25x80xi32, #tpu.memory_space<hbm>> -> memref<25x80xi32, #tpu.memory_space<hbm>>
        %dma_wait3A_92 = arith.constant 0 : i32
        %dma_wait3A_93 = arith.constant 0 : i32
        %dma_wait3A_94 = tpu.memref_slice %arg3[%arg0, %arg1, %scan3A_51, %dma_wait3A_92, %dma_wait3A_93] : memref<2x16x5x25x80xi32, #tpu.memory_space<hbm>> -> memref<1x1x1x25x80xi32, #tpu.memory_space<hbm>>
        %dma_wait3A_95 = tpu.memref_squeeze %dma_wait3A_94 : memref<1x1x1x25x80xi32, #tpu.memory_space<hbm>> -> memref<25x80xi32, #tpu.memory_space<hbm>>
        tpu.wait_dma2 semaphore(%run_scoped3A : memref<!tpu.dma_semaphore, #tpu.memory_space<semaphore_mem>>) src(%dma_wait3A_95 : memref<25x80xi32, #tpu.memory_space<hbm>>) dst(%arg6 : memref<25x80xi32, #tpu.memory_space<vmem>>)
        tpu.yield
      }) : () -> ()
      "tpu.region"() ({
        %run_scoped3A = tpu.sem_alloc : memref<!tpu.dma_semaphore, #tpu.memory_space<semaphore_mem>>
        %dma_start3A_81 = arith.constant 0 : i32
        %dma_start3A_82 = arith.constant 0 : i32
        %dma_start3A_83 = tpu.memref_slice %arg4[%arg1, %scan3A_51, %dma_start3A_81, %dma_start3A_82] : memref<16x5x25x80xi32, #tpu.memory_space<hbm>> -> memref<1x1x25x80xi32, #tpu.memory_space<hbm>>
        %dma_start3A_84 = tpu.memref_squeeze %dma_start3A_83 : memref<1x1x25x80xi32, #tpu.memory_space<hbm>> -> memref<25x80xi32, #tpu.memory_space<hbm>>
        %dma_start3A_85 = arith.constant 0 : i32
        %dma_start3A_86 = arith.constant 0 : i32
        %dma_start3A_87 = tpu.memref_slice %arg4[%arg1, %scan3A_51, %dma_start3A_85, %dma_start3A_86] : memref<16x5x25x80xi32, #tpu.memory_space<hbm>> -> memref<1x1x25x80xi32, #tpu.memory_space<hbm>>
        %dma_start3A_88 = tpu.memref_squeeze %dma_start3A_87 : memref<1x1x25x80xi32, #tpu.memory_space<hbm>> -> memref<25x80xi32, #tpu.memory_space<hbm>>
        tpu.enqueue_dma source(%dma_start3A_88 : memref<25x80xi32, #tpu.memory_space<hbm>>) target(%arg7 : memref<25x80xi32, #tpu.memory_space<vmem>>) target_semaphore(%run_scoped3A : memref<!tpu.dma_semaphore, #tpu.memory_space<semaphore_mem>>)
        %dma_wait3A = arith.constant 0 : i32
        %dma_wait3A_89 = arith.constant 0 : i32
        %dma_wait3A_90 = tpu.memref_slice %arg4[%arg1, %scan3A_51, %dma_wait3A, %dma_wait3A_89] : memref<16x5x25x80xi32, #tpu.memory_space<hbm>> -> memref<1x1x25x80xi32, #tpu.memory_space<hbm>>
        %dma_wait3A_91 = tpu.memref_squeeze %dma_wait3A_90 : memref<1x1x25x80xi32, #tpu.memory_space<hbm>> -> memref<25x80xi32, #tpu.memory_space<hbm>>
        %dma_wait3A_92 = arith.constant 0 : i32
        %dma_wait3A_93 = arith.constant 0 : i32
        %dma_wait3A_94 = tpu.memref_slice %arg4[%arg1, %scan3A_51, %dma_wait3A_92, %dma_wait3A_93] : memref<16x5x25x80xi32, #tpu.memory_space<hbm>> -> memref<1x1x25x80xi32, #tpu.memory_space<hbm>>
        %dma_wait3A_95 = tpu.memref_squeeze %dma_wait3A_94 : memref<1x1x25x80xi32, #tpu.memory_space<hbm>> -> memref<25x80xi32, #tpu.memory_space<hbm>>
        tpu.wait_dma2 semaphore(%run_scoped3A : memref<!tpu.dma_semaphore, #tpu.memory_space<semaphore_mem>>) src(%dma_wait3A_95 : memref<25x80xi32, #tpu.memory_space<hbm>>) dst(%arg7 : memref<25x80xi32, #tpu.memory_space<vmem>>)
        tpu.yield
      }) : () -> ()
      %dma_start3A = arith.constant 0 : i32
      %dma_start3A_53 = arith.constant 0 : i32
      %dma_start3A_54 = tpu.memref_slice %arg6[%dma_start3A, %dma_start3A_53] : memref<25x80xi32, #tpu.memory_space<vmem>> -> memref<1x80xi32, #tpu.memory_space<vmem>>
      %dma_start3A_55 = tpu.memref_squeeze %dma_start3A_54 : memref<1x80xi32, #tpu.memory_space<vmem>> -> memref<80xi32, #tpu.memory_space<vmem>>
      %dma_start3A_56 = arith.constant 0 : i32
      %dma_start3A_57 = arith.constant 0 : i32
      %dma_start3A_58 = tpu.memref_slice %arg2[%dma_start3A_56, %dma_start3A_57] : memref<20480x128xf32, #tpu.memory_space<hbm>> -> memref<20480x128xf32, #tpu.memory_space<hbm>>
      tpu.enqueue_indirect_dma source(%dma_start3A_58 : memref<20480x128xf32, #tpu.memory_space<hbm>>) target(%arg8 : memref<80x128xf32, #tpu.memory_space<vmem>>) offsets(%dma_start3A_55 : memref<80xi32, #tpu.memory_space<vmem>>) semaphore(%arg13 : memref<!tpu.dma_semaphore, #tpu.memory_space<semaphore_mem>>)
      %dma_start3A_59 = arith.constant 1 : i32
      %dma_start3A_60 = arith.constant 0 : i32
      %dma_start3A_61 = tpu.memref_slice %arg6[%dma_start3A_59, %dma_start3A_60] : memref<25x80xi32, #tpu.memory_space<vmem>> -> memref<1x80xi32, #tpu.memory_space<vmem>>
      %dma_start3A_62 = tpu.memref_squeeze %dma_start3A_61 : memref<1x80xi32, #tpu.memory_space<vmem>> -> memref<80xi32, #tpu.memory_space<vmem>>
      %dma_start3A_63 = arith.constant 0 : i32
      %dma_start3A_64 = arith.constant 0 : i32
      %dma_start3A_65 = tpu.memref_slice %arg2[%dma_start3A_63, %dma_start3A_64] : memref<20480x128xf32, #tpu.memory_space<hbm>> -> memref<20480x128xf32, #tpu.memory_space<hbm>>
      tpu.enqueue_indirect_dma source(%dma_start3A_65 : memref<20480x128xf32, #tpu.memory_space<hbm>>) target(%arg9 : memref<80x128xf32, #tpu.memory_space<vmem>>) offsets(%dma_start3A_62 : memref<80xi32, #tpu.memory_space<vmem>>) semaphore(%arg14 : memref<!tpu.dma_semaphore, #tpu.memory_space<semaphore_mem>>)
      %dma_start3A_66 = arith.constant 2 : i32
      %dma_start3A_67 = arith.constant 0 : i32
      %dma_start3A_68 = tpu.memref_slice %arg6[%dma_start3A_66, %dma_start3A_67] : memref<25x80xi32, #tpu.memory_space<vmem>> -> memref<1x80xi32, #tpu.memory_space<vmem>>
      %dma_start3A_69 = tpu.memref_squeeze %dma_start3A_68 : memref<1x80xi32, #tpu.memory_space<vmem>> -> memref<80xi32, #tpu.memory_space<vmem>>
      %dma_start3A_70 = arith.constant 0 : i32
      %dma_start3A_71 = arith.constant 0 : i32
      %dma_start3A_72 = tpu.memref_slice %arg2[%dma_start3A_70, %dma_start3A_71] : memref<20480x128xf32, #tpu.memory_space<hbm>> -> memref<20480x128xf32, #tpu.memory_space<hbm>>
      tpu.enqueue_indirect_dma source(%dma_start3A_72 : memref<20480x128xf32, #tpu.memory_space<hbm>>) target(%arg10 : memref<80x128xf32, #tpu.memory_space<vmem>>) offsets(%dma_start3A_69 : memref<80xi32, #tpu.memory_space<vmem>>) semaphore(%arg15 : memref<!tpu.dma_semaphore, #tpu.memory_space<semaphore_mem>>)
      %scan3A_73 = arith.constant 0 : i32
      %scan3A_74 = arith.constant 0 : i32
      %scan3A_75 = arith.constant 25 : i32
      %scan3A_76 = arith.addi %scan3A_74, %scan3A_75 : i32
      %scan3A_77 = arith.constant 1 : i32
      %scan3A_78 = scf.for %scan3A_81 = %scan3A_74 to %scan3A_76 step %scan3A_77 iter_args(%scan3A_82 = %scan3A_73) -> (i32)  : i32 {
        %jit3A = arith.constant 4 : i32
        %eq3A = arith.constant 0 : i32
        %eq3A_83 = arith.cmpi eq, %jit3A, %eq3A : i32
        %jit3A_84 = arith.constant 1 : i32
        %select_n3A = arith.select %eq3A_83, %jit3A_84, %jit3A : i32
        %rem3A = arith.remsi %scan3A_81, %select_n3A : i32
        %ne3A = arith.constant 0 : i32
        %ne3A_85 = arith.cmpi ne, %rem3A, %ne3A : i32
        %lt3A = arith.constant 0 : i32
        %lt3A_86 = arith.cmpi slt, %rem3A, %lt3A : i32
        %lt3A_87 = arith.constant 0 : i32
        %lt3A_88 = arith.cmpi slt, %select_n3A, %lt3A_87 : i32
        %ne3A_89 = arith.xori %lt3A_86, %lt3A_88 : i1
        %and3A = arith.andi %ne3A_89, %ne3A_85 : i1
        %add3A_90 = arith.addi %rem3A, %select_n3A : i32
        %select_n3A_91 = arith.select %and3A, %add3A_90, %rem3A : i32
        %eq3A_92 = arith.constant 0 : i32
        %eq3A_93 = arith.cmpi eq, %select_n3A_91, %eq3A_92 : i32
        %convert_element_type3A = arith.extui %eq3A_93 : i1 to i32
        %cond3A = arith.constant 0 : i32
        %cond3A_94 = arith.cmpi ne, %convert_element_type3A, %cond3A : i32
        scf.if %cond3A_94 {
          %dma_wait3A = arith.constant 0 : i32
          %dma_wait3A_159 = tpu.memref_slice %arg6[%scan3A_81, %dma_wait3A] : memref<25x80xi32, #tpu.memory_space<vmem>> -> memref<1x80xi32, #tpu.memory_space<vmem>>
          %dma_wait3A_160 = tpu.memref_squeeze %dma_wait3A_159 : memref<1x80xi32, #tpu.memory_space<vmem>> -> memref<80xi32, #tpu.memory_space<vmem>>
          %dma_wait3A_161 = arith.constant 0 : i32
          %dma_wait3A_162 = arith.constant 0 : i32
          %dma_wait3A_163 = tpu.memref_slice %arg2[%dma_wait3A_161, %dma_wait3A_162] : memref<20480x128xf32, #tpu.memory_space<hbm>> -> memref<20480x128xf32, #tpu.memory_space<hbm>>
          tpu.wait_indirect_dma semaphore(%arg13 : memref<!tpu.dma_semaphore, #tpu.memory_space<semaphore_mem>>) src(%dma_wait3A_163 : memref<20480x128xf32, #tpu.memory_space<hbm>>) dst(%arg8 : memref<80x128xf32, #tpu.memory_space<vmem>>)
          %lt3A_164 = arith.constant 22 : i32
          %lt3A_165 = arith.cmpi slt, %scan3A_81, %lt3A_164 : i32
          %convert_element_type3A_166 = arith.extui %lt3A_165 : i1 to i32
          %cond3A_167 = arith.constant 0 : i32
          %cond3A_168 = arith.cmpi ne, %convert_element_type3A_166, %cond3A_167 : i32
          scf.if %cond3A_168 {
            %add3A_169 = arith.constant 4 : i32
            %add3A_170 = arith.addi %scan3A_81, %add3A_169 : i32
            %sub3A = arith.constant 1 : i32
            %sub3A_171 = arith.subi %add3A_170, %sub3A : i32
            %dma_start3A_172 = arith.constant 0 : i32
            %dma_start3A_173 = tpu.memref_slice %arg6[%sub3A_171, %dma_start3A_172] : memref<25x80xi32, #tpu.memory_space<vmem>> -> memref<1x80xi32, #tpu.memory_space<vmem>>
            %dma_start3A_174 = tpu.memref_squeeze %dma_start3A_173 : memref<1x80xi32, #tpu.memory_space<vmem>> -> memref<80xi32, #tpu.memory_space<vmem>>
            %dma_start3A_175 = arith.constant 0 : i32
            %dma_start3A_176 = arith.constant 0 : i32
            %dma_start3A_177 = tpu.memref_slice %arg2[%dma_start3A_175, %dma_start3A_176] : memref<20480x128xf32, #tpu.memory_space<hbm>> -> memref<20480x128xf32, #tpu.memory_space<hbm>>
            tpu.enqueue_indirect_dma source(%dma_start3A_177 : memref<20480x128xf32, #tpu.memory_space<hbm>>) target(%arg11 : memref<80x128xf32, #tpu.memory_space<vmem>>) offsets(%dma_start3A_174 : memref<80xi32, #tpu.memory_space<vmem>>) semaphore(%arg16 : memref<!tpu.dma_semaphore, #tpu.memory_space<semaphore_mem>>)
          } else {
          }
          "tpu.region"() ({
            %run_scoped3A = tpu.sem_alloc : memref<!tpu.dma_semaphore, #tpu.memory_space<semaphore_mem>>
            %dma_start3A_169 = arith.constant 0 : i32
            %dma_start3A_170 = tpu.memref_slice %arg7[%scan3A_81, %dma_start3A_169] : memref<25x80xi32, #tpu.memory_space<vmem>> -> memref<1x80xi32, #tpu.memory_space<vmem>>
            %dma_start3A_171 = tpu.memref_squeeze %dma_start3A_170 : memref<1x80xi32, #tpu.memory_space<vmem>> -> memref<80xi32, #tpu.memory_space<vmem>>
            %dma_start3A_172 = arith.constant 0 : i32
            %dma_start3A_173 = arith.constant 0 : i32
            %dma_start3A_174 = tpu.memref_slice %arg12[%dma_start3A_172, %dma_start3A_173] : memref<10240x128xf32, #tpu.memory_space<vmem_shared>> -> memref<10240x128xf32, #tpu.memory_space<vmem_shared>>
            tpu.enqueue_indirect_dma source(%arg8 : memref<80x128xf32, #tpu.memory_space<vmem>>) target(%dma_start3A_174 : memref<10240x128xf32, #tpu.memory_space<vmem_shared>>) offsets(%dma_start3A_171 : memref<80xi32, #tpu.memory_space<vmem>>) semaphore(%run_scoped3A : memref<!tpu.dma_semaphore, #tpu.memory_space<semaphore_mem>>) {add = true}
            %dma_wait3A_175 = arith.constant 0 : i32
            %dma_wait3A_176 = tpu.memref_slice %arg7[%scan3A_81, %dma_wait3A_175] : memref<25x80xi32, #tpu.memory_space<vmem>> -> memref<1x80xi32, #tpu.memory_space<vmem>>
            %dma_wait3A_177 = tpu.memref_squeeze %dma_wait3A_176 : memref<1x80xi32, #tpu.memory_space<vmem>> -> memref<80xi32, #tpu.memory_space<vmem>>
            %dma_wait3A_178 = arith.constant 0 : i32
            %dma_wait3A_179 = arith.constant 0 : i32
            %dma_wait3A_180 = tpu.memref_slice %arg12[%dma_wait3A_178, %dma_wait3A_179] : memref<10240x128xf32, #tpu.memory_space<vmem_shared>> -> memref<10240x128xf32, #tpu.memory_space<vmem_shared>>
            tpu.wait_indirect_dma semaphore(%run_scoped3A : memref<!tpu.dma_semaphore, #tpu.memory_space<semaphore_mem>>) src(%arg8 : memref<80x128xf32, #tpu.memory_space<vmem>>) dst(%dma_wait3A_180 : memref<10240x128xf32, #tpu.memory_space<vmem_shared>>)
            tpu.yield
          }) : () -> ()
        } else {
        }
        %jit3A_95 = arith.constant 4 : i32
        %eq3A_96 = arith.constant 0 : i32
        %eq3A_97 = arith.cmpi eq, %jit3A_95, %eq3A_96 : i32
        %jit3A_98 = arith.constant 1 : i32
        %select_n3A_99 = arith.select %eq3A_97, %jit3A_98, %jit3A_95 : i32
        %rem3A_100 = arith.remsi %scan3A_81, %select_n3A_99 : i32
        %ne3A_101 = arith.constant 0 : i32
        %ne3A_102 = arith.cmpi ne, %rem3A_100, %ne3A_101 : i32
        %lt3A_103 = arith.constant 0 : i32
        %lt3A_104 = arith.cmpi slt, %rem3A_100, %lt3A_103 : i32
        %lt3A_105 = arith.constant 0 : i32
        %lt3A_106 = arith.cmpi slt, %select_n3A_99, %lt3A_105 : i32
        %ne3A_107 = arith.xori %lt3A_104, %lt3A_106 : i1
        %and3A_108 = arith.andi %ne3A_107, %ne3A_102 : i1
        %add3A_109 = arith.addi %rem3A_100, %select_n3A_99 : i32
        %select_n3A_110 = arith.select %and3A_108, %add3A_109, %rem3A_100 : i32
        %eq3A_111 = arith.constant 1 : i32
        %eq3A_112 = arith.cmpi eq, %select_n3A_110, %eq3A_111 : i32
        %convert_element_type3A_113 = arith.extui %eq3A_112 : i1 to i32
        %cond3A_114 = arith.constant 0 : i32
        %cond3A_115 = arith.cmpi ne, %convert_element_type3A_113, %cond3A_114 : i32
        scf.if %cond3A_115 {
          %dma_wait3A = arith.constant 0 : i32
          %dma_wait3A_159 = tpu.memref_slice %arg6[%scan3A_81, %dma_wait3A] : memref<25x80xi32, #tpu.memory_space<vmem>> -> memref<1x80xi32, #tpu.memory_space<vmem>>
          %dma_wait3A_160 = tpu.memref_squeeze %dma_wait3A_159 : memref<1x80xi32, #tpu.memory_space<vmem>> -> memref<80xi32, #tpu.memory_space<vmem>>
          %dma_wait3A_161 = arith.constant 0 : i32
          %dma_wait3A_162 = arith.constant 0 : i32
          %dma_wait3A_163 = tpu.memref_slice %arg2[%dma_wait3A_161, %dma_wait3A_162] : memref<20480x128xf32, #tpu.memory_space<hbm>> -> memref<20480x128xf32, #tpu.memory_space<hbm>>
          tpu.wait_indirect_dma semaphore(%arg14 : memref<!tpu.dma_semaphore, #tpu.memory_space<semaphore_mem>>) src(%dma_wait3A_163 : memref<20480x128xf32, #tpu.memory_space<hbm>>) dst(%arg9 : memref<80x128xf32, #tpu.memory_space<vmem>>)
          %lt3A_164 = arith.constant 22 : i32
          %lt3A_165 = arith.cmpi slt, %scan3A_81, %lt3A_164 : i32
          %convert_element_type3A_166 = arith.extui %lt3A_165 : i1 to i32
          %cond3A_167 = arith.constant 0 : i32
          %cond3A_168 = arith.cmpi ne, %convert_element_type3A_166, %cond3A_167 : i32
          scf.if %cond3A_168 {
            %add3A_169 = arith.constant 4 : i32
            %add3A_170 = arith.addi %scan3A_81, %add3A_169 : i32
            %sub3A = arith.constant 1 : i32
            %sub3A_171 = arith.subi %add3A_170, %sub3A : i32
            %dma_start3A_172 = arith.constant 0 : i32
            %dma_start3A_173 = tpu.memref_slice %arg6[%sub3A_171, %dma_start3A_172] : memref<25x80xi32, #tpu.memory_space<vmem>> -> memref<1x80xi32, #tpu.memory_space<vmem>>
            %dma_start3A_174 = tpu.memref_squeeze %dma_start3A_173 : memref<1x80xi32, #tpu.memory_space<vmem>> -> memref<80xi32, #tpu.memory_space<vmem>>
            %dma_start3A_175 = arith.constant 0 : i32
            %dma_start3A_176 = arith.constant 0 : i32
            %dma_start3A_177 = tpu.memref_slice %arg2[%dma_start3A_175, %dma_start3A_176] : memref<20480x128xf32, #tpu.memory_space<hbm>> -> memref<20480x128xf32, #tpu.memory_space<hbm>>
            tpu.enqueue_indirect_dma source(%dma_start3A_177 : memref<20480x128xf32, #tpu.memory_space<hbm>>) target(%arg8 : memref<80x128xf32, #tpu.memory_space<vmem>>) offsets(%dma_start3A_174 : memref<80xi32, #tpu.memory_space<vmem>>) semaphore(%arg13 : memref<!tpu.dma_semaphore, #tpu.memory_space<semaphore_mem>>)
          } else {
          }
          "tpu.region"() ({
            %run_scoped3A = tpu.sem_alloc : memref<!tpu.dma_semaphore, #tpu.memory_space<semaphore_mem>>
            %dma_start3A_169 = arith.constant 0 : i32
            %dma_start3A_170 = tpu.memref_slice %arg7[%scan3A_81, %dma_start3A_169] : memref<25x80xi32, #tpu.memory_space<vmem>> -> memref<1x80xi32, #tpu.memory_space<vmem>>
            %dma_start3A_171 = tpu.memref_squeeze %dma_start3A_170 : memref<1x80xi32, #tpu.memory_space<vmem>> -> memref<80xi32, #tpu.memory_space<vmem>>
            %dma_start3A_172 = arith.constant 0 : i32
            %dma_start3A_173 = arith.constant 0 : i32
            %dma_start3A_174 = tpu.memref_slice %arg12[%dma_start3A_172, %dma_start3A_173] : memref<10240x128xf32, #tpu.memory_space<vmem_shared>> -> memref<10240x128xf32, #tpu.memory_space<vmem_shared>>
            tpu.enqueue_indirect_dma source(%arg9 : memref<80x128xf32, #tpu.memory_space<vmem>>) target(%dma_start3A_174 : memref<10240x128xf32, #tpu.memory_space<vmem_shared>>) offsets(%dma_start3A_171 : memref<80xi32, #tpu.memory_space<vmem>>) semaphore(%run_scoped3A : memref<!tpu.dma_semaphore, #tpu.memory_space<semaphore_mem>>) {add = true}
            %dma_wait3A_175 = arith.constant 0 : i32
            %dma_wait3A_176 = tpu.memref_slice %arg7[%scan3A_81, %dma_wait3A_175] : memref<25x80xi32, #tpu.memory_space<vmem>> -> memref<1x80xi32, #tpu.memory_space<vmem>>
            %dma_wait3A_177 = tpu.memref_squeeze %dma_wait3A_176 : memref<1x80xi32, #tpu.memory_space<vmem>> -> memref<80xi32, #tpu.memory_space<vmem>>
            %dma_wait3A_178 = arith.constant 0 : i32
            %dma_wait3A_179 = arith.constant 0 : i32
            %dma_wait3A_180 = tpu.memref_slice %arg12[%dma_wait3A_178, %dma_wait3A_179] : memref<10240x128xf32, #tpu.memory_space<vmem_shared>> -> memref<10240x128xf32, #tpu.memory_space<vmem_shared>>
            tpu.wait_indirect_dma semaphore(%run_scoped3A : memref<!tpu.dma_semaphore, #tpu.memory_space<semaphore_mem>>) src(%arg9 : memref<80x128xf32, #tpu.memory_space<vmem>>) dst(%dma_wait3A_180 : memref<10240x128xf32, #tpu.memory_space<vmem_shared>>)
            tpu.yield
          }) : () -> ()
        } else {
        }
        %jit3A_116 = arith.constant 4 : i32
        %eq3A_117 = arith.constant 0 : i32
        %eq3A_118 = arith.cmpi eq, %jit3A_116, %eq3A_117 : i32
        %jit3A_119 = arith.constant 1 : i32
        %select_n3A_120 = arith.select %eq3A_118, %jit3A_119, %jit3A_116 : i32
        %rem3A_121 = arith.remsi %scan3A_81, %select_n3A_120 : i32
        %ne3A_122 = arith.constant 0 : i32
        %ne3A_123 = arith.cmpi ne, %rem3A_121, %ne3A_122 : i32
        %lt3A_124 = arith.constant 0 : i32
        %lt3A_125 = arith.cmpi slt, %rem3A_121, %lt3A_124 : i32
        %lt3A_126 = arith.constant 0 : i32
        %lt3A_127 = arith.cmpi slt, %select_n3A_120, %lt3A_126 : i32
        %ne3A_128 = arith.xori %lt3A_125, %lt3A_127 : i1
        %and3A_129 = arith.andi %ne3A_128, %ne3A_123 : i1
        %add3A_130 = arith.addi %rem3A_121, %select_n3A_120 : i32
        %select_n3A_131 = arith.select %and3A_129, %add3A_130, %rem3A_121 : i32
        %eq3A_132 = arith.constant 2 : i32
        %eq3A_133 = arith.cmpi eq, %select_n3A_131, %eq3A_132 : i32
        %convert_element_type3A_134 = arith.extui %eq3A_133 : i1 to i32
        %cond3A_135 = arith.constant 0 : i32
        %cond3A_136 = arith.cmpi ne, %convert_element_type3A_134, %cond3A_135 : i32
        scf.if %cond3A_136 {
          %dma_wait3A = arith.constant 0 : i32
          %dma_wait3A_159 = tpu.memref_slice %arg6[%scan3A_81, %dma_wait3A] : memref<25x80xi32, #tpu.memory_space<vmem>> -> memref<1x80xi32, #tpu.memory_space<vmem>>
          %dma_wait3A_160 = tpu.memref_squeeze %dma_wait3A_159 : memref<1x80xi32, #tpu.memory_space<vmem>> -> memref<80xi32, #tpu.memory_space<vmem>>
          %dma_wait3A_161 = arith.constant 0 : i32
          %dma_wait3A_162 = arith.constant 0 : i32
          %dma_wait3A_163 = tpu.memref_slice %arg2[%dma_wait3A_161, %dma_wait3A_162] : memref<20480x128xf32, #tpu.memory_space<hbm>> -> memref<20480x128xf32, #tpu.memory_space<hbm>>
          tpu.wait_indirect_dma semaphore(%arg15 : memref<!tpu.dma_semaphore, #tpu.memory_space<semaphore_mem>>) src(%dma_wait3A_163 : memref<20480x128xf32, #tpu.memory_space<hbm>>) dst(%arg10 : memref<80x128xf32, #tpu.memory_space<vmem>>)
          %lt3A_164 = arith.constant 22 : i32
          %lt3A_165 = arith.cmpi slt, %scan3A_81, %lt3A_164 : i32
          %convert_element_type3A_166 = arith.extui %lt3A_165 : i1 to i32
          %cond3A_167 = arith.constant 0 : i32
          %cond3A_168 = arith.cmpi ne, %convert_element_type3A_166, %cond3A_167 : i32
          scf.if %cond3A_168 {
            %add3A_169 = arith.constant 4 : i32
            %add3A_170 = arith.addi %scan3A_81, %add3A_169 : i32
            %sub3A = arith.constant 1 : i32
            %sub3A_171 = arith.subi %add3A_170, %sub3A : i32
            %dma_start3A_172 = arith.constant 0 : i32
            %dma_start3A_173 = tpu.memref_slice %arg6[%sub3A_171, %dma_start3A_172] : memref<25x80xi32, #tpu.memory_space<vmem>> -> memref<1x80xi32, #tpu.memory_space<vmem>>
            %dma_start3A_174 = tpu.memref_squeeze %dma_start3A_173 : memref<1x80xi32, #tpu.memory_space<vmem>> -> memref<80xi32, #tpu.memory_space<vmem>>
            %dma_start3A_175 = arith.constant 0 : i32
            %dma_start3A_176 = arith.constant 0 : i32
            %dma_start3A_177 = tpu.memref_slice %arg2[%dma_start3A_175, %dma_start3A_176] : memref<20480x128xf32, #tpu.memory_space<hbm>> -> memref<20480x128xf32, #tpu.memory_space<hbm>>
            tpu.enqueue_indirect_dma source(%dma_start3A_177 : memref<20480x128xf32, #tpu.memory_space<hbm>>) target(%arg9 : memref<80x128xf32, #tpu.memory_space<vmem>>) offsets(%dma_start3A_174 : memref<80xi32, #tpu.memory_space<vmem>>) semaphore(%arg14 : memref<!tpu.dma_semaphore, #tpu.memory_space<semaphore_mem>>)
          } else {
          }
          "tpu.region"() ({
            %run_scoped3A = tpu.sem_alloc : memref<!tpu.dma_semaphore, #tpu.memory_space<semaphore_mem>>
            %dma_start3A_169 = arith.constant 0 : i32
            %dma_start3A_170 = tpu.memref_slice %arg7[%scan3A_81, %dma_start3A_169] : memref<25x80xi32, #tpu.memory_space<vmem>> -> memref<1x80xi32, #tpu.memory_space<vmem>>
            %dma_start3A_171 = tpu.memref_squeeze %dma_start3A_170 : memref<1x80xi32, #tpu.memory_space<vmem>> -> memref<80xi32, #tpu.memory_space<vmem>>
            %dma_start3A_172 = arith.constant 0 : i32
            %dma_start3A_173 = arith.constant 0 : i32
            %dma_start3A_174 = tpu.memref_slice %arg12[%dma_start3A_172, %dma_start3A_173] : memref<10240x128xf32, #tpu.memory_space<vmem_shared>> -> memref<10240x128xf32, #tpu.memory_space<vmem_shared>>
            tpu.enqueue_indirect_dma source(%arg10 : memref<80x128xf32, #tpu.memory_space<vmem>>) target(%dma_start3A_174 : memref<10240x128xf32, #tpu.memory_space<vmem_shared>>) offsets(%dma_start3A_171 : memref<80xi32, #tpu.memory_space<vmem>>) semaphore(%run_scoped3A : memref<!tpu.dma_semaphore, #tpu.memory_space<semaphore_mem>>) {add = true}
            %dma_wait3A_175 = arith.constant 0 : i32
            %dma_wait3A_176 = tpu.memref_slice %arg7[%scan3A_81, %dma_wait3A_175] : memref<25x80xi32, #tpu.memory_space<vmem>> -> memref<1x80xi32, #tpu.memory_space<vmem>>
            %dma_wait3A_177 = tpu.memref_squeeze %dma_wait3A_176 : memref<1x80xi32, #tpu.memory_space<vmem>> -> memref<80xi32, #tpu.memory_space<vmem>>
            %dma_wait3A_178 = arith.constant 0 : i32
            %dma_wait3A_179 = arith.constant 0 : i32
            %dma_wait3A_180 = tpu.memref_slice %arg12[%dma_wait3A_178, %dma_wait3A_179] : memref<10240x128xf32, #tpu.memory_space<vmem_shared>> -> memref<10240x128xf32, #tpu.memory_space<vmem_shared>>
            tpu.wait_indirect_dma semaphore(%run_scoped3A : memref<!tpu.dma_semaphore, #tpu.memory_space<semaphore_mem>>) src(%arg10 : memref<80x128xf32, #tpu.memory_space<vmem>>) dst(%dma_wait3A_180 : memref<10240x128xf32, #tpu.memory_space<vmem_shared>>)
            tpu.yield
          }) : () -> ()
        } else {
        }
        %jit3A_137 = arith.constant 4 : i32
        %eq3A_138 = arith.constant 0 : i32
        %eq3A_139 = arith.cmpi eq, %jit3A_137, %eq3A_138 : i32
        %jit3A_140 = arith.constant 1 : i32
        %select_n3A_141 = arith.select %eq3A_139, %jit3A_140, %jit3A_137 : i32
        %rem3A_142 = arith.remsi %scan3A_81, %select_n3A_141 : i32
        %ne3A_143 = arith.constant 0 : i32
        %ne3A_144 = arith.cmpi ne, %rem3A_142, %ne3A_143 : i32
        %lt3A_145 = arith.constant 0 : i32
        %lt3A_146 = arith.cmpi slt, %rem3A_142, %lt3A_145 : i32
        %lt3A_147 = arith.constant 0 : i32
        %lt3A_148 = arith.cmpi slt, %select_n3A_141, %lt3A_147 : i32
        %ne3A_149 = arith.xori %lt3A_146, %lt3A_148 : i1
        %and3A_150 = arith.andi %ne3A_149, %ne3A_144 : i1
        %add3A_151 = arith.addi %rem3A_142, %select_n3A_141 : i32
        %select_n3A_152 = arith.select %and3A_150, %add3A_151, %rem3A_142 : i32
        %eq3A_153 = arith.constant 3 : i32
        %eq3A_154 = arith.cmpi eq, %select_n3A_152, %eq3A_153 : i32
        %convert_element_type3A_155 = arith.extui %eq3A_154 : i1 to i32
        %cond3A_156 = arith.constant 0 : i32
        %cond3A_157 = arith.cmpi ne, %convert_element_type3A_155, %cond3A_156 : i32
        scf.if %cond3A_157 {
          %dma_wait3A = arith.constant 0 : i32
          %dma_wait3A_159 = tpu.memref_slice %arg6[%scan3A_81, %dma_wait3A] : memref<25x80xi32, #tpu.memory_space<vmem>> -> memref<1x80xi32, #tpu.memory_space<vmem>>
          %dma_wait3A_160 = tpu.memref_squeeze %dma_wait3A_159 : memref<1x80xi32, #tpu.memory_space<vmem>> -> memref<80xi32, #tpu.memory_space<vmem>>
          %dma_wait3A_161 = arith.constant 0 : i32
          %dma_wait3A_162 = arith.constant 0 : i32
          %dma_wait3A_163 = tpu.memref_slice %arg2[%dma_wait3A_161, %dma_wait3A_162] : memref<20480x128xf32, #tpu.memory_space<hbm>> -> memref<20480x128xf32, #tpu.memory_space<hbm>>
          tpu.wait_indirect_dma semaphore(%arg16 : memref<!tpu.dma_semaphore, #tpu.memory_space<semaphore_mem>>) src(%dma_wait3A_163 : memref<20480x128xf32, #tpu.memory_space<hbm>>) dst(%arg11 : memref<80x128xf32, #tpu.memory_space<vmem>>)
          %lt3A_164 = arith.constant 22 : i32
          %lt3A_165 = arith.cmpi slt, %scan3A_81, %lt3A_164 : i32
          %convert_element_type3A_166 = arith.extui %lt3A_165 : i1 to i32
          %cond3A_167 = arith.constant 0 : i32
          %cond3A_168 = arith.cmpi ne, %convert_element_type3A_166, %cond3A_167 : i32
          scf.if %cond3A_168 {
            %add3A_169 = arith.constant 4 : i32
            %add3A_170 = arith.addi %scan3A_81, %add3A_169 : i32
            %sub3A = arith.constant 1 : i32
            %sub3A_171 = arith.subi %add3A_170, %sub3A : i32
            %dma_start3A_172 = arith.constant 0 : i32
            %dma_start3A_173 = tpu.memref_slice %arg6[%sub3A_171, %dma_start3A_172] : memref<25x80xi32, #tpu.memory_space<vmem>> -> memref<1x80xi32, #tpu.memory_space<vmem>>
            %dma_start3A_174 = tpu.memref_squeeze %dma_start3A_173 : memref<1x80xi32, #tpu.memory_space<vmem>> -> memref<80xi32, #tpu.memory_space<vmem>>
            %dma_start3A_175 = arith.constant 0 : i32
            %dma_start3A_176 = arith.constant 0 : i32
            %dma_start3A_177 = tpu.memref_slice %arg2[%dma_start3A_175, %dma_start3A_176] : memref<20480x128xf32, #tpu.memory_space<hbm>> -> memref<20480x128xf32, #tpu.memory_space<hbm>>
            tpu.enqueue_indirect_dma source(%dma_start3A_177 : memref<20480x128xf32, #tpu.memory_space<hbm>>) target(%arg10 : memref<80x128xf32, #tpu.memory_space<vmem>>) offsets(%dma_start3A_174 : memref<80xi32, #tpu.memory_space<vmem>>) semaphore(%arg15 : memref<!tpu.dma_semaphore, #tpu.memory_space<semaphore_mem>>)
          } else {
          }
          "tpu.region"() ({
            %run_scoped3A = tpu.sem_alloc : memref<!tpu.dma_semaphore, #tpu.memory_space<semaphore_mem>>
            %dma_start3A_169 = arith.constant 0 : i32
            %dma_start3A_170 = tpu.memref_slice %arg7[%scan3A_81, %dma_start3A_169] : memref<25x80xi32, #tpu.memory_space<vmem>> -> memref<1x80xi32, #tpu.memory_space<vmem>>
            %dma_start3A_171 = tpu.memref_squeeze %dma_start3A_170 : memref<1x80xi32, #tpu.memory_space<vmem>> -> memref<80xi32, #tpu.memory_space<vmem>>
            %dma_start3A_172 = arith.constant 0 : i32
            %dma_start3A_173 = arith.constant 0 : i32
            %dma_start3A_174 = tpu.memref_slice %arg12[%dma_start3A_172, %dma_start3A_173] : memref<10240x128xf32, #tpu.memory_space<vmem_shared>> -> memref<10240x128xf32, #tpu.memory_space<vmem_shared>>
            tpu.enqueue_indirect_dma source(%arg11 : memref<80x128xf32, #tpu.memory_space<vmem>>) target(%dma_start3A_174 : memref<10240x128xf32, #tpu.memory_space<vmem_shared>>) offsets(%dma_start3A_171 : memref<80xi32, #tpu.memory_space<vmem>>) semaphore(%run_scoped3A : memref<!tpu.dma_semaphore, #tpu.memory_space<semaphore_mem>>) {add = true}
            %dma_wait3A_175 = arith.constant 0 : i32
            %dma_wait3A_176 = tpu.memref_slice %arg7[%scan3A_81, %dma_wait3A_175] : memref<25x80xi32, #tpu.memory_space<vmem>> -> memref<1x80xi32, #tpu.memory_space<vmem>>
            %dma_wait3A_177 = tpu.memref_squeeze %dma_wait3A_176 : memref<1x80xi32, #tpu.memory_space<vmem>> -> memref<80xi32, #tpu.memory_space<vmem>>
            %dma_wait3A_178 = arith.constant 0 : i32
            %dma_wait3A_179 = arith.constant 0 : i32
            %dma_wait3A_180 = tpu.memref_slice %arg12[%dma_wait3A_178, %dma_wait3A_179] : memref<10240x128xf32, #tpu.memory_space<vmem_shared>> -> memref<10240x128xf32, #tpu.memory_space<vmem_shared>>
            tpu.wait_indirect_dma semaphore(%run_scoped3A : memref<!tpu.dma_semaphore, #tpu.memory_space<semaphore_mem>>) src(%arg11 : memref<80x128xf32, #tpu.memory_space<vmem>>) dst(%dma_wait3A_180 : memref<10240x128xf32, #tpu.memory_space<vmem_shared>>)
            tpu.yield
          }) : () -> ()
        } else {
        }
        %scan3A_158 = arith.constant 0 : i32
        scf.yield %scan3A_158 : i32
      }
      %scan3A_79 = arith.constant 25 : i32
      %scan3A_80 = arith.constant 0 : i32
      scf.yield %scan3A_80 : i32
    }
    %scan3A_42 = arith.constant 5 : i32
    %barrier3A_43 = arith.constant 0 : index
    tpu.barrier barrier_id(%barrier3A_43)
    %mul3A_44 = arith.constant 640 : i32
    %mul3A_45 = arith.muli %arg1, %mul3A_44 : i32
    %mul3A_46 = arith.constant 10240 : i32
    %mul3A_47 = arith.muli %arg0, %mul3A_46 : i32
    %mul3A_48 = arith.constant 640 : i32
    %mul3A_49 = arith.muli %arg1, %mul3A_48 : i32
    %add3A_50 = arith.addi %mul3A_47, %mul3A_49 : i32
    "tpu.region"() ({
      %run_scoped3A = tpu.sem_alloc : memref<!tpu.dma_semaphore, #tpu.memory_space<semaphore_mem>>
      %dma_start3A = arith.constant 0 : i32
      %dma_start3A_51 = tpu.memref_slice %arg5[%add3A_50, %dma_start3A] : memref<20480x128xf32, #tpu.memory_space<hbm>> -> memref<640x128xf32, #tpu.memory_space<hbm>>
      %dma_start3A_52 = arith.constant 0 : i32
      %dma_start3A_53 = tpu.memref_slice %arg12[%mul3A_45, %dma_start3A_52] : memref<10240x128xf32, #tpu.memory_space<vmem_shared>> -> memref<640x128xf32, #tpu.memory_space<vmem_shared>>
      tpu.enqueue_dma source(%dma_start3A_53 : memref<640x128xf32, #tpu.memory_space<vmem_shared>>) target(%dma_start3A_51 : memref<640x128xf32, #tpu.memory_space<hbm>>) target_semaphore(%run_scoped3A : memref<!tpu.dma_semaphore, #tpu.memory_space<semaphore_mem>>)
      %dma_wait3A = arith.constant 0 : i32
      %dma_wait3A_54 = tpu.memref_slice %arg5[%add3A_50, %dma_wait3A] : memref<20480x128xf32, #tpu.memory_space<hbm>> -> memref<640x128xf32, #tpu.memory_space<hbm>>
      %dma_wait3A_55 = arith.constant 0 : i32
      %dma_wait3A_56 = tpu.memref_slice %arg12[%mul3A_45, %dma_wait3A_55] : memref<10240x128xf32, #tpu.memory_space<vmem_shared>> -> memref<640x128xf32, #tpu.memory_space<vmem_shared>>
      tpu.wait_dma2 semaphore(%run_scoped3A : memref<!tpu.dma_semaphore, #tpu.memory_space<semaphore_mem>>) src(%dma_wait3A_56 : memref<640x128xf32, #tpu.memory_space<vmem_shared>>) dst(%dma_wait3A_54 : memref<640x128xf32, #tpu.memory_space<hbm>>)
      tpu.yield
    }) : () -> ()
    return
  }
}

#map = affine_map<(d0, d1) -> (0, 0, 0, 0)>
#map1 = affine_map<(d0, d1) -> (0)>
module attributes {stable_mosaic.version = 14 : i64} {
  func.func @_deg_body(%arg0: i32, %arg1: i32, %arg2: memref<32x5x25x40xi32, #tpu.memory_space<hbm>>, %arg3: memref<20480xf32, #tpu.memory_space<hbm>>, %arg4: memref<25x40xi32, #tpu.memory_space<vmem>>, %arg5: memref<48xf32, #tpu.memory_space<vmem>>, %arg6: memref<640xf32, #tpu.memory_space<vmem>>, %arg7: memref<10240xf32, #tpu.memory_space<vmem_shared>>) attributes {dimension_semantics = [#tpu.dimension_semantics<core_parallel>, #tpu.dimension_semantics<subcore_parallel>], iteration_bounds = array<i64: 2, 16>, scalar_prefetch = 0 : i64, scratch_operands = 4 : i64, tpu.core_type = #tpu.core_type<sc_vector_subcore>, window_params = [{transform_indices = #map}, {transform_indices = #map1}]} {
    %mul3A = arith.constant 16 : i32
    %mul3A_0 = arith.muli %arg0, %mul3A : i32
    %add3A = arith.addi %mul3A_0, %arg1 : i32
    %broadcast_in_dim3A = arith.constant 0.000000e+00 : f32
    %broadcast_in_dim3A_1 = vector.broadcast %broadcast_in_dim3A : f32 to vector<16xf32>
    %swap3A = arith.constant 0 : index
    %swap3A_2 = tpu.vector_load %arg6[%swap3A] {strides = array<i32>} : memref<640xf32, #tpu.memory_space<vmem>>, vector<16xf32>,
    %swap3A_3 = vector.shape_cast %swap3A_2 : vector<16xf32> to vector<16xf32>
    %swap3A_4 = vector.shape_cast %broadcast_in_dim3A_1 : vector<16xf32> to vector<16xf32>
    tpu.vector_store %arg6[%swap3A], %swap3A_4 {strides = array<i32>} : memref<640xf32, #tpu.memory_space<vmem>>, vector<16xf32>,
    %broadcast_in_dim3A_5 = arith.constant 0.000000e+00 : f32
    %broadcast_in_dim3A_6 = vector.broadcast %broadcast_in_dim3A_5 : f32 to vector<16xf32>
    %swap3A_7 = arith.constant 16 : index
    %swap3A_8 = tpu.vector_load %arg6[%swap3A_7] {strides = array<i32>} : memref<640xf32, #tpu.memory_space<vmem>>, vector<16xf32>,
    %swap3A_9 = vector.shape_cast %swap3A_8 : vector<16xf32> to vector<16xf32>
    %swap3A_10 = vector.shape_cast %broadcast_in_dim3A_6 : vector<16xf32> to vector<16xf32>
    tpu.vector_store %arg6[%swap3A_7], %swap3A_10 {strides = array<i32>} : memref<640xf32, #tpu.memory_space<vmem>>, vector<16xf32>,
    %broadcast_in_dim3A_11 = arith.constant 0.000000e+00 : f32
    %broadcast_in_dim3A_12 = vector.broadcast %broadcast_in_dim3A_11 : f32 to vector<16xf32>
    %swap3A_13 = arith.constant 32 : index
    %swap3A_14 = tpu.vector_load %arg6[%swap3A_13] {strides = array<i32>} : memref<640xf32, #tpu.memory_space<vmem>>, vector<16xf32>,
    %swap3A_15 = vector.shape_cast %swap3A_14 : vector<16xf32> to vector<16xf32>
    %swap3A_16 = vector.shape_cast %broadcast_in_dim3A_12 : vector<16xf32> to vector<16xf32>
    tpu.vector_store %arg6[%swap3A_13], %swap3A_16 {strides = array<i32>} : memref<640xf32, #tpu.memory_space<vmem>>, vector<16xf32>,
    %broadcast_in_dim3A_17 = arith.constant 0.000000e+00 : f32
    %broadcast_in_dim3A_18 = vector.broadcast %broadcast_in_dim3A_17 : f32 to vector<16xf32>
    %swap3A_19 = arith.constant 48 : index
    %swap3A_20 = tpu.vector_load %arg6[%swap3A_19] {strides = array<i32>} : memref<640xf32, #tpu.memory_space<vmem>>, vector<16xf32>,
    %swap3A_21 = vector.shape_cast %swap3A_20 : vector<16xf32> to vector<16xf32>
    %swap3A_22 = vector.shape_cast %broadcast_in_dim3A_18 : vector<16xf32> to vector<16xf32>
    tpu.vector_store %arg6[%swap3A_19], %swap3A_22 {strides = array<i32>} : memref<640xf32, #tpu.memory_space<vmem>>, vector<16xf32>,
    %broadcast_in_dim3A_23 = arith.constant 0.000000e+00 : f32
    %broadcast_in_dim3A_24 = vector.broadcast %broadcast_in_dim3A_23 : f32 to vector<16xf32>
    %swap3A_25 = arith.constant 64 : index
    %swap3A_26 = tpu.vector_load %arg6[%swap3A_25] {strides = array<i32>} : memref<640xf32, #tpu.memory_space<vmem>>, vector<16xf32>,
    %swap3A_27 = vector.shape_cast %swap3A_26 : vector<16xf32> to vector<16xf32>
    %swap3A_28 = vector.shape_cast %broadcast_in_dim3A_24 : vector<16xf32> to vector<16xf32>
    tpu.vector_store %arg6[%swap3A_25], %swap3A_28 {strides = array<i32>} : memref<640xf32, #tpu.memory_space<vmem>>, vector<16xf32>,
    %broadcast_in_dim3A_29 = arith.constant 0.000000e+00 : f32
    %broadcast_in_dim3A_30 = vector.broadcast %broadcast_in_dim3A_29 : f32 to vector<16xf32>
    %swap3A_31 = arith.constant 80 : index
    %swap3A_32 = tpu.vector_load %arg6[%swap3A_31] {strides = array<i32>} : memref<640xf32, #tpu.memory_space<vmem>>, vector<16xf32>,
    %swap3A_33 = vector.shape_cast %swap3A_32 : vector<16xf32> to vector<16xf32>
    %swap3A_34 = vector.shape_cast %broadcast_in_dim3A_30 : vector<16xf32> to vector<16xf32>
    tpu.vector_store %arg6[%swap3A_31], %swap3A_34 {strides = array<i32>} : memref<640xf32, #tpu.memory_space<vmem>>, vector<16xf32>,
    %broadcast_in_dim3A_35 = arith.constant 0.000000e+00 : f32
    %broadcast_in_dim3A_36 = vector.broadcast %broadcast_in_dim3A_35 : f32 to vector<16xf32>
    %swap3A_37 = arith.constant 96 : index
    %swap3A_38 = tpu.vector_load %arg6[%swap3A_37] {strides = array<i32>} : memref<640xf32, #tpu.memory_space<vmem>>, vector<16xf32>,
    %swap3A_39 = vector.shape_cast %swap3A_38 : vector<16xf32> to vector<16xf32>
    %swap3A_40 = vector.shape_cast %broadcast_in_dim3A_36 : vector<16xf32> to vector<16xf32>
    tpu.vector_store %arg6[%swap3A_37], %swap3A_40 {strides = array<i32>} : memref<640xf32, #tpu.memory_space<vmem>>, vector<16xf32>,
    %broadcast_in_dim3A_41 = arith.constant 0.000000e+00 : f32
    %broadcast_in_dim3A_42 = vector.broadcast %broadcast_in_dim3A_41 : f32 to vector<16xf32>
    %swap3A_43 = arith.constant 112 : index
    %swap3A_44 = tpu.vector_load %arg6[%swap3A_43] {strides = array<i32>} : memref<640xf32, #tpu.memory_space<vmem>>, vector<16xf32>,
    %swap3A_45 = vector.shape_cast %swap3A_44 : vector<16xf32> to vector<16xf32>
    %swap3A_46 = vector.shape_cast %broadcast_in_dim3A_42 : vector<16xf32> to vector<16xf32>
    tpu.vector_store %arg6[%swap3A_43], %swap3A_46 {strides = array<i32>} : memref<640xf32, #tpu.memory_space<vmem>>, vector<16xf32>,
    %broadcast_in_dim3A_47 = arith.constant 0.000000e+00 : f32
    %broadcast_in_dim3A_48 = vector.broadcast %broadcast_in_dim3A_47 : f32 to vector<16xf32>
    %swap3A_49 = arith.constant 128 : index
    %swap3A_50 = tpu.vector_load %arg6[%swap3A_49] {strides = array<i32>} : memref<640xf32, #tpu.memory_space<vmem>>, vector<16xf32>,
    %swap3A_51 = vector.shape_cast %swap3A_50 : vector<16xf32> to vector<16xf32>
    %swap3A_52 = vector.shape_cast %broadcast_in_dim3A_48 : vector<16xf32> to vector<16xf32>
    tpu.vector_store %arg6[%swap3A_49], %swap3A_52 {strides = array<i32>} : memref<640xf32, #tpu.memory_space<vmem>>, vector<16xf32>,
    %broadcast_in_dim3A_53 = arith.constant 0.000000e+00 : f32
    %broadcast_in_dim3A_54 = vector.broadcast %broadcast_in_dim3A_53 : f32 to vector<16xf32>
    %swap3A_55 = arith.constant 144 : index
    %swap3A_56 = tpu.vector_load %arg6[%swap3A_55] {strides = array<i32>} : memref<640xf32, #tpu.memory_space<vmem>>, vector<16xf32>,
    %swap3A_57 = vector.shape_cast %swap3A_56 : vector<16xf32> to vector<16xf32>
    %swap3A_58 = vector.shape_cast %broadcast_in_dim3A_54 : vector<16xf32> to vector<16xf32>
    tpu.vector_store %arg6[%swap3A_55], %swap3A_58 {strides = array<i32>} : memref<640xf32, #tpu.memory_space<vmem>>, vector<16xf32>,
    %broadcast_in_dim3A_59 = arith.constant 0.000000e+00 : f32
    %broadcast_in_dim3A_60 = vector.broadcast %broadcast_in_dim3A_59 : f32 to vector<16xf32>
    %swap3A_61 = arith.constant 160 : index
    %swap3A_62 = tpu.vector_load %arg6[%swap3A_61] {strides = array<i32>} : memref<640xf32, #tpu.memory_space<vmem>>, vector<16xf32>,
    %swap3A_63 = vector.shape_cast %swap3A_62 : vector<16xf32> to vector<16xf32>
    %swap3A_64 = vector.shape_cast %broadcast_in_dim3A_60 : vector<16xf32> to vector<16xf32>
    tpu.vector_store %arg6[%swap3A_61], %swap3A_64 {strides = array<i32>} : memref<640xf32, #tpu.memory_space<vmem>>, vector<16xf32>,
    %broadcast_in_dim3A_65 = arith.constant 0.000000e+00 : f32
    %broadcast_in_dim3A_66 = vector.broadcast %broadcast_in_dim3A_65 : f32 to vector<16xf32>
    %swap3A_67 = arith.constant 176 : index
    %swap3A_68 = tpu.vector_load %arg6[%swap3A_67] {strides = array<i32>} : memref<640xf32, #tpu.memory_space<vmem>>, vector<16xf32>,
    %swap3A_69 = vector.shape_cast %swap3A_68 : vector<16xf32> to vector<16xf32>
    %swap3A_70 = vector.shape_cast %broadcast_in_dim3A_66 : vector<16xf32> to vector<16xf32>
    tpu.vector_store %arg6[%swap3A_67], %swap3A_70 {strides = array<i32>} : memref<640xf32, #tpu.memory_space<vmem>>, vector<16xf32>,
    %broadcast_in_dim3A_71 = arith.constant 0.000000e+00 : f32
    %broadcast_in_dim3A_72 = vector.broadcast %broadcast_in_dim3A_71 : f32 to vector<16xf32>
    %swap3A_73 = arith.constant 192 : index
    %swap3A_74 = tpu.vector_load %arg6[%swap3A_73] {strides = array<i32>} : memref<640xf32, #tpu.memory_space<vmem>>, vector<16xf32>,
    %swap3A_75 = vector.shape_cast %swap3A_74 : vector<16xf32> to vector<16xf32>
    %swap3A_76 = vector.shape_cast %broadcast_in_dim3A_72 : vector<16xf32> to vector<16xf32>
    tpu.vector_store %arg6[%swap3A_73], %swap3A_76 {strides = array<i32>} : memref<640xf32, #tpu.memory_space<vmem>>, vector<16xf32>,
    %broadcast_in_dim3A_77 = arith.constant 0.000000e+00 : f32
    %broadcast_in_dim3A_78 = vector.broadcast %broadcast_in_dim3A_77 : f32 to vector<16xf32>
    %swap3A_79 = arith.constant 208 : index
    %swap3A_80 = tpu.vector_load %arg6[%swap3A_79] {strides = array<i32>} : memref<640xf32, #tpu.memory_space<vmem>>, vector<16xf32>,
    %swap3A_81 = vector.shape_cast %swap3A_80 : vector<16xf32> to vector<16xf32>
    %swap3A_82 = vector.shape_cast %broadcast_in_dim3A_78 : vector<16xf32> to vector<16xf32>
    tpu.vector_store %arg6[%swap3A_79], %swap3A_82 {strides = array<i32>} : memref<640xf32, #tpu.memory_space<vmem>>, vector<16xf32>,
    %broadcast_in_dim3A_83 = arith.constant 0.000000e+00 : f32
    %broadcast_in_dim3A_84 = vector.broadcast %broadcast_in_dim3A_83 : f32 to vector<16xf32>
    %swap3A_85 = arith.constant 224 : index
    %swap3A_86 = tpu.vector_load %arg6[%swap3A_85] {strides = array<i32>} : memref<640xf32, #tpu.memory_space<vmem>>, vector<16xf32>,
    %swap3A_87 = vector.shape_cast %swap3A_86 : vector<16xf32> to vector<16xf32>
    %swap3A_88 = vector.shape_cast %broadcast_in_dim3A_84 : vector<16xf32> to vector<16xf32>
    tpu.vector_store %arg6[%swap3A_85], %swap3A_88 {strides = array<i32>} : memref<640xf32, #tpu.memory_space<vmem>>, vector<16xf32>,
    %broadcast_in_dim3A_89 = arith.constant 0.000000e+00 : f32
    %broadcast_in_dim3A_90 = vector.broadcast %broadcast_in_dim3A_89 : f32 to vector<16xf32>
    %swap3A_91 = arith.constant 240 : index
    %swap3A_92 = tpu.vector_load %arg6[%swap3A_91] {strides = array<i32>} : memref<640xf32, #tpu.memory_space<vmem>>, vector<16xf32>,
    %swap3A_93 = vector.shape_cast %swap3A_92 : vector<16xf32> to vector<16xf32>
    %swap3A_94 = vector.shape_cast %broadcast_in_dim3A_90 : vector<16xf32> to vector<16xf32>
    tpu.vector_store %arg6[%swap3A_91], %swap3A_94 {strides = array<i32>} : memref<640xf32, #tpu.memory_space<vmem>>, vector<16xf32>,
    %broadcast_in_dim3A_95 = arith.constant 0.000000e+00 : f32
    %broadcast_in_dim3A_96 = vector.broadcast %broadcast_in_dim3A_95 : f32 to vector<16xf32>
    %swap3A_97 = arith.constant 256 : index
    %swap3A_98 = tpu.vector_load %arg6[%swap3A_97] {strides = array<i32>} : memref<640xf32, #tpu.memory_space<vmem>>, vector<16xf32>,
    %swap3A_99 = vector.shape_cast %swap3A_98 : vector<16xf32> to vector<16xf32>
    %swap3A_100 = vector.shape_cast %broadcast_in_dim3A_96 : vector<16xf32> to vector<16xf32>
    tpu.vector_store %arg6[%swap3A_97], %swap3A_100 {strides = array<i32>} : memref<640xf32, #tpu.memory_space<vmem>>, vector<16xf32>,
    %broadcast_in_dim3A_101 = arith.constant 0.000000e+00 : f32
    %broadcast_in_dim3A_102 = vector.broadcast %broadcast_in_dim3A_101 : f32 to vector<16xf32>
    %swap3A_103 = arith.constant 272 : index
    %swap3A_104 = tpu.vector_load %arg6[%swap3A_103] {strides = array<i32>} : memref<640xf32, #tpu.memory_space<vmem>>, vector<16xf32>,
    %swap3A_105 = vector.shape_cast %swap3A_104 : vector<16xf32> to vector<16xf32>
    %swap3A_106 = vector.shape_cast %broadcast_in_dim3A_102 : vector<16xf32> to vector<16xf32>
    tpu.vector_store %arg6[%swap3A_103], %swap3A_106 {strides = array<i32>} : memref<640xf32, #tpu.memory_space<vmem>>, vector<16xf32>,
    %broadcast_in_dim3A_107 = arith.constant 0.000000e+00 : f32
    %broadcast_in_dim3A_108 = vector.broadcast %broadcast_in_dim3A_107 : f32 to vector<16xf32>
    %swap3A_109 = arith.constant 288 : index
    %swap3A_110 = tpu.vector_load %arg6[%swap3A_109] {strides = array<i32>} : memref<640xf32, #tpu.memory_space<vmem>>, vector<16xf32>,
    %swap3A_111 = vector.shape_cast %swap3A_110 : vector<16xf32> to vector<16xf32>
    %swap3A_112 = vector.shape_cast %broadcast_in_dim3A_108 : vector<16xf32> to vector<16xf32>
    tpu.vector_store %arg6[%swap3A_109], %swap3A_112 {strides = array<i32>} : memref<640xf32, #tpu.memory_space<vmem>>, vector<16xf32>,
    %broadcast_in_dim3A_113 = arith.constant 0.000000e+00 : f32
    %broadcast_in_dim3A_114 = vector.broadcast %broadcast_in_dim3A_113 : f32 to vector<16xf32>
    %swap3A_115 = arith.constant 304 : index
    %swap3A_116 = tpu.vector_load %arg6[%swap3A_115] {strides = array<i32>} : memref<640xf32, #tpu.memory_space<vmem>>, vector<16xf32>,
    %swap3A_117 = vector.shape_cast %swap3A_116 : vector<16xf32> to vector<16xf32>
    %swap3A_118 = vector.shape_cast %broadcast_in_dim3A_114 : vector<16xf32> to vector<16xf32>
    tpu.vector_store %arg6[%swap3A_115], %swap3A_118 {strides = array<i32>} : memref<640xf32, #tpu.memory_space<vmem>>, vector<16xf32>,
    %broadcast_in_dim3A_119 = arith.constant 0.000000e+00 : f32
    %broadcast_in_dim3A_120 = vector.broadcast %broadcast_in_dim3A_119 : f32 to vector<16xf32>
    %swap3A_121 = arith.constant 320 : index
    %swap3A_122 = tpu.vector_load %arg6[%swap3A_121] {strides = array<i32>} : memref<640xf32, #tpu.memory_space<vmem>>, vector<16xf32>,
    %swap3A_123 = vector.shape_cast %swap3A_122 : vector<16xf32> to vector<16xf32>
    %swap3A_124 = vector.shape_cast %broadcast_in_dim3A_120 : vector<16xf32> to vector<16xf32>
    tpu.vector_store %arg6[%swap3A_121], %swap3A_124 {strides = array<i32>} : memref<640xf32, #tpu.memory_space<vmem>>, vector<16xf32>,
    %broadcast_in_dim3A_125 = arith.constant 0.000000e+00 : f32
    %broadcast_in_dim3A_126 = vector.broadcast %broadcast_in_dim3A_125 : f32 to vector<16xf32>
    %swap3A_127 = arith.constant 336 : index
    %swap3A_128 = tpu.vector_load %arg6[%swap3A_127] {strides = array<i32>} : memref<640xf32, #tpu.memory_space<vmem>>, vector<16xf32>,
    %swap3A_129 = vector.shape_cast %swap3A_128 : vector<16xf32> to vector<16xf32>
    %swap3A_130 = vector.shape_cast %broadcast_in_dim3A_126 : vector<16xf32> to vector<16xf32>
    tpu.vector_store %arg6[%swap3A_127], %swap3A_130 {strides = array<i32>} : memref<640xf32, #tpu.memory_space<vmem>>, vector<16xf32>,
    %broadcast_in_dim3A_131 = arith.constant 0.000000e+00 : f32
    %broadcast_in_dim3A_132 = vector.broadcast %broadcast_in_dim3A_131 : f32 to vector<16xf32>
    %swap3A_133 = arith.constant 352 : index
    %swap3A_134 = tpu.vector_load %arg6[%swap3A_133] {strides = array<i32>} : memref<640xf32, #tpu.memory_space<vmem>>, vector<16xf32>,
    %swap3A_135 = vector.shape_cast %swap3A_134 : vector<16xf32> to vector<16xf32>
    %swap3A_136 = vector.shape_cast %broadcast_in_dim3A_132 : vector<16xf32> to vector<16xf32>
    tpu.vector_store %arg6[%swap3A_133], %swap3A_136 {strides = array<i32>} : memref<640xf32, #tpu.memory_space<vmem>>, vector<16xf32>,
    %broadcast_in_dim3A_137 = arith.constant 0.000000e+00 : f32
    %broadcast_in_dim3A_138 = vector.broadcast %broadcast_in_dim3A_137 : f32 to vector<16xf32>
    %swap3A_139 = arith.constant 368 : index
    %swap3A_140 = tpu.vector_load %arg6[%swap3A_139] {strides = array<i32>} : memref<640xf32, #tpu.memory_space<vmem>>, vector<16xf32>,
    %swap3A_141 = vector.shape_cast %swap3A_140 : vector<16xf32> to vector<16xf32>
    %swap3A_142 = vector.shape_cast %broadcast_in_dim3A_138 : vector<16xf32> to vector<16xf32>
    tpu.vector_store %arg6[%swap3A_139], %swap3A_142 {strides = array<i32>} : memref<640xf32, #tpu.memory_space<vmem>>, vector<16xf32>,
    %broadcast_in_dim3A_143 = arith.constant 0.000000e+00 : f32
    %broadcast_in_dim3A_144 = vector.broadcast %broadcast_in_dim3A_143 : f32 to vector<16xf32>
    %swap3A_145 = arith.constant 384 : index
    %swap3A_146 = tpu.vector_load %arg6[%swap3A_145] {strides = array<i32>} : memref<640xf32, #tpu.memory_space<vmem>>, vector<16xf32>,
    %swap3A_147 = vector.shape_cast %swap3A_146 : vector<16xf32> to vector<16xf32>
    %swap3A_148 = vector.shape_cast %broadcast_in_dim3A_144 : vector<16xf32> to vector<16xf32>
    tpu.vector_store %arg6[%swap3A_145], %swap3A_148 {strides = array<i32>} : memref<640xf32, #tpu.memory_space<vmem>>, vector<16xf32>,
    %broadcast_in_dim3A_149 = arith.constant 0.000000e+00 : f32
    %broadcast_in_dim3A_150 = vector.broadcast %broadcast_in_dim3A_149 : f32 to vector<16xf32>
    %swap3A_151 = arith.constant 400 : index
    %swap3A_152 = tpu.vector_load %arg6[%swap3A_151] {strides = array<i32>} : memref<640xf32, #tpu.memory_space<vmem>>, vector<16xf32>,
    %swap3A_153 = vector.shape_cast %swap3A_152 : vector<16xf32> to vector<16xf32>
    %swap3A_154 = vector.shape_cast %broadcast_in_dim3A_150 : vector<16xf32> to vector<16xf32>
    tpu.vector_store %arg6[%swap3A_151], %swap3A_154 {strides = array<i32>} : memref<640xf32, #tpu.memory_space<vmem>>, vector<16xf32>,
    %broadcast_in_dim3A_155 = arith.constant 0.000000e+00 : f32
    %broadcast_in_dim3A_156 = vector.broadcast %broadcast_in_dim3A_155 : f32 to vector<16xf32>
    %swap3A_157 = arith.constant 416 : index
    %swap3A_158 = tpu.vector_load %arg6[%swap3A_157] {strides = array<i32>} : memref<640xf32, #tpu.memory_space<vmem>>, vector<16xf32>,
    %swap3A_159 = vector.shape_cast %swap3A_158 : vector<16xf32> to vector<16xf32>
    %swap3A_160 = vector.shape_cast %broadcast_in_dim3A_156 : vector<16xf32> to vector<16xf32>
    tpu.vector_store %arg6[%swap3A_157], %swap3A_160 {strides = array<i32>} : memref<640xf32, #tpu.memory_space<vmem>>, vector<16xf32>,
    %broadcast_in_dim3A_161 = arith.constant 0.000000e+00 : f32
    %broadcast_in_dim3A_162 = vector.broadcast %broadcast_in_dim3A_161 : f32 to vector<16xf32>
    %swap3A_163 = arith.constant 432 : index
    %swap3A_164 = tpu.vector_load %arg6[%swap3A_163] {strides = array<i32>} : memref<640xf32, #tpu.memory_space<vmem>>, vector<16xf32>,
    %swap3A_165 = vector.shape_cast %swap3A_164 : vector<16xf32> to vector<16xf32>
    %swap3A_166 = vector.shape_cast %broadcast_in_dim3A_162 : vector<16xf32> to vector<16xf32>
    tpu.vector_store %arg6[%swap3A_163], %swap3A_166 {strides = array<i32>} : memref<640xf32, #tpu.memory_space<vmem>>, vector<16xf32>,
    %broadcast_in_dim3A_167 = arith.constant 0.000000e+00 : f32
    %broadcast_in_dim3A_168 = vector.broadcast %broadcast_in_dim3A_167 : f32 to vector<16xf32>
    %swap3A_169 = arith.constant 448 : index
    %swap3A_170 = tpu.vector_load %arg6[%swap3A_169] {strides = array<i32>} : memref<640xf32, #tpu.memory_space<vmem>>, vector<16xf32>,
    %swap3A_171 = vector.shape_cast %swap3A_170 : vector<16xf32> to vector<16xf32>
    %swap3A_172 = vector.shape_cast %broadcast_in_dim3A_168 : vector<16xf32> to vector<16xf32>
    tpu.vector_store %arg6[%swap3A_169], %swap3A_172 {strides = array<i32>} : memref<640xf32, #tpu.memory_space<vmem>>, vector<16xf32>,
    %broadcast_in_dim3A_173 = arith.constant 0.000000e+00 : f32
    %broadcast_in_dim3A_174 = vector.broadcast %broadcast_in_dim3A_173 : f32 to vector<16xf32>
    %swap3A_175 = arith.constant 464 : index
    %swap3A_176 = tpu.vector_load %arg6[%swap3A_175] {strides = array<i32>} : memref<640xf32, #tpu.memory_space<vmem>>, vector<16xf32>,
    %swap3A_177 = vector.shape_cast %swap3A_176 : vector<16xf32> to vector<16xf32>
    %swap3A_178 = vector.shape_cast %broadcast_in_dim3A_174 : vector<16xf32> to vector<16xf32>
    tpu.vector_store %arg6[%swap3A_175], %swap3A_178 {strides = array<i32>} : memref<640xf32, #tpu.memory_space<vmem>>, vector<16xf32>,
    %broadcast_in_dim3A_179 = arith.constant 0.000000e+00 : f32
    %broadcast_in_dim3A_180 = vector.broadcast %broadcast_in_dim3A_179 : f32 to vector<16xf32>
    %swap3A_181 = arith.constant 480 : index
    %swap3A_182 = tpu.vector_load %arg6[%swap3A_181] {strides = array<i32>} : memref<640xf32, #tpu.memory_space<vmem>>, vector<16xf32>,
    %swap3A_183 = vector.shape_cast %swap3A_182 : vector<16xf32> to vector<16xf32>
    %swap3A_184 = vector.shape_cast %broadcast_in_dim3A_180 : vector<16xf32> to vector<16xf32>
    tpu.vector_store %arg6[%swap3A_181], %swap3A_184 {strides = array<i32>} : memref<640xf32, #tpu.memory_space<vmem>>, vector<16xf32>,
    %broadcast_in_dim3A_185 = arith.constant 0.000000e+00 : f32
    %broadcast_in_dim3A_186 = vector.broadcast %broadcast_in_dim3A_185 : f32 to vector<16xf32>
    %swap3A_187 = arith.constant 496 : index
    %swap3A_188 = tpu.vector_load %arg6[%swap3A_187] {strides = array<i32>} : memref<640xf32, #tpu.memory_space<vmem>>, vector<16xf32>,
    %swap3A_189 = vector.shape_cast %swap3A_188 : vector<16xf32> to vector<16xf32>
    %swap3A_190 = vector.shape_cast %broadcast_in_dim3A_186 : vector<16xf32> to vector<16xf32>
    tpu.vector_store %arg6[%swap3A_187], %swap3A_190 {strides = array<i32>} : memref<640xf32, #tpu.memory_space<vmem>>, vector<16xf32>,
    %broadcast_in_dim3A_191 = arith.constant 0.000000e+00 : f32
    %broadcast_in_dim3A_192 = vector.broadcast %broadcast_in_dim3A_191 : f32 to vector<16xf32>
    %swap3A_193 = arith.constant 512 : index
    %swap3A_194 = tpu.vector_load %arg6[%swap3A_193] {strides = array<i32>} : memref<640xf32, #tpu.memory_space<vmem>>, vector<16xf32>,
    %swap3A_195 = vector.shape_cast %swap3A_194 : vector<16xf32> to vector<16xf32>
    %swap3A_196 = vector.shape_cast %broadcast_in_dim3A_192 : vector<16xf32> to vector<16xf32>
    tpu.vector_store %arg6[%swap3A_193], %swap3A_196 {strides = array<i32>} : memref<640xf32, #tpu.memory_space<vmem>>, vector<16xf32>,
    %broadcast_in_dim3A_197 = arith.constant 0.000000e+00 : f32
    %broadcast_in_dim3A_198 = vector.broadcast %broadcast_in_dim3A_197 : f32 to vector<16xf32>
    %swap3A_199 = arith.constant 528 : index
    %swap3A_200 = tpu.vector_load %arg6[%swap3A_199] {strides = array<i32>} : memref<640xf32, #tpu.memory_space<vmem>>, vector<16xf32>,
    %swap3A_201 = vector.shape_cast %swap3A_200 : vector<16xf32> to vector<16xf32>
    %swap3A_202 = vector.shape_cast %broadcast_in_dim3A_198 : vector<16xf32> to vector<16xf32>
    tpu.vector_store %arg6[%swap3A_199], %swap3A_202 {strides = array<i32>} : memref<640xf32, #tpu.memory_space<vmem>>, vector<16xf32>,
    %broadcast_in_dim3A_203 = arith.constant 0.000000e+00 : f32
    %broadcast_in_dim3A_204 = vector.broadcast %broadcast_in_dim3A_203 : f32 to vector<16xf32>
    %swap3A_205 = arith.constant 544 : index
    %swap3A_206 = tpu.vector_load %arg6[%swap3A_205] {strides = array<i32>} : memref<640xf32, #tpu.memory_space<vmem>>, vector<16xf32>,
    %swap3A_207 = vector.shape_cast %swap3A_206 : vector<16xf32> to vector<16xf32>
    %swap3A_208 = vector.shape_cast %broadcast_in_dim3A_204 : vector<16xf32> to vector<16xf32>
    tpu.vector_store %arg6[%swap3A_205], %swap3A_208 {strides = array<i32>} : memref<640xf32, #tpu.memory_space<vmem>>, vector<16xf32>,
    %broadcast_in_dim3A_209 = arith.constant 0.000000e+00 : f32
    %broadcast_in_dim3A_210 = vector.broadcast %broadcast_in_dim3A_209 : f32 to vector<16xf32>
    %swap3A_211 = arith.constant 560 : index
    %swap3A_212 = tpu.vector_load %arg6[%swap3A_211] {strides = array<i32>} : memref<640xf32, #tpu.memory_space<vmem>>, vector<16xf32>,
    %swap3A_213 = vector.shape_cast %swap3A_212 : vector<16xf32> to vector<16xf32>
    %swap3A_214 = vector.shape_cast %broadcast_in_dim3A_210 : vector<16xf32> to vector<16xf32>
    tpu.vector_store %arg6[%swap3A_211], %swap3A_214 {strides = array<i32>} : memref<640xf32, #tpu.memory_space<vmem>>, vector<16xf32>,
    %broadcast_in_dim3A_215 = arith.constant 0.000000e+00 : f32
    %broadcast_in_dim3A_216 = vector.broadcast %broadcast_in_dim3A_215 : f32 to vector<16xf32>
    %swap3A_217 = arith.constant 576 : index
    %swap3A_218 = tpu.vector_load %arg6[%swap3A_217] {strides = array<i32>} : memref<640xf32, #tpu.memory_space<vmem>>, vector<16xf32>,
    %swap3A_219 = vector.shape_cast %swap3A_218 : vector<16xf32> to vector<16xf32>
    %swap3A_220 = vector.shape_cast %broadcast_in_dim3A_216 : vector<16xf32> to vector<16xf32>
    tpu.vector_store %arg6[%swap3A_217], %swap3A_220 {strides = array<i32>} : memref<640xf32, #tpu.memory_space<vmem>>, vector<16xf32>,
    %broadcast_in_dim3A_221 = arith.constant 0.000000e+00 : f32
    %broadcast_in_dim3A_222 = vector.broadcast %broadcast_in_dim3A_221 : f32 to vector<16xf32>
    %swap3A_223 = arith.constant 592 : index
    %swap3A_224 = tpu.vector_load %arg6[%swap3A_223] {strides = array<i32>} : memref<640xf32, #tpu.memory_space<vmem>>, vector<16xf32>,
    %swap3A_225 = vector.shape_cast %swap3A_224 : vector<16xf32> to vector<16xf32>
    %swap3A_226 = vector.shape_cast %broadcast_in_dim3A_222 : vector<16xf32> to vector<16xf32>
    tpu.vector_store %arg6[%swap3A_223], %swap3A_226 {strides = array<i32>} : memref<640xf32, #tpu.memory_space<vmem>>, vector<16xf32>,
    %broadcast_in_dim3A_227 = arith.constant 0.000000e+00 : f32
    %broadcast_in_dim3A_228 = vector.broadcast %broadcast_in_dim3A_227 : f32 to vector<16xf32>
    %swap3A_229 = arith.constant 608 : index
    %swap3A_230 = tpu.vector_load %arg6[%swap3A_229] {strides = array<i32>} : memref<640xf32, #tpu.memory_space<vmem>>, vector<16xf32>,
    %swap3A_231 = vector.shape_cast %swap3A_230 : vector<16xf32> to vector<16xf32>
    %swap3A_232 = vector.shape_cast %broadcast_in_dim3A_228 : vector<16xf32> to vector<16xf32>
    tpu.vector_store %arg6[%swap3A_229], %swap3A_232 {strides = array<i32>} : memref<640xf32, #tpu.memory_space<vmem>>, vector<16xf32>,
    %broadcast_in_dim3A_233 = arith.constant 0.000000e+00 : f32
    %broadcast_in_dim3A_234 = vector.broadcast %broadcast_in_dim3A_233 : f32 to vector<16xf32>
    %swap3A_235 = arith.constant 624 : index
    %swap3A_236 = tpu.vector_load %arg6[%swap3A_235] {strides = array<i32>} : memref<640xf32, #tpu.memory_space<vmem>>, vector<16xf32>,
    %swap3A_237 = vector.shape_cast %swap3A_236 : vector<16xf32> to vector<16xf32>
    %swap3A_238 = vector.shape_cast %broadcast_in_dim3A_234 : vector<16xf32> to vector<16xf32>
    tpu.vector_store %arg6[%swap3A_235], %swap3A_238 {strides = array<i32>} : memref<640xf32, #tpu.memory_space<vmem>>, vector<16xf32>,
    %mul3A_239 = arith.constant 640 : i32
    %mul3A_240 = arith.muli %arg1, %mul3A_239 : i32
    "tpu.region"() ({
      %run_scoped3A = tpu.sem_alloc : memref<!tpu.dma_semaphore, #tpu.memory_space<semaphore_mem>>
      %dma_start3A = tpu.memref_slice %arg7[%mul3A_240] : memref<10240xf32, #tpu.memory_space<vmem_shared>> -> memref<640xf32, #tpu.memory_space<vmem_shared>>
      %dma_start3A_273 = tpu.memref_slice %arg7[%mul3A_240] : memref<10240xf32, #tpu.memory_space<vmem_shared>> -> memref<640xf32, #tpu.memory_space<vmem_shared>>
      tpu.enqueue_dma source(%arg6 : memref<640xf32, #tpu.memory_space<vmem>>) target(%dma_start3A_273 : memref<640xf32, #tpu.memory_space<vmem_shared>>) target_semaphore(%run_scoped3A : memref<!tpu.dma_semaphore, #tpu.memory_space<semaphore_mem>>)
      %dma_wait3A = tpu.memref_slice %arg7[%mul3A_240] : memref<10240xf32, #tpu.memory_space<vmem_shared>> -> memref<640xf32, #tpu.memory_space<vmem_shared>>
      %dma_wait3A_274 = tpu.memref_slice %arg7[%mul3A_240] : memref<10240xf32, #tpu.memory_space<vmem_shared>> -> memref<640xf32, #tpu.memory_space<vmem_shared>>
      tpu.wait_dma2 semaphore(%run_scoped3A : memref<!tpu.dma_semaphore, #tpu.memory_space<semaphore_mem>>) src(%arg6 : memref<640xf32, #tpu.memory_space<vmem>>) dst(%dma_wait3A_274 : memref<640xf32, #tpu.memory_space<vmem_shared>>)
      tpu.yield
    }) : () -> ()
    %barrier3A = arith.constant 0 : index
    tpu.barrier barrier_id(%barrier3A)
    %broadcast_in_dim3A_241 = arith.constant 1.000000e+00 : f32
    %broadcast_in_dim3A_242 = vector.broadcast %broadcast_in_dim3A_241 : f32 to vector<16xf32>
    %swap3A_243 = arith.constant 0 : index
    %swap3A_244 = tpu.vector_load %arg5[%swap3A_243] {strides = array<i32>} : memref<48xf32, #tpu.memory_space<vmem>>, vector<16xf32>,
    %swap3A_245 = vector.shape_cast %swap3A_244 : vector<16xf32> to vector<16xf32>
    %swap3A_246 = vector.shape_cast %broadcast_in_dim3A_242 : vector<16xf32> to vector<16xf32>
    tpu.vector_store %arg5[%swap3A_243], %swap3A_246 {strides = array<i32>} : memref<48xf32, #tpu.memory_space<vmem>>, vector<16xf32>,
    %broadcast_in_dim3A_247 = arith.constant 1.000000e+00 : f32
    %broadcast_in_dim3A_248 = vector.broadcast %broadcast_in_dim3A_247 : f32 to vector<16xf32>
    %swap3A_249 = arith.constant 16 : index
    %swap3A_250 = tpu.vector_load %arg5[%swap3A_249] {strides = array<i32>} : memref<48xf32, #tpu.memory_space<vmem>>, vector<16xf32>,
    %swap3A_251 = vector.shape_cast %swap3A_250 : vector<16xf32> to vector<16xf32>
    %swap3A_252 = vector.shape_cast %broadcast_in_dim3A_248 : vector<16xf32> to vector<16xf32>
    tpu.vector_store %arg5[%swap3A_249], %swap3A_252 {strides = array<i32>} : memref<48xf32, #tpu.memory_space<vmem>>, vector<16xf32>,
    %broadcast_in_dim3A_253 = arith.constant 1.000000e+00 : f32
    %broadcast_in_dim3A_254 = vector.broadcast %broadcast_in_dim3A_253 : f32 to vector<16xf32>
    %swap3A_255 = arith.constant 32 : index
    %swap3A_256 = tpu.vector_load %arg5[%swap3A_255] {strides = array<i32>} : memref<48xf32, #tpu.memory_space<vmem>>, vector<16xf32>,
    %swap3A_257 = vector.shape_cast %swap3A_256 : vector<16xf32> to vector<16xf32>
    %swap3A_258 = vector.shape_cast %broadcast_in_dim3A_254 : vector<16xf32> to vector<16xf32>
    tpu.vector_store %arg5[%swap3A_255], %swap3A_258 {strides = array<i32>} : memref<48xf32, #tpu.memory_space<vmem>>, vector<16xf32>,
    %scan3A = arith.constant 0 : i32
    %scan3A_259 = arith.constant 0 : i32
    %scan3A_260 = arith.constant 5 : i32
    %scan3A_261 = arith.addi %scan3A_259, %scan3A_260 : i32
    %scan3A_262 = arith.constant 1 : i32
    %scan3A_263 = scf.for %scan3A_273 = %scan3A_259 to %scan3A_261 step %scan3A_262 iter_args(%scan3A_274 = %scan3A) -> (i32)  : i32 {
      "tpu.region"() ({
        %run_scoped3A = tpu.sem_alloc : memref<!tpu.dma_semaphore, #tpu.memory_space<semaphore_mem>>
        %dma_start3A = arith.constant 0 : i32
        %dma_start3A_283 = arith.constant 0 : i32
        %dma_start3A_284 = tpu.memref_slice %arg2[%add3A, %scan3A_273, %dma_start3A, %dma_start3A_283] : memref<32x5x25x40xi32, #tpu.memory_space<hbm>> -> memref<1x1x25x40xi32, #tpu.memory_space<hbm>>
        %dma_start3A_285 = tpu.memref_squeeze %dma_start3A_284 : memref<1x1x25x40xi32, #tpu.memory_space<hbm>> -> memref<25x40xi32, #tpu.memory_space<hbm>>
        %dma_start3A_286 = arith.constant 0 : i32
        %dma_start3A_287 = arith.constant 0 : i32
        %dma_start3A_288 = tpu.memref_slice %arg2[%add3A, %scan3A_273, %dma_start3A_286, %dma_start3A_287] : memref<32x5x25x40xi32, #tpu.memory_space<hbm>> -> memref<1x1x25x40xi32, #tpu.memory_space<hbm>>
        %dma_start3A_289 = tpu.memref_squeeze %dma_start3A_288 : memref<1x1x25x40xi32, #tpu.memory_space<hbm>> -> memref<25x40xi32, #tpu.memory_space<hbm>>
        tpu.enqueue_dma source(%dma_start3A_289 : memref<25x40xi32, #tpu.memory_space<hbm>>) target(%arg4 : memref<25x40xi32, #tpu.memory_space<vmem>>) target_semaphore(%run_scoped3A : memref<!tpu.dma_semaphore, #tpu.memory_space<semaphore_mem>>)
        %dma_wait3A = arith.constant 0 : i32
        %dma_wait3A_290 = arith.constant 0 : i32
        %dma_wait3A_291 = tpu.memref_slice %arg2[%add3A, %scan3A_273, %dma_wait3A, %dma_wait3A_290] : memref<32x5x25x40xi32, #tpu.memory_space<hbm>> -> memref<1x1x25x40xi32, #tpu.memory_space<hbm>>
        %dma_wait3A_292 = tpu.memref_squeeze %dma_wait3A_291 : memref<1x1x25x40xi32, #tpu.memory_space<hbm>> -> memref<25x40xi32, #tpu.memory_space<hbm>>
        %dma_wait3A_293 = arith.constant 0 : i32
        %dma_wait3A_294 = arith.constant 0 : i32
        %dma_wait3A_295 = tpu.memref_slice %arg2[%add3A, %scan3A_273, %dma_wait3A_293, %dma_wait3A_294] : memref<32x5x25x40xi32, #tpu.memory_space<hbm>> -> memref<1x1x25x40xi32, #tpu.memory_space<hbm>>
        %dma_wait3A_296 = tpu.memref_squeeze %dma_wait3A_295 : memref<1x1x25x40xi32, #tpu.memory_space<hbm>> -> memref<25x40xi32, #tpu.memory_space<hbm>>
        tpu.wait_dma2 semaphore(%run_scoped3A : memref<!tpu.dma_semaphore, #tpu.memory_space<semaphore_mem>>) src(%dma_wait3A_296 : memref<25x40xi32, #tpu.memory_space<hbm>>) dst(%arg4 : memref<25x40xi32, #tpu.memory_space<vmem>>)
        tpu.yield
      }) : () -> ()
      %scan3A_275 = arith.constant 0 : i32
      %scan3A_276 = arith.constant 0 : i32
      %scan3A_277 = arith.constant 25 : i32
      %scan3A_278 = arith.addi %scan3A_276, %scan3A_277 : i32
      %scan3A_279 = arith.constant 1 : i32
      %scan3A_280 = scf.for %scan3A_283 = %scan3A_276 to %scan3A_278 step %scan3A_279 iter_args(%scan3A_284 = %scan3A_275) -> (i32)  : i32 {
        "tpu.region"() ({
          %run_scoped3A = tpu.sem_alloc : memref<!tpu.dma_semaphore, #tpu.memory_space<semaphore_mem>>
          %dma_start3A = arith.constant 0 : i32
          %dma_start3A_286 = tpu.memref_slice %arg5[%dma_start3A] : memref<48xf32, #tpu.memory_space<vmem>> -> memref<40xf32, #tpu.memory_space<vmem>>
          %dma_start3A_287 = arith.constant 0 : i32
          %dma_start3A_288 = tpu.memref_slice %arg4[%scan3A_283, %dma_start3A_287] : memref<25x40xi32, #tpu.memory_space<vmem>> -> memref<1x40xi32, #tpu.memory_space<vmem>>
          %dma_start3A_289 = tpu.memref_squeeze %dma_start3A_288 : memref<1x40xi32, #tpu.memory_space<vmem>> -> memref<40xi32, #tpu.memory_space<vmem>>
          %dma_start3A_290 = arith.constant 0 : i32
          %dma_start3A_291 = tpu.memref_slice %arg7[%dma_start3A_290] : memref<10240xf32, #tpu.memory_space<vmem_shared>> -> memref<10240xf32, #tpu.memory_space<vmem_shared>>
          tpu.enqueue_indirect_dma source(%dma_start3A_286 : memref<40xf32, #tpu.memory_space<vmem>>) target(%dma_start3A_291 : memref<10240xf32, #tpu.memory_space<vmem_shared>>) offsets(%dma_start3A_289 : memref<40xi32, #tpu.memory_space<vmem>>) semaphore(%run_scoped3A : memref<!tpu.dma_semaphore, #tpu.memory_space<semaphore_mem>>) {add = true}
          %dma_wait3A = arith.constant 0 : i32
          %dma_wait3A_292 = tpu.memref_slice %arg5[%dma_wait3A] : memref<48xf32, #tpu.memory_space<vmem>> -> memref<40xf32, #tpu.memory_space<vmem>>
          %dma_wait3A_293 = arith.constant 0 : i32
          %dma_wait3A_294 = tpu.memref_slice %arg4[%scan3A_283, %dma_wait3A_293] : memref<25x40xi32, #tpu.memory_space<vmem>> -> memref<1x40xi32, #tpu.memory_space<vmem>>
          %dma_wait3A_295 = tpu.memref_squeeze %dma_wait3A_294 : memref<1x40xi32, #tpu.memory_space<vmem>> -> memref<40xi32, #tpu.memory_space<vmem>>
          %dma_wait3A_296 = arith.constant 0 : i32
          %dma_wait3A_297 = tpu.memref_slice %arg7[%dma_wait3A_296] : memref<10240xf32, #tpu.memory_space<vmem_shared>> -> memref<10240xf32, #tpu.memory_space<vmem_shared>>
          tpu.wait_indirect_dma semaphore(%run_scoped3A : memref<!tpu.dma_semaphore, #tpu.memory_space<semaphore_mem>>) src(%dma_wait3A_292 : memref<40xf32, #tpu.memory_space<vmem>>) dst(%dma_wait3A_297 : memref<10240xf32, #tpu.memory_space<vmem_shared>>)
          tpu.yield
        }) : () -> ()
        %scan3A_285 = arith.constant 0 : i32
        scf.yield %scan3A_285 : i32
      }
      %scan3A_281 = arith.constant 25 : i32
      %scan3A_282 = arith.constant 0 : i32
      scf.yield %scan3A_282 : i32
    }
    %scan3A_264 = arith.constant 5 : i32
    %barrier3A_265 = arith.constant 0 : index
    tpu.barrier barrier_id(%barrier3A_265)
    %mul3A_266 = arith.constant 640 : i32
    %mul3A_267 = arith.muli %arg1, %mul3A_266 : i32
    "tpu.region"() ({
      %run_scoped3A = tpu.sem_alloc : memref<!tpu.dma_semaphore, #tpu.memory_space<semaphore_mem>>
      %dma_start3A = tpu.memref_slice %arg7[%mul3A_267] : memref<10240xf32, #tpu.memory_space<vmem_shared>> -> memref<640xf32, #tpu.memory_space<vmem_shared>>
      %dma_start3A_273 = tpu.memref_slice %arg7[%mul3A_267] : memref<10240xf32, #tpu.memory_space<vmem_shared>> -> memref<640xf32, #tpu.memory_space<vmem_shared>>
      tpu.enqueue_dma source(%dma_start3A_273 : memref<640xf32, #tpu.memory_space<vmem_shared>>) target(%arg6 : memref<640xf32, #tpu.memory_space<vmem>>) target_semaphore(%run_scoped3A : memref<!tpu.dma_semaphore, #tpu.memory_space<semaphore_mem>>)
      %dma_wait3A = tpu.memref_slice %arg7[%mul3A_267] : memref<10240xf32, #tpu.memory_space<vmem_shared>> -> memref<640xf32, #tpu.memory_space<vmem_shared>>
      %dma_wait3A_274 = tpu.memref_slice %arg7[%mul3A_267] : memref<10240xf32, #tpu.memory_space<vmem_shared>> -> memref<640xf32, #tpu.memory_space<vmem_shared>>
      tpu.wait_dma2 semaphore(%run_scoped3A : memref<!tpu.dma_semaphore, #tpu.memory_space<semaphore_mem>>) src(%dma_wait3A_274 : memref<640xf32, #tpu.memory_space<vmem_shared>>) dst(%arg6 : memref<640xf32, #tpu.memory_space<vmem>>)
      tpu.yield
    }) : () -> ()
    %mul3A_268 = arith.constant 10240 : i32
    %mul3A_269 = arith.muli %arg0, %mul3A_268 : i32
    %mul3A_270 = arith.constant 640 : i32
    %mul3A_271 = arith.muli %arg1, %mul3A_270 : i32
    %add3A_272 = arith.addi %mul3A_269, %mul3A_271 : i32
    "tpu.region"() ({
      %run_scoped3A = tpu.sem_alloc : memref<!tpu.dma_semaphore, #tpu.memory_space<semaphore_mem>>
      %dma_start3A = tpu.memref_slice %arg3[%add3A_272] : memref<20480xf32, #tpu.memory_space<hbm>> -> memref<640xf32, #tpu.memory_space<hbm>>
      %dma_start3A_273 = tpu.memref_slice %arg3[%add3A_272] : memref<20480xf32, #tpu.memory_space<hbm>> -> memref<640xf32, #tpu.memory_space<hbm>>
      tpu.enqueue_dma source(%arg6 : memref<640xf32, #tpu.memory_space<vmem>>) target(%dma_start3A_273 : memref<640xf32, #tpu.memory_space<hbm>>) target_semaphore(%run_scoped3A : memref<!tpu.dma_semaphore, #tpu.memory_space<semaphore_mem>>)
      %dma_wait3A = tpu.memref_slice %arg3[%add3A_272] : memref<20480xf32, #tpu.memory_space<hbm>> -> memref<640xf32, #tpu.memory_space<hbm>>
      %dma_wait3A_274 = tpu.memref_slice %arg3[%add3A_272] : memref<20480xf32, #tpu.memory_space<hbm>> -> memref<640xf32, #tpu.memory_space<hbm>>
      tpu.wait_dma2 semaphore(%run_scoped3A : memref<!tpu.dma_semaphore, #tpu.memory_space<semaphore_mem>>) src(%arg6 : memref<640xf32, #tpu.memory_space<vmem>>) dst(%dma_wait3A_274 : memref<640xf32, #tpu.memory_space<hbm>>)
      tpu.yield
    }) : () -> ()
    return
  }
}

#map = affine_map<(d0, d1) -> (0, 0)>
#map1 = affine_map<(d0, d1) -> (0, 0, 0, 0, 0)>
#map2 = affine_map<(d0, d1) -> (0, 0, 0, 0)>
module attributes {stable_mosaic.version = 14 : i64} {
  func.func @_prop_body(%arg0: i32, %arg1: i32, %arg2: memref<20480x128xf32, #tpu.memory_space<hbm>>, %arg3: memref<2x16x5x25x80xi32, #tpu.memory_space<hbm>>, %arg4: memref<16x5x25x80xi32, #tpu.memory_space<hbm>>, %arg5: memref<20480x128xf32, #tpu.memory_space<hbm>>, %arg6: memref<25x80xi32, #tpu.memory_space<vmem>>, %arg7: memref<25x80xi32, #tpu.memory_space<vmem>>, %arg8: memref<80x128xf32, #tpu.memory_space<vmem>>, %arg9: memref<80x128xf32, #tpu.memory_space<vmem>>, %arg10: memref<80x128xf32, #tpu.memory_space<vmem>>, %arg11: memref<80x128xf32, #tpu.memory_space<vmem>>, %arg12: memref<10240x128xf32, #tpu.memory_space<vmem_shared>>, %arg13: memref<!tpu.dma_semaphore, #tpu.memory_space<semaphore_mem>>, %arg14: memref<!tpu.dma_semaphore, #tpu.memory_space<semaphore_mem>>, %arg15: memref<!tpu.dma_semaphore, #tpu.memory_space<semaphore_mem>>, %arg16: memref<!tpu.dma_semaphore, #tpu.memory_space<semaphore_mem>>) attributes {dimension_semantics = [#tpu.dimension_semantics<core_parallel>, #tpu.dimension_semantics<subcore_parallel>], iteration_bounds = array<i64: 2, 16>, scalar_prefetch = 0 : i64, scratch_operands = 11 : i64, tpu.core_type = #tpu.core_type<sc_vector_subcore>, window_params = [{transform_indices = #map}, {transform_indices = #map1}, {transform_indices = #map2}, {transform_indices = #map}]} {
    %scan3A = arith.constant 0 : i32
    %scan3A_0 = arith.constant 0 : i32
    %scan3A_1 = arith.constant 80 : i32
    %scan3A_2 = arith.addi %scan3A_0, %scan3A_1 : i32
    %scan3A_3 = arith.constant 1 : i32
    %scan3A_4 = scf.for %scan3A_51 = %scan3A_0 to %scan3A_2 step %scan3A_3 iter_args(%scan3A_52 = %scan3A) -> (i32)  : i32 {
      %broadcast_in_dim3A = arith.constant 0.000000e+00 : f32
      %broadcast_in_dim3A_53 = vector.broadcast %broadcast_in_dim3A : f32 to vector<16xf32>
      %swap3A = arith.index_cast %scan3A_51 : i32 to index
      %swap3A_54 = arith.constant 0 : index
      %swap3A_55 = tpu.vector_load %arg8[%swap3A, %swap3A_54] {strides = array<i32>} : memref<80x128xf32, #tpu.memory_space<vmem>>, vector<1x16xf32>,
      %swap3A_56 = vector.shape_cast %swap3A_55 : vector<1x16xf32> to vector<16xf32>
      %swap3A_57 = vector.shape_cast %broadcast_in_dim3A_53 : vector<16xf32> to vector<1x16xf32>
      tpu.vector_store %arg8[%swap3A, %swap3A_54], %swap3A_57 {strides = array<i32>} : memref<80x128xf32, #tpu.memory_space<vmem>>, vector<1x16xf32>,
      %broadcast_in_dim3A_58 = arith.constant 0.000000e+00 : f32
      %broadcast_in_dim3A_59 = vector.broadcast %broadcast_in_dim3A_58 : f32 to vector<16xf32>
      %swap3A_60 = arith.index_cast %scan3A_51 : i32 to index
      %swap3A_61 = arith.constant 16 : index
      %swap3A_62 = tpu.vector_load %arg8[%swap3A_60, %swap3A_61] {strides = array<i32>} : memref<80x128xf32, #tpu.memory_space<vmem>>, vector<1x16xf32>,
      %swap3A_63 = vector.shape_cast %swap3A_62 : vector<1x16xf32> to vector<16xf32>
      %swap3A_64 = vector.shape_cast %broadcast_in_dim3A_59 : vector<16xf32> to vector<1x16xf32>
      tpu.vector_store %arg8[%swap3A_60, %swap3A_61], %swap3A_64 {strides = array<i32>} : memref<80x128xf32, #tpu.memory_space<vmem>>, vector<1x16xf32>,
      %broadcast_in_dim3A_65 = arith.constant 0.000000e+00 : f32
      %broadcast_in_dim3A_66 = vector.broadcast %broadcast_in_dim3A_65 : f32 to vector<16xf32>
      %swap3A_67 = arith.index_cast %scan3A_51 : i32 to index
      %swap3A_68 = arith.constant 32 : index
      %swap3A_69 = tpu.vector_load %arg8[%swap3A_67, %swap3A_68] {strides = array<i32>} : memref<80x128xf32, #tpu.memory_space<vmem>>, vector<1x16xf32>,
      %swap3A_70 = vector.shape_cast %swap3A_69 : vector<1x16xf32> to vector<16xf32>
      %swap3A_71 = vector.shape_cast %broadcast_in_dim3A_66 : vector<16xf32> to vector<1x16xf32>
      tpu.vector_store %arg8[%swap3A_67, %swap3A_68], %swap3A_71 {strides = array<i32>} : memref<80x128xf32, #tpu.memory_space<vmem>>, vector<1x16xf32>,
      %broadcast_in_dim3A_72 = arith.constant 0.000000e+00 : f32
      %broadcast_in_dim3A_73 = vector.broadcast %broadcast_in_dim3A_72 : f32 to vector<16xf32>
      %swap3A_74 = arith.index_cast %scan3A_51 : i32 to index
      %swap3A_75 = arith.constant 48 : index
      %swap3A_76 = tpu.vector_load %arg8[%swap3A_74, %swap3A_75] {strides = array<i32>} : memref<80x128xf32, #tpu.memory_space<vmem>>, vector<1x16xf32>,
      %swap3A_77 = vector.shape_cast %swap3A_76 : vector<1x16xf32> to vector<16xf32>
      %swap3A_78 = vector.shape_cast %broadcast_in_dim3A_73 : vector<16xf32> to vector<1x16xf32>
      tpu.vector_store %arg8[%swap3A_74, %swap3A_75], %swap3A_78 {strides = array<i32>} : memref<80x128xf32, #tpu.memory_space<vmem>>, vector<1x16xf32>,
      %broadcast_in_dim3A_79 = arith.constant 0.000000e+00 : f32
      %broadcast_in_dim3A_80 = vector.broadcast %broadcast_in_dim3A_79 : f32 to vector<16xf32>
      %swap3A_81 = arith.index_cast %scan3A_51 : i32 to index
      %swap3A_82 = arith.constant 64 : index
      %swap3A_83 = tpu.vector_load %arg8[%swap3A_81, %swap3A_82] {strides = array<i32>} : memref<80x128xf32, #tpu.memory_space<vmem>>, vector<1x16xf32>,
      %swap3A_84 = vector.shape_cast %swap3A_83 : vector<1x16xf32> to vector<16xf32>
      %swap3A_85 = vector.shape_cast %broadcast_in_dim3A_80 : vector<16xf32> to vector<1x16xf32>
      tpu.vector_store %arg8[%swap3A_81, %swap3A_82], %swap3A_85 {strides = array<i32>} : memref<80x128xf32, #tpu.memory_space<vmem>>, vector<1x16xf32>,
      %broadcast_in_dim3A_86 = arith.constant 0.000000e+00 : f32
      %broadcast_in_dim3A_87 = vector.broadcast %broadcast_in_dim3A_86 : f32 to vector<16xf32>
      %swap3A_88 = arith.index_cast %scan3A_51 : i32 to index
      %swap3A_89 = arith.constant 80 : index
      %swap3A_90 = tpu.vector_load %arg8[%swap3A_88, %swap3A_89] {strides = array<i32>} : memref<80x128xf32, #tpu.memory_space<vmem>>, vector<1x16xf32>,
      %swap3A_91 = vector.shape_cast %swap3A_90 : vector<1x16xf32> to vector<16xf32>
      %swap3A_92 = vector.shape_cast %broadcast_in_dim3A_87 : vector<16xf32> to vector<1x16xf32>
      tpu.vector_store %arg8[%swap3A_88, %swap3A_89], %swap3A_92 {strides = array<i32>} : memref<80x128xf32, #tpu.memory_space<vmem>>, vector<1x16xf32>,
      %broadcast_in_dim3A_93 = arith.constant 0.000000e+00 : f32
      %broadcast_in_dim3A_94 = vector.broadcast %broadcast_in_dim3A_93 : f32 to vector<16xf32>
      %swap3A_95 = arith.index_cast %scan3A_51 : i32 to index
      %swap3A_96 = arith.constant 96 : index
      %swap3A_97 = tpu.vector_load %arg8[%swap3A_95, %swap3A_96] {strides = array<i32>} : memref<80x128xf32, #tpu.memory_space<vmem>>, vector<1x16xf32>,
      %swap3A_98 = vector.shape_cast %swap3A_97 : vector<1x16xf32> to vector<16xf32>
      %swap3A_99 = vector.shape_cast %broadcast_in_dim3A_94 : vector<16xf32> to vector<1x16xf32>
      tpu.vector_store %arg8[%swap3A_95, %swap3A_96], %swap3A_99 {strides = array<i32>} : memref<80x128xf32, #tpu.memory_space<vmem>>, vector<1x16xf32>,
      %broadcast_in_dim3A_100 = arith.constant 0.000000e+00 : f32
      %broadcast_in_dim3A_101 = vector.broadcast %broadcast_in_dim3A_100 : f32 to vector<16xf32>
      %swap3A_102 = arith.index_cast %scan3A_51 : i32 to index
      %swap3A_103 = arith.constant 112 : index
      %swap3A_104 = tpu.vector_load %arg8[%swap3A_102, %swap3A_103] {strides = array<i32>} : memref<80x128xf32, #tpu.memory_space<vmem>>, vector<1x16xf32>,
      %swap3A_105 = vector.shape_cast %swap3A_104 : vector<1x16xf32> to vector<16xf32>
      %swap3A_106 = vector.shape_cast %broadcast_in_dim3A_101 : vector<16xf32> to vector<1x16xf32>
      tpu.vector_store %arg8[%swap3A_102, %swap3A_103], %swap3A_106 {strides = array<i32>} : memref<80x128xf32, #tpu.memory_space<vmem>>, vector<1x16xf32>,
      %scan3A_107 = arith.constant 0 : i32
      scf.yield %scan3A_107 : i32
    }
    %scan3A_5 = arith.constant 80 : i32
    %mul3A = arith.constant 640 : i32
    %mul3A_6 = arith.muli %arg1, %mul3A : i32
    %add3A = arith.constant 0 : i32
    %add3A_7 = arith.addi %mul3A_6, %add3A : i32
    "tpu.region"() ({
      %run_scoped3A = tpu.sem_alloc : memref<!tpu.dma_semaphore, #tpu.memory_space<semaphore_mem>>
      %dma_start3A = arith.constant 0 : i32
      %dma_start3A_51 = tpu.memref_slice %arg12[%add3A_7, %dma_start3A] : memref<10240x128xf32, #tpu.memory_space<vmem_shared>> -> memref<80x128xf32, #tpu.memory_space<vmem_shared>>
      %dma_start3A_52 = arith.constant 0 : i32
      %dma_start3A_53 = tpu.memref_slice %arg12[%add3A_7, %dma_start3A_52] : memref<10240x128xf32, #tpu.memory_space<vmem_shared>> -> memref<80x128xf32, #tpu.memory_space<vmem_shared>>
      tpu.enqueue_dma source(%arg8 : memref<80x128xf32, #tpu.memory_space<vmem>>) target(%dma_start3A_53 : memref<80x128xf32, #tpu.memory_space<vmem_shared>>) target_semaphore(%run_scoped3A : memref<!tpu.dma_semaphore, #tpu.memory_space<semaphore_mem>>)
      %dma_wait3A = arith.constant 0 : i32
      %dma_wait3A_54 = tpu.memref_slice %arg12[%add3A_7, %dma_wait3A] : memref<10240x128xf32, #tpu.memory_space<vmem_shared>> -> memref<80x128xf32, #tpu.memory_space<vmem_shared>>
      %dma_wait3A_55 = arith.constant 0 : i32
      %dma_wait3A_56 = tpu.memref_slice %arg12[%add3A_7, %dma_wait3A_55] : memref<10240x128xf32, #tpu.memory_space<vmem_shared>> -> memref<80x128xf32, #tpu.memory_space<vmem_shared>>
      tpu.wait_dma2 semaphore(%run_scoped3A : memref<!tpu.dma_semaphore, #tpu.memory_space<semaphore_mem>>) src(%arg8 : memref<80x128xf32, #tpu.memory_space<vmem>>) dst(%dma_wait3A_56 : memref<80x128xf32, #tpu.memory_space<vmem_shared>>)
      tpu.yield
    }) : () -> ()
    %mul3A_8 = arith.constant 640 : i32
    %mul3A_9 = arith.muli %arg1, %mul3A_8 : i32
    %add3A_10 = arith.constant 80 : i32
    %add3A_11 = arith.addi %mul3A_9, %add3A_10 : i32
    "tpu.region"() ({
      %run_scoped3A = tpu.sem_alloc : memref<!tpu.dma_semaphore, #tpu.memory_space<semaphore_mem>>
      %dma_start3A = arith.constant 0 : i32
      %dma_start3A_51 = tpu.memref_slice %arg12[%add3A_11, %dma_start3A] : memref<10240x128xf32, #tpu.memory_space<vmem_shared>> -> memref<80x128xf32, #tpu.memory_space<vmem_shared>>
      %dma_start3A_52 = arith.constant 0 : i32
      %dma_start3A_53 = tpu.memref_slice %arg12[%add3A_11, %dma_start3A_52] : memref<10240x128xf32, #tpu.memory_space<vmem_shared>> -> memref<80x128xf32, #tpu.memory_space<vmem_shared>>
      tpu.enqueue_dma source(%arg8 : memref<80x128xf32, #tpu.memory_space<vmem>>) target(%dma_start3A_53 : memref<80x128xf32, #tpu.memory_space<vmem_shared>>) target_semaphore(%run_scoped3A : memref<!tpu.dma_semaphore, #tpu.memory_space<semaphore_mem>>)
      %dma_wait3A = arith.constant 0 : i32
      %dma_wait3A_54 = tpu.memref_slice %arg12[%add3A_11, %dma_wait3A] : memref<10240x128xf32, #tpu.memory_space<vmem_shared>> -> memref<80x128xf32, #tpu.memory_space<vmem_shared>>
      %dma_wait3A_55 = arith.constant 0 : i32
      %dma_wait3A_56 = tpu.memref_slice %arg12[%add3A_11, %dma_wait3A_55] : memref<10240x128xf32, #tpu.memory_space<vmem_shared>> -> memref<80x128xf32, #tpu.memory_space<vmem_shared>>
      tpu.wait_dma2 semaphore(%run_scoped3A : memref<!tpu.dma_semaphore, #tpu.memory_space<semaphore_mem>>) src(%arg8 : memref<80x128xf32, #tpu.memory_space<vmem>>) dst(%dma_wait3A_56 : memref<80x128xf32, #tpu.memory_space<vmem_shared>>)
      tpu.yield
    }) : () -> ()
    %mul3A_12 = arith.constant 640 : i32
    %mul3A_13 = arith.muli %arg1, %mul3A_12 : i32
    %add3A_14 = arith.constant 160 : i32
    %add3A_15 = arith.addi %mul3A_13, %add3A_14 : i32
    "tpu.region"() ({
      %run_scoped3A = tpu.sem_alloc : memref<!tpu.dma_semaphore, #tpu.memory_space<semaphore_mem>>
      %dma_start3A = arith.constant 0 : i32
      %dma_start3A_51 = tpu.memref_slice %arg12[%add3A_15, %dma_start3A] : memref<10240x128xf32, #tpu.memory_space<vmem_shared>> -> memref<80x128xf32, #tpu.memory_space<vmem_shared>>
      %dma_start3A_52 = arith.constant 0 : i32
      %dma_start3A_53 = tpu.memref_slice %arg12[%add3A_15, %dma_start3A_52] : memref<10240x128xf32, #tpu.memory_space<vmem_shared>> -> memref<80x128xf32, #tpu.memory_space<vmem_shared>>
      tpu.enqueue_dma source(%arg8 : memref<80x128xf32, #tpu.memory_space<vmem>>) target(%dma_start3A_53 : memref<80x128xf32, #tpu.memory_space<vmem_shared>>) target_semaphore(%run_scoped3A : memref<!tpu.dma_semaphore, #tpu.memory_space<semaphore_mem>>)
      %dma_wait3A = arith.constant 0 : i32
      %dma_wait3A_54 = tpu.memref_slice %arg12[%add3A_15, %dma_wait3A] : memref<10240x128xf32, #tpu.memory_space<vmem_shared>> -> memref<80x128xf32, #tpu.memory_space<vmem_shared>>
      %dma_wait3A_55 = arith.constant 0 : i32
      %dma_wait3A_56 = tpu.memref_slice %arg12[%add3A_15, %dma_wait3A_55] : memref<10240x128xf32, #tpu.memory_space<vmem_shared>> -> memref<80x128xf32, #tpu.memory_space<vmem_shared>>
      tpu.wait_dma2 semaphore(%run_scoped3A : memref<!tpu.dma_semaphore, #tpu.memory_space<semaphore_mem>>) src(%arg8 : memref<80x128xf32, #tpu.memory_space<vmem>>) dst(%dma_wait3A_56 : memref<80x128xf32, #tpu.memory_space<vmem_shared>>)
      tpu.yield
    }) : () -> ()
    %mul3A_16 = arith.constant 640 : i32
    %mul3A_17 = arith.muli %arg1, %mul3A_16 : i32
    %add3A_18 = arith.constant 240 : i32
    %add3A_19 = arith.addi %mul3A_17, %add3A_18 : i32
    "tpu.region"() ({
      %run_scoped3A = tpu.sem_alloc : memref<!tpu.dma_semaphore, #tpu.memory_space<semaphore_mem>>
      %dma_start3A = arith.constant 0 : i32
      %dma_start3A_51 = tpu.memref_slice %arg12[%add3A_19, %dma_start3A] : memref<10240x128xf32, #tpu.memory_space<vmem_shared>> -> memref<80x128xf32, #tpu.memory_space<vmem_shared>>
      %dma_start3A_52 = arith.constant 0 : i32
      %dma_start3A_53 = tpu.memref_slice %arg12[%add3A_19, %dma_start3A_52] : memref<10240x128xf32, #tpu.memory_space<vmem_shared>> -> memref<80x128xf32, #tpu.memory_space<vmem_shared>>
      tpu.enqueue_dma source(%arg8 : memref<80x128xf32, #tpu.memory_space<vmem>>) target(%dma_start3A_53 : memref<80x128xf32, #tpu.memory_space<vmem_shared>>) target_semaphore(%run_scoped3A : memref<!tpu.dma_semaphore, #tpu.memory_space<semaphore_mem>>)
      %dma_wait3A = arith.constant 0 : i32
      %dma_wait3A_54 = tpu.memref_slice %arg12[%add3A_19, %dma_wait3A] : memref<10240x128xf32, #tpu.memory_space<vmem_shared>> -> memref<80x128xf32, #tpu.memory_space<vmem_shared>>
      %dma_wait3A_55 = arith.constant 0 : i32
      %dma_wait3A_56 = tpu.memref_slice %arg12[%add3A_19, %dma_wait3A_55] : memref<10240x128xf32, #tpu.memory_space<vmem_shared>> -> memref<80x128xf32, #tpu.memory_space<vmem_shared>>
      tpu.wait_dma2 semaphore(%run_scoped3A : memref<!tpu.dma_semaphore, #tpu.memory_space<semaphore_mem>>) src(%arg8 : memref<80x128xf32, #tpu.memory_space<vmem>>) dst(%dma_wait3A_56 : memref<80x128xf32, #tpu.memory_space<vmem_shared>>)
      tpu.yield
    }) : () -> ()
    %mul3A_20 = arith.constant 640 : i32
    %mul3A_21 = arith.muli %arg1, %mul3A_20 : i32
    %add3A_22 = arith.constant 320 : i32
    %add3A_23 = arith.addi %mul3A_21, %add3A_22 : i32
    "tpu.region"() ({
      %run_scoped3A = tpu.sem_alloc : memref<!tpu.dma_semaphore, #tpu.memory_space<semaphore_mem>>
      %dma_start3A = arith.constant 0 : i32
      %dma_start3A_51 = tpu.memref_slice %arg12[%add3A_23, %dma_start3A] : memref<10240x128xf32, #tpu.memory_space<vmem_shared>> -> memref<80x128xf32, #tpu.memory_space<vmem_shared>>
      %dma_start3A_52 = arith.constant 0 : i32
      %dma_start3A_53 = tpu.memref_slice %arg12[%add3A_23, %dma_start3A_52] : memref<10240x128xf32, #tpu.memory_space<vmem_shared>> -> memref<80x128xf32, #tpu.memory_space<vmem_shared>>
      tpu.enqueue_dma source(%arg8 : memref<80x128xf32, #tpu.memory_space<vmem>>) target(%dma_start3A_53 : memref<80x128xf32, #tpu.memory_space<vmem_shared>>) target_semaphore(%run_scoped3A : memref<!tpu.dma_semaphore, #tpu.memory_space<semaphore_mem>>)
      %dma_wait3A = arith.constant 0 : i32
      %dma_wait3A_54 = tpu.memref_slice %arg12[%add3A_23, %dma_wait3A] : memref<10240x128xf32, #tpu.memory_space<vmem_shared>> -> memref<80x128xf32, #tpu.memory_space<vmem_shared>>
      %dma_wait3A_55 = arith.constant 0 : i32
      %dma_wait3A_56 = tpu.memref_slice %arg12[%add3A_23, %dma_wait3A_55] : memref<10240x128xf32, #tpu.memory_space<vmem_shared>> -> memref<80x128xf32, #tpu.memory_space<vmem_shared>>
      tpu.wait_dma2 semaphore(%run_scoped3A : memref<!tpu.dma_semaphore, #tpu.memory_space<semaphore_mem>>) src(%arg8 : memref<80x128xf32, #tpu.memory_space<vmem>>) dst(%dma_wait3A_56 : memref<80x128xf32, #tpu.memory_space<vmem_shared>>)
      tpu.yield
    }) : () -> ()
    %mul3A_24 = arith.constant 640 : i32
    %mul3A_25 = arith.muli %arg1, %mul3A_24 : i32
    %add3A_26 = arith.constant 400 : i32
    %add3A_27 = arith.addi %mul3A_25, %add3A_26 : i32
    "tpu.region"() ({
      %run_scoped3A = tpu.sem_alloc : memref<!tpu.dma_semaphore, #tpu.memory_space<semaphore_mem>>
      %dma_start3A = arith.constant 0 : i32
      %dma_start3A_51 = tpu.memref_slice %arg12[%add3A_27, %dma_start3A] : memref<10240x128xf32, #tpu.memory_space<vmem_shared>> -> memref<80x128xf32, #tpu.memory_space<vmem_shared>>
      %dma_start3A_52 = arith.constant 0 : i32
      %dma_start3A_53 = tpu.memref_slice %arg12[%add3A_27, %dma_start3A_52] : memref<10240x128xf32, #tpu.memory_space<vmem_shared>> -> memref<80x128xf32, #tpu.memory_space<vmem_shared>>
      tpu.enqueue_dma source(%arg8 : memref<80x128xf32, #tpu.memory_space<vmem>>) target(%dma_start3A_53 : memref<80x128xf32, #tpu.memory_space<vmem_shared>>) target_semaphore(%run_scoped3A : memref<!tpu.dma_semaphore, #tpu.memory_space<semaphore_mem>>)
      %dma_wait3A = arith.constant 0 : i32
      %dma_wait3A_54 = tpu.memref_slice %arg12[%add3A_27, %dma_wait3A] : memref<10240x128xf32, #tpu.memory_space<vmem_shared>> -> memref<80x128xf32, #tpu.memory_space<vmem_shared>>
      %dma_wait3A_55 = arith.constant 0 : i32
      %dma_wait3A_56 = tpu.memref_slice %arg12[%add3A_27, %dma_wait3A_55] : memref<10240x128xf32, #tpu.memory_space<vmem_shared>> -> memref<80x128xf32, #tpu.memory_space<vmem_shared>>
      tpu.wait_dma2 semaphore(%run_scoped3A : memref<!tpu.dma_semaphore, #tpu.memory_space<semaphore_mem>>) src(%arg8 : memref<80x128xf32, #tpu.memory_space<vmem>>) dst(%dma_wait3A_56 : memref<80x128xf32, #tpu.memory_space<vmem_shared>>)
      tpu.yield
    }) : () -> ()
    %mul3A_28 = arith.constant 640 : i32
    %mul3A_29 = arith.muli %arg1, %mul3A_28 : i32
    %add3A_30 = arith.constant 480 : i32
    %add3A_31 = arith.addi %mul3A_29, %add3A_30 : i32
    "tpu.region"() ({
      %run_scoped3A = tpu.sem_alloc : memref<!tpu.dma_semaphore, #tpu.memory_space<semaphore_mem>>
      %dma_start3A = arith.constant 0 : i32
      %dma_start3A_51 = tpu.memref_slice %arg12[%add3A_31, %dma_start3A] : memref<10240x128xf32, #tpu.memory_space<vmem_shared>> -> memref<80x128xf32, #tpu.memory_space<vmem_shared>>
      %dma_start3A_52 = arith.constant 0 : i32
      %dma_start3A_53 = tpu.memref_slice %arg12[%add3A_31, %dma_start3A_52] : memref<10240x128xf32, #tpu.memory_space<vmem_shared>> -> memref<80x128xf32, #tpu.memory_space<vmem_shared>>
      tpu.enqueue_dma source(%arg8 : memref<80x128xf32, #tpu.memory_space<vmem>>) target(%dma_start3A_53 : memref<80x128xf32, #tpu.memory_space<vmem_shared>>) target_semaphore(%run_scoped3A : memref<!tpu.dma_semaphore, #tpu.memory_space<semaphore_mem>>)
      %dma_wait3A = arith.constant 0 : i32
      %dma_wait3A_54 = tpu.memref_slice %arg12[%add3A_31, %dma_wait3A] : memref<10240x128xf32, #tpu.memory_space<vmem_shared>> -> memref<80x128xf32, #tpu.memory_space<vmem_shared>>
      %dma_wait3A_55 = arith.constant 0 : i32
      %dma_wait3A_56 = tpu.memref_slice %arg12[%add3A_31, %dma_wait3A_55] : memref<10240x128xf32, #tpu.memory_space<vmem_shared>> -> memref<80x128xf32, #tpu.memory_space<vmem_shared>>
      tpu.wait_dma2 semaphore(%run_scoped3A : memref<!tpu.dma_semaphore, #tpu.memory_space<semaphore_mem>>) src(%arg8 : memref<80x128xf32, #tpu.memory_space<vmem>>) dst(%dma_wait3A_56 : memref<80x128xf32, #tpu.memory_space<vmem_shared>>)
      tpu.yield
    }) : () -> ()
    %mul3A_32 = arith.constant 640 : i32
    %mul3A_33 = arith.muli %arg1, %mul3A_32 : i32
    %add3A_34 = arith.constant 560 : i32
    %add3A_35 = arith.addi %mul3A_33, %add3A_34 : i32
    "tpu.region"() ({
      %run_scoped3A = tpu.sem_alloc : memref<!tpu.dma_semaphore, #tpu.memory_space<semaphore_mem>>
      %dma_start3A = arith.constant 0 : i32
      %dma_start3A_51 = tpu.memref_slice %arg12[%add3A_35, %dma_start3A] : memref<10240x128xf32, #tpu.memory_space<vmem_shared>> -> memref<80x128xf32, #tpu.memory_space<vmem_shared>>
      %dma_start3A_52 = arith.constant 0 : i32
      %dma_start3A_53 = tpu.memref_slice %arg12[%add3A_35, %dma_start3A_52] : memref<10240x128xf32, #tpu.memory_space<vmem_shared>> -> memref<80x128xf32, #tpu.memory_space<vmem_shared>>
      tpu.enqueue_dma source(%arg8 : memref<80x128xf32, #tpu.memory_space<vmem>>) target(%dma_start3A_53 : memref<80x128xf32, #tpu.memory_space<vmem_shared>>) target_semaphore(%run_scoped3A : memref<!tpu.dma_semaphore, #tpu.memory_space<semaphore_mem>>)
      %dma_wait3A = arith.constant 0 : i32
      %dma_wait3A_54 = tpu.memref_slice %arg12[%add3A_35, %dma_wait3A] : memref<10240x128xf32, #tpu.memory_space<vmem_shared>> -> memref<80x128xf32, #tpu.memory_space<vmem_shared>>
      %dma_wait3A_55 = arith.constant 0 : i32
      %dma_wait3A_56 = tpu.memref_slice %arg12[%add3A_35, %dma_wait3A_55] : memref<10240x128xf32, #tpu.memory_space<vmem_shared>> -> memref<80x128xf32, #tpu.memory_space<vmem_shared>>
      tpu.wait_dma2 semaphore(%run_scoped3A : memref<!tpu.dma_semaphore, #tpu.memory_space<semaphore_mem>>) src(%arg8 : memref<80x128xf32, #tpu.memory_space<vmem>>) dst(%dma_wait3A_56 : memref<80x128xf32, #tpu.memory_space<vmem_shared>>)
      tpu.yield
    }) : () -> ()
    %barrier3A = arith.constant 0 : index
    tpu.barrier barrier_id(%barrier3A)
    %scan3A_36 = arith.constant 0 : i32
    %scan3A_37 = arith.constant 0 : i32
    %scan3A_38 = arith.constant 5 : i32
    %scan3A_39 = arith.addi %scan3A_37, %scan3A_38 : i32
    %scan3A_40 = arith.constant 1 : i32
    %scan3A_41 = scf.for %scan3A_51 = %scan3A_37 to %scan3A_39 step %scan3A_40 iter_args(%scan3A_52 = %scan3A_36) -> (i32)  : i32 {
      "tpu.region"() ({
        %run_scoped3A = tpu.sem_alloc : memref<!tpu.dma_semaphore, #tpu.memory_space<semaphore_mem>>
        %dma_start3A_81 = arith.constant 0 : i32
        %dma_start3A_82 = arith.constant 0 : i32
        %dma_start3A_83 = tpu.memref_slice %arg3[%arg0, %arg1, %scan3A_51, %dma_start3A_81, %dma_start3A_82] : memref<2x16x5x25x80xi32, #tpu.memory_space<hbm>> -> memref<1x1x1x25x80xi32, #tpu.memory_space<hbm>>
        %dma_start3A_84 = tpu.memref_squeeze %dma_start3A_83 : memref<1x1x1x25x80xi32, #tpu.memory_space<hbm>> -> memref<25x80xi32, #tpu.memory_space<hbm>>
        %dma_start3A_85 = arith.constant 0 : i32
        %dma_start3A_86 = arith.constant 0 : i32
        %dma_start3A_87 = tpu.memref_slice %arg3[%arg0, %arg1, %scan3A_51, %dma_start3A_85, %dma_start3A_86] : memref<2x16x5x25x80xi32, #tpu.memory_space<hbm>> -> memref<1x1x1x25x80xi32, #tpu.memory_space<hbm>>
        %dma_start3A_88 = tpu.memref_squeeze %dma_start3A_87 : memref<1x1x1x25x80xi32, #tpu.memory_space<hbm>> -> memref<25x80xi32, #tpu.memory_space<hbm>>
        tpu.enqueue_dma source(%dma_start3A_88 : memref<25x80xi32, #tpu.memory_space<hbm>>) target(%arg6 : memref<25x80xi32, #tpu.memory_space<vmem>>) target_semaphore(%run_scoped3A : memref<!tpu.dma_semaphore, #tpu.memory_space<semaphore_mem>>)
        %dma_wait3A = arith.constant 0 : i32
        %dma_wait3A_89 = arith.constant 0 : i32
        %dma_wait3A_90 = tpu.memref_slice %arg3[%arg0, %arg1, %scan3A_51, %dma_wait3A, %dma_wait3A_89] : memref<2x16x5x25x80xi32, #tpu.memory_space<hbm>> -> memref<1x1x1x25x80xi32, #tpu.memory_space<hbm>>
        %dma_wait3A_91 = tpu.memref_squeeze %dma_wait3A_90 : memref<1x1x1x25x80xi32, #tpu.memory_space<hbm>> -> memref<25x80xi32, #tpu.memory_space<hbm>>
        %dma_wait3A_92 = arith.constant 0 : i32
        %dma_wait3A_93 = arith.constant 0 : i32
        %dma_wait3A_94 = tpu.memref_slice %arg3[%arg0, %arg1, %scan3A_51, %dma_wait3A_92, %dma_wait3A_93] : memref<2x16x5x25x80xi32, #tpu.memory_space<hbm>> -> memref<1x1x1x25x80xi32, #tpu.memory_space<hbm>>
        %dma_wait3A_95 = tpu.memref_squeeze %dma_wait3A_94 : memref<1x1x1x25x80xi32, #tpu.memory_space<hbm>> -> memref<25x80xi32, #tpu.memory_space<hbm>>
        tpu.wait_dma2 semaphore(%run_scoped3A : memref<!tpu.dma_semaphore, #tpu.memory_space<semaphore_mem>>) src(%dma_wait3A_95 : memref<25x80xi32, #tpu.memory_space<hbm>>) dst(%arg6 : memref<25x80xi32, #tpu.memory_space<vmem>>)
        tpu.yield
      }) : () -> ()
      "tpu.region"() ({
        %run_scoped3A = tpu.sem_alloc : memref<!tpu.dma_semaphore, #tpu.memory_space<semaphore_mem>>
        %dma_start3A_81 = arith.constant 0 : i32
        %dma_start3A_82 = arith.constant 0 : i32
        %dma_start3A_83 = tpu.memref_slice %arg4[%arg1, %scan3A_51, %dma_start3A_81, %dma_start3A_82] : memref<16x5x25x80xi32, #tpu.memory_space<hbm>> -> memref<1x1x25x80xi32, #tpu.memory_space<hbm>>
        %dma_start3A_84 = tpu.memref_squeeze %dma_start3A_83 : memref<1x1x25x80xi32, #tpu.memory_space<hbm>> -> memref<25x80xi32, #tpu.memory_space<hbm>>
        %dma_start3A_85 = arith.constant 0 : i32
        %dma_start3A_86 = arith.constant 0 : i32
        %dma_start3A_87 = tpu.memref_slice %arg4[%arg1, %scan3A_51, %dma_start3A_85, %dma_start3A_86] : memref<16x5x25x80xi32, #tpu.memory_space<hbm>> -> memref<1x1x25x80xi32, #tpu.memory_space<hbm>>
        %dma_start3A_88 = tpu.memref_squeeze %dma_start3A_87 : memref<1x1x25x80xi32, #tpu.memory_space<hbm>> -> memref<25x80xi32, #tpu.memory_space<hbm>>
        tpu.enqueue_dma source(%dma_start3A_88 : memref<25x80xi32, #tpu.memory_space<hbm>>) target(%arg7 : memref<25x80xi32, #tpu.memory_space<vmem>>) target_semaphore(%run_scoped3A : memref<!tpu.dma_semaphore, #tpu.memory_space<semaphore_mem>>)
        %dma_wait3A = arith.constant 0 : i32
        %dma_wait3A_89 = arith.constant 0 : i32
        %dma_wait3A_90 = tpu.memref_slice %arg4[%arg1, %scan3A_51, %dma_wait3A, %dma_wait3A_89] : memref<16x5x25x80xi32, #tpu.memory_space<hbm>> -> memref<1x1x25x80xi32, #tpu.memory_space<hbm>>
        %dma_wait3A_91 = tpu.memref_squeeze %dma_wait3A_90 : memref<1x1x25x80xi32, #tpu.memory_space<hbm>> -> memref<25x80xi32, #tpu.memory_space<hbm>>
        %dma_wait3A_92 = arith.constant 0 : i32
        %dma_wait3A_93 = arith.constant 0 : i32
        %dma_wait3A_94 = tpu.memref_slice %arg4[%arg1, %scan3A_51, %dma_wait3A_92, %dma_wait3A_93] : memref<16x5x25x80xi32, #tpu.memory_space<hbm>> -> memref<1x1x25x80xi32, #tpu.memory_space<hbm>>
        %dma_wait3A_95 = tpu.memref_squeeze %dma_wait3A_94 : memref<1x1x25x80xi32, #tpu.memory_space<hbm>> -> memref<25x80xi32, #tpu.memory_space<hbm>>
        tpu.wait_dma2 semaphore(%run_scoped3A : memref<!tpu.dma_semaphore, #tpu.memory_space<semaphore_mem>>) src(%dma_wait3A_95 : memref<25x80xi32, #tpu.memory_space<hbm>>) dst(%arg7 : memref<25x80xi32, #tpu.memory_space<vmem>>)
        tpu.yield
      }) : () -> ()
      %dma_start3A = arith.constant 0 : i32
      %dma_start3A_53 = arith.constant 0 : i32
      %dma_start3A_54 = tpu.memref_slice %arg6[%dma_start3A, %dma_start3A_53] : memref<25x80xi32, #tpu.memory_space<vmem>> -> memref<1x80xi32, #tpu.memory_space<vmem>>
      %dma_start3A_55 = tpu.memref_squeeze %dma_start3A_54 : memref<1x80xi32, #tpu.memory_space<vmem>> -> memref<80xi32, #tpu.memory_space<vmem>>
      %dma_start3A_56 = arith.constant 0 : i32
      %dma_start3A_57 = arith.constant 0 : i32
      %dma_start3A_58 = tpu.memref_slice %arg2[%dma_start3A_56, %dma_start3A_57] : memref<20480x128xf32, #tpu.memory_space<hbm>> -> memref<20480x128xf32, #tpu.memory_space<hbm>>
      tpu.enqueue_indirect_dma source(%dma_start3A_58 : memref<20480x128xf32, #tpu.memory_space<hbm>>) target(%arg8 : memref<80x128xf32, #tpu.memory_space<vmem>>) offsets(%dma_start3A_55 : memref<80xi32, #tpu.memory_space<vmem>>) semaphore(%arg13 : memref<!tpu.dma_semaphore, #tpu.memory_space<semaphore_mem>>)
      %dma_start3A_59 = arith.constant 1 : i32
      %dma_start3A_60 = arith.constant 0 : i32
      %dma_start3A_61 = tpu.memref_slice %arg6[%dma_start3A_59, %dma_start3A_60] : memref<25x80xi32, #tpu.memory_space<vmem>> -> memref<1x80xi32, #tpu.memory_space<vmem>>
      %dma_start3A_62 = tpu.memref_squeeze %dma_start3A_61 : memref<1x80xi32, #tpu.memory_space<vmem>> -> memref<80xi32, #tpu.memory_space<vmem>>
      %dma_start3A_63 = arith.constant 0 : i32
      %dma_start3A_64 = arith.constant 0 : i32
      %dma_start3A_65 = tpu.memref_slice %arg2[%dma_start3A_63, %dma_start3A_64] : memref<20480x128xf32, #tpu.memory_space<hbm>> -> memref<20480x128xf32, #tpu.memory_space<hbm>>
      tpu.enqueue_indirect_dma source(%dma_start3A_65 : memref<20480x128xf32, #tpu.memory_space<hbm>>) target(%arg9 : memref<80x128xf32, #tpu.memory_space<vmem>>) offsets(%dma_start3A_62 : memref<80xi32, #tpu.memory_space<vmem>>) semaphore(%arg14 : memref<!tpu.dma_semaphore, #tpu.memory_space<semaphore_mem>>)
      %dma_start3A_66 = arith.constant 2 : i32
      %dma_start3A_67 = arith.constant 0 : i32
      %dma_start3A_68 = tpu.memref_slice %arg6[%dma_start3A_66, %dma_start3A_67] : memref<25x80xi32, #tpu.memory_space<vmem>> -> memref<1x80xi32, #tpu.memory_space<vmem>>
      %dma_start3A_69 = tpu.memref_squeeze %dma_start3A_68 : memref<1x80xi32, #tpu.memory_space<vmem>> -> memref<80xi32, #tpu.memory_space<vmem>>
      %dma_start3A_70 = arith.constant 0 : i32
      %dma_start3A_71 = arith.constant 0 : i32
      %dma_start3A_72 = tpu.memref_slice %arg2[%dma_start3A_70, %dma_start3A_71] : memref<20480x128xf32, #tpu.memory_space<hbm>> -> memref<20480x128xf32, #tpu.memory_space<hbm>>
      tpu.enqueue_indirect_dma source(%dma_start3A_72 : memref<20480x128xf32, #tpu.memory_space<hbm>>) target(%arg10 : memref<80x128xf32, #tpu.memory_space<vmem>>) offsets(%dma_start3A_69 : memref<80xi32, #tpu.memory_space<vmem>>) semaphore(%arg15 : memref<!tpu.dma_semaphore, #tpu.memory_space<semaphore_mem>>)
      %scan3A_73 = arith.constant 0 : i32
      %scan3A_74 = arith.constant 0 : i32
      %scan3A_75 = arith.constant 25 : i32
      %scan3A_76 = arith.addi %scan3A_74, %scan3A_75 : i32
      %scan3A_77 = arith.constant 1 : i32
      %scan3A_78 = scf.for %scan3A_81 = %scan3A_74 to %scan3A_76 step %scan3A_77 iter_args(%scan3A_82 = %scan3A_73) -> (i32)  : i32 {
        %jit3A = arith.constant 4 : i32
        %eq3A = arith.constant 0 : i32
        %eq3A_83 = arith.cmpi eq, %jit3A, %eq3A : i32
        %jit3A_84 = arith.constant 1 : i32
        %select_n3A = arith.select %eq3A_83, %jit3A_84, %jit3A : i32
        %rem3A = arith.remsi %scan3A_81, %select_n3A : i32
        %ne3A = arith.constant 0 : i32
        %ne3A_85 = arith.cmpi ne, %rem3A, %ne3A : i32
        %lt3A = arith.constant 0 : i32
        %lt3A_86 = arith.cmpi slt, %rem3A, %lt3A : i32
        %lt3A_87 = arith.constant 0 : i32
        %lt3A_88 = arith.cmpi slt, %select_n3A, %lt3A_87 : i32
        %ne3A_89 = arith.xori %lt3A_86, %lt3A_88 : i1
        %and3A = arith.andi %ne3A_89, %ne3A_85 : i1
        %add3A_90 = arith.addi %rem3A, %select_n3A : i32
        %select_n3A_91 = arith.select %and3A, %add3A_90, %rem3A : i32
        %eq3A_92 = arith.constant 0 : i32
        %eq3A_93 = arith.cmpi eq, %select_n3A_91, %eq3A_92 : i32
        %convert_element_type3A = arith.extui %eq3A_93 : i1 to i32
        %cond3A = arith.constant 0 : i32
        %cond3A_94 = arith.cmpi ne, %convert_element_type3A, %cond3A : i32
        scf.if %cond3A_94 {
          %dma_wait3A = arith.constant 0 : i32
          %dma_wait3A_159 = tpu.memref_slice %arg6[%scan3A_81, %dma_wait3A] : memref<25x80xi32, #tpu.memory_space<vmem>> -> memref<1x80xi32, #tpu.memory_space<vmem>>
          %dma_wait3A_160 = tpu.memref_squeeze %dma_wait3A_159 : memref<1x80xi32, #tpu.memory_space<vmem>> -> memref<80xi32, #tpu.memory_space<vmem>>
          %dma_wait3A_161 = arith.constant 0 : i32
          %dma_wait3A_162 = arith.constant 0 : i32
          %dma_wait3A_163 = tpu.memref_slice %arg2[%dma_wait3A_161, %dma_wait3A_162] : memref<20480x128xf32, #tpu.memory_space<hbm>> -> memref<20480x128xf32, #tpu.memory_space<hbm>>
          tpu.wait_indirect_dma semaphore(%arg13 : memref<!tpu.dma_semaphore, #tpu.memory_space<semaphore_mem>>) src(%dma_wait3A_163 : memref<20480x128xf32, #tpu.memory_space<hbm>>) dst(%arg8 : memref<80x128xf32, #tpu.memory_space<vmem>>)
          %lt3A_164 = arith.constant 22 : i32
          %lt3A_165 = arith.cmpi slt, %scan3A_81, %lt3A_164 : i32
          %convert_element_type3A_166 = arith.extui %lt3A_165 : i1 to i32
          %cond3A_167 = arith.constant 0 : i32
          %cond3A_168 = arith.cmpi ne, %convert_element_type3A_166, %cond3A_167 : i32
          scf.if %cond3A_168 {
            %add3A_169 = arith.constant 4 : i32
            %add3A_170 = arith.addi %scan3A_81, %add3A_169 : i32
            %sub3A = arith.constant 1 : i32
            %sub3A_171 = arith.subi %add3A_170, %sub3A : i32
            %dma_start3A_172 = arith.constant 0 : i32
            %dma_start3A_173 = tpu.memref_slice %arg6[%sub3A_171, %dma_start3A_172] : memref<25x80xi32, #tpu.memory_space<vmem>> -> memref<1x80xi32, #tpu.memory_space<vmem>>
            %dma_start3A_174 = tpu.memref_squeeze %dma_start3A_173 : memref<1x80xi32, #tpu.memory_space<vmem>> -> memref<80xi32, #tpu.memory_space<vmem>>
            %dma_start3A_175 = arith.constant 0 : i32
            %dma_start3A_176 = arith.constant 0 : i32
            %dma_start3A_177 = tpu.memref_slice %arg2[%dma_start3A_175, %dma_start3A_176] : memref<20480x128xf32, #tpu.memory_space<hbm>> -> memref<20480x128xf32, #tpu.memory_space<hbm>>
            tpu.enqueue_indirect_dma source(%dma_start3A_177 : memref<20480x128xf32, #tpu.memory_space<hbm>>) target(%arg11 : memref<80x128xf32, #tpu.memory_space<vmem>>) offsets(%dma_start3A_174 : memref<80xi32, #tpu.memory_space<vmem>>) semaphore(%arg16 : memref<!tpu.dma_semaphore, #tpu.memory_space<semaphore_mem>>)
          } else {
          }
          "tpu.region"() ({
            %run_scoped3A = tpu.sem_alloc : memref<!tpu.dma_semaphore, #tpu.memory_space<semaphore_mem>>
            %dma_start3A_169 = arith.constant 0 : i32
            %dma_start3A_170 = tpu.memref_slice %arg7[%scan3A_81, %dma_start3A_169] : memref<25x80xi32, #tpu.memory_space<vmem>> -> memref<1x80xi32, #tpu.memory_space<vmem>>
            %dma_start3A_171 = tpu.memref_squeeze %dma_start3A_170 : memref<1x80xi32, #tpu.memory_space<vmem>> -> memref<80xi32, #tpu.memory_space<vmem>>
            %dma_start3A_172 = arith.constant 0 : i32
            %dma_start3A_173 = arith.constant 0 : i32
            %dma_start3A_174 = tpu.memref_slice %arg12[%dma_start3A_172, %dma_start3A_173] : memref<10240x128xf32, #tpu.memory_space<vmem_shared>> -> memref<10240x128xf32, #tpu.memory_space<vmem_shared>>
            tpu.enqueue_indirect_dma source(%arg8 : memref<80x128xf32, #tpu.memory_space<vmem>>) target(%dma_start3A_174 : memref<10240x128xf32, #tpu.memory_space<vmem_shared>>) offsets(%dma_start3A_171 : memref<80xi32, #tpu.memory_space<vmem>>) semaphore(%run_scoped3A : memref<!tpu.dma_semaphore, #tpu.memory_space<semaphore_mem>>) {add = true}
            %dma_wait3A_175 = arith.constant 0 : i32
            %dma_wait3A_176 = tpu.memref_slice %arg7[%scan3A_81, %dma_wait3A_175] : memref<25x80xi32, #tpu.memory_space<vmem>> -> memref<1x80xi32, #tpu.memory_space<vmem>>
            %dma_wait3A_177 = tpu.memref_squeeze %dma_wait3A_176 : memref<1x80xi32, #tpu.memory_space<vmem>> -> memref<80xi32, #tpu.memory_space<vmem>>
            %dma_wait3A_178 = arith.constant 0 : i32
            %dma_wait3A_179 = arith.constant 0 : i32
            %dma_wait3A_180 = tpu.memref_slice %arg12[%dma_wait3A_178, %dma_wait3A_179] : memref<10240x128xf32, #tpu.memory_space<vmem_shared>> -> memref<10240x128xf32, #tpu.memory_space<vmem_shared>>
            tpu.wait_indirect_dma semaphore(%run_scoped3A : memref<!tpu.dma_semaphore, #tpu.memory_space<semaphore_mem>>) src(%arg8 : memref<80x128xf32, #tpu.memory_space<vmem>>) dst(%dma_wait3A_180 : memref<10240x128xf32, #tpu.memory_space<vmem_shared>>)
            tpu.yield
          }) : () -> ()
        } else {
        }
        %jit3A_95 = arith.constant 4 : i32
        %eq3A_96 = arith.constant 0 : i32
        %eq3A_97 = arith.cmpi eq, %jit3A_95, %eq3A_96 : i32
        %jit3A_98 = arith.constant 1 : i32
        %select_n3A_99 = arith.select %eq3A_97, %jit3A_98, %jit3A_95 : i32
        %rem3A_100 = arith.remsi %scan3A_81, %select_n3A_99 : i32
        %ne3A_101 = arith.constant 0 : i32
        %ne3A_102 = arith.cmpi ne, %rem3A_100, %ne3A_101 : i32
        %lt3A_103 = arith.constant 0 : i32
        %lt3A_104 = arith.cmpi slt, %rem3A_100, %lt3A_103 : i32
        %lt3A_105 = arith.constant 0 : i32
        %lt3A_106 = arith.cmpi slt, %select_n3A_99, %lt3A_105 : i32
        %ne3A_107 = arith.xori %lt3A_104, %lt3A_106 : i1
        %and3A_108 = arith.andi %ne3A_107, %ne3A_102 : i1
        %add3A_109 = arith.addi %rem3A_100, %select_n3A_99 : i32
        %select_n3A_110 = arith.select %and3A_108, %add3A_109, %rem3A_100 : i32
        %eq3A_111 = arith.constant 1 : i32
        %eq3A_112 = arith.cmpi eq, %select_n3A_110, %eq3A_111 : i32
        %convert_element_type3A_113 = arith.extui %eq3A_112 : i1 to i32
        %cond3A_114 = arith.constant 0 : i32
        %cond3A_115 = arith.cmpi ne, %convert_element_type3A_113, %cond3A_114 : i32
        scf.if %cond3A_115 {
          %dma_wait3A = arith.constant 0 : i32
          %dma_wait3A_159 = tpu.memref_slice %arg6[%scan3A_81, %dma_wait3A] : memref<25x80xi32, #tpu.memory_space<vmem>> -> memref<1x80xi32, #tpu.memory_space<vmem>>
          %dma_wait3A_160 = tpu.memref_squeeze %dma_wait3A_159 : memref<1x80xi32, #tpu.memory_space<vmem>> -> memref<80xi32, #tpu.memory_space<vmem>>
          %dma_wait3A_161 = arith.constant 0 : i32
          %dma_wait3A_162 = arith.constant 0 : i32
          %dma_wait3A_163 = tpu.memref_slice %arg2[%dma_wait3A_161, %dma_wait3A_162] : memref<20480x128xf32, #tpu.memory_space<hbm>> -> memref<20480x128xf32, #tpu.memory_space<hbm>>
          tpu.wait_indirect_dma semaphore(%arg14 : memref<!tpu.dma_semaphore, #tpu.memory_space<semaphore_mem>>) src(%dma_wait3A_163 : memref<20480x128xf32, #tpu.memory_space<hbm>>) dst(%arg9 : memref<80x128xf32, #tpu.memory_space<vmem>>)
          %lt3A_164 = arith.constant 22 : i32
          %lt3A_165 = arith.cmpi slt, %scan3A_81, %lt3A_164 : i32
          %convert_element_type3A_166 = arith.extui %lt3A_165 : i1 to i32
          %cond3A_167 = arith.constant 0 : i32
          %cond3A_168 = arith.cmpi ne, %convert_element_type3A_166, %cond3A_167 : i32
          scf.if %cond3A_168 {
            %add3A_169 = arith.constant 4 : i32
            %add3A_170 = arith.addi %scan3A_81, %add3A_169 : i32
            %sub3A = arith.constant 1 : i32
            %sub3A_171 = arith.subi %add3A_170, %sub3A : i32
            %dma_start3A_172 = arith.constant 0 : i32
            %dma_start3A_173 = tpu.memref_slice %arg6[%sub3A_171, %dma_start3A_172] : memref<25x80xi32, #tpu.memory_space<vmem>> -> memref<1x80xi32, #tpu.memory_space<vmem>>
            %dma_start3A_174 = tpu.memref_squeeze %dma_start3A_173 : memref<1x80xi32, #tpu.memory_space<vmem>> -> memref<80xi32, #tpu.memory_space<vmem>>
            %dma_start3A_175 = arith.constant 0 : i32
            %dma_start3A_176 = arith.constant 0 : i32
            %dma_start3A_177 = tpu.memref_slice %arg2[%dma_start3A_175, %dma_start3A_176] : memref<20480x128xf32, #tpu.memory_space<hbm>> -> memref<20480x128xf32, #tpu.memory_space<hbm>>
            tpu.enqueue_indirect_dma source(%dma_start3A_177 : memref<20480x128xf32, #tpu.memory_space<hbm>>) target(%arg8 : memref<80x128xf32, #tpu.memory_space<vmem>>) offsets(%dma_start3A_174 : memref<80xi32, #tpu.memory_space<vmem>>) semaphore(%arg13 : memref<!tpu.dma_semaphore, #tpu.memory_space<semaphore_mem>>)
          } else {
          }
          "tpu.region"() ({
            %run_scoped3A = tpu.sem_alloc : memref<!tpu.dma_semaphore, #tpu.memory_space<semaphore_mem>>
            %dma_start3A_169 = arith.constant 0 : i32
            %dma_start3A_170 = tpu.memref_slice %arg7[%scan3A_81, %dma_start3A_169] : memref<25x80xi32, #tpu.memory_space<vmem>> -> memref<1x80xi32, #tpu.memory_space<vmem>>
            %dma_start3A_171 = tpu.memref_squeeze %dma_start3A_170 : memref<1x80xi32, #tpu.memory_space<vmem>> -> memref<80xi32, #tpu.memory_space<vmem>>
            %dma_start3A_172 = arith.constant 0 : i32
            %dma_start3A_173 = arith.constant 0 : i32
            %dma_start3A_174 = tpu.memref_slice %arg12[%dma_start3A_172, %dma_start3A_173] : memref<10240x128xf32, #tpu.memory_space<vmem_shared>> -> memref<10240x128xf32, #tpu.memory_space<vmem_shared>>
            tpu.enqueue_indirect_dma source(%arg9 : memref<80x128xf32, #tpu.memory_space<vmem>>) target(%dma_start3A_174 : memref<10240x128xf32, #tpu.memory_space<vmem_shared>>) offsets(%dma_start3A_171 : memref<80xi32, #tpu.memory_space<vmem>>) semaphore(%run_scoped3A : memref<!tpu.dma_semaphore, #tpu.memory_space<semaphore_mem>>) {add = true}
            %dma_wait3A_175 = arith.constant 0 : i32
            %dma_wait3A_176 = tpu.memref_slice %arg7[%scan3A_81, %dma_wait3A_175] : memref<25x80xi32, #tpu.memory_space<vmem>> -> memref<1x80xi32, #tpu.memory_space<vmem>>
            %dma_wait3A_177 = tpu.memref_squeeze %dma_wait3A_176 : memref<1x80xi32, #tpu.memory_space<vmem>> -> memref<80xi32, #tpu.memory_space<vmem>>
            %dma_wait3A_178 = arith.constant 0 : i32
            %dma_wait3A_179 = arith.constant 0 : i32
            %dma_wait3A_180 = tpu.memref_slice %arg12[%dma_wait3A_178, %dma_wait3A_179] : memref<10240x128xf32, #tpu.memory_space<vmem_shared>> -> memref<10240x128xf32, #tpu.memory_space<vmem_shared>>
            tpu.wait_indirect_dma semaphore(%run_scoped3A : memref<!tpu.dma_semaphore, #tpu.memory_space<semaphore_mem>>) src(%arg9 : memref<80x128xf32, #tpu.memory_space<vmem>>) dst(%dma_wait3A_180 : memref<10240x128xf32, #tpu.memory_space<vmem_shared>>)
            tpu.yield
          }) : () -> ()
        } else {
        }
        %jit3A_116 = arith.constant 4 : i32
        %eq3A_117 = arith.constant 0 : i32
        %eq3A_118 = arith.cmpi eq, %jit3A_116, %eq3A_117 : i32
        %jit3A_119 = arith.constant 1 : i32
        %select_n3A_120 = arith.select %eq3A_118, %jit3A_119, %jit3A_116 : i32
        %rem3A_121 = arith.remsi %scan3A_81, %select_n3A_120 : i32
        %ne3A_122 = arith.constant 0 : i32
        %ne3A_123 = arith.cmpi ne, %rem3A_121, %ne3A_122 : i32
        %lt3A_124 = arith.constant 0 : i32
        %lt3A_125 = arith.cmpi slt, %rem3A_121, %lt3A_124 : i32
        %lt3A_126 = arith.constant 0 : i32
        %lt3A_127 = arith.cmpi slt, %select_n3A_120, %lt3A_126 : i32
        %ne3A_128 = arith.xori %lt3A_125, %lt3A_127 : i1
        %and3A_129 = arith.andi %ne3A_128, %ne3A_123 : i1
        %add3A_130 = arith.addi %rem3A_121, %select_n3A_120 : i32
        %select_n3A_131 = arith.select %and3A_129, %add3A_130, %rem3A_121 : i32
        %eq3A_132 = arith.constant 2 : i32
        %eq3A_133 = arith.cmpi eq, %select_n3A_131, %eq3A_132 : i32
        %convert_element_type3A_134 = arith.extui %eq3A_133 : i1 to i32
        %cond3A_135 = arith.constant 0 : i32
        %cond3A_136 = arith.cmpi ne, %convert_element_type3A_134, %cond3A_135 : i32
        scf.if %cond3A_136 {
          %dma_wait3A = arith.constant 0 : i32
          %dma_wait3A_159 = tpu.memref_slice %arg6[%scan3A_81, %dma_wait3A] : memref<25x80xi32, #tpu.memory_space<vmem>> -> memref<1x80xi32, #tpu.memory_space<vmem>>
          %dma_wait3A_160 = tpu.memref_squeeze %dma_wait3A_159 : memref<1x80xi32, #tpu.memory_space<vmem>> -> memref<80xi32, #tpu.memory_space<vmem>>
          %dma_wait3A_161 = arith.constant 0 : i32
          %dma_wait3A_162 = arith.constant 0 : i32
          %dma_wait3A_163 = tpu.memref_slice %arg2[%dma_wait3A_161, %dma_wait3A_162] : memref<20480x128xf32, #tpu.memory_space<hbm>> -> memref<20480x128xf32, #tpu.memory_space<hbm>>
          tpu.wait_indirect_dma semaphore(%arg15 : memref<!tpu.dma_semaphore, #tpu.memory_space<semaphore_mem>>) src(%dma_wait3A_163 : memref<20480x128xf32, #tpu.memory_space<hbm>>) dst(%arg10 : memref<80x128xf32, #tpu.memory_space<vmem>>)
          %lt3A_164 = arith.constant 22 : i32
          %lt3A_165 = arith.cmpi slt, %scan3A_81, %lt3A_164 : i32
          %convert_element_type3A_166 = arith.extui %lt3A_165 : i1 to i32
          %cond3A_167 = arith.constant 0 : i32
          %cond3A_168 = arith.cmpi ne, %convert_element_type3A_166, %cond3A_167 : i32
          scf.if %cond3A_168 {
            %add3A_169 = arith.constant 4 : i32
            %add3A_170 = arith.addi %scan3A_81, %add3A_169 : i32
            %sub3A = arith.constant 1 : i32
            %sub3A_171 = arith.subi %add3A_170, %sub3A : i32
            %dma_start3A_172 = arith.constant 0 : i32
            %dma_start3A_173 = tpu.memref_slice %arg6[%sub3A_171, %dma_start3A_172] : memref<25x80xi32, #tpu.memory_space<vmem>> -> memref<1x80xi32, #tpu.memory_space<vmem>>
            %dma_start3A_174 = tpu.memref_squeeze %dma_start3A_173 : memref<1x80xi32, #tpu.memory_space<vmem>> -> memref<80xi32, #tpu.memory_space<vmem>>
            %dma_start3A_175 = arith.constant 0 : i32
            %dma_start3A_176 = arith.constant 0 : i32
            %dma_start3A_177 = tpu.memref_slice %arg2[%dma_start3A_175, %dma_start3A_176] : memref<20480x128xf32, #tpu.memory_space<hbm>> -> memref<20480x128xf32, #tpu.memory_space<hbm>>
            tpu.enqueue_indirect_dma source(%dma_start3A_177 : memref<20480x128xf32, #tpu.memory_space<hbm>>) target(%arg9 : memref<80x128xf32, #tpu.memory_space<vmem>>) offsets(%dma_start3A_174 : memref<80xi32, #tpu.memory_space<vmem>>) semaphore(%arg14 : memref<!tpu.dma_semaphore, #tpu.memory_space<semaphore_mem>>)
          } else {
          }
          "tpu.region"() ({
            %run_scoped3A = tpu.sem_alloc : memref<!tpu.dma_semaphore, #tpu.memory_space<semaphore_mem>>
            %dma_start3A_169 = arith.constant 0 : i32
            %dma_start3A_170 = tpu.memref_slice %arg7[%scan3A_81, %dma_start3A_169] : memref<25x80xi32, #tpu.memory_space<vmem>> -> memref<1x80xi32, #tpu.memory_space<vmem>>
            %dma_start3A_171 = tpu.memref_squeeze %dma_start3A_170 : memref<1x80xi32, #tpu.memory_space<vmem>> -> memref<80xi32, #tpu.memory_space<vmem>>
            %dma_start3A_172 = arith.constant 0 : i32
            %dma_start3A_173 = arith.constant 0 : i32
            %dma_start3A_174 = tpu.memref_slice %arg12[%dma_start3A_172, %dma_start3A_173] : memref<10240x128xf32, #tpu.memory_space<vmem_shared>> -> memref<10240x128xf32, #tpu.memory_space<vmem_shared>>
            tpu.enqueue_indirect_dma source(%arg10 : memref<80x128xf32, #tpu.memory_space<vmem>>) target(%dma_start3A_174 : memref<10240x128xf32, #tpu.memory_space<vmem_shared>>) offsets(%dma_start3A_171 : memref<80xi32, #tpu.memory_space<vmem>>) semaphore(%run_scoped3A : memref<!tpu.dma_semaphore, #tpu.memory_space<semaphore_mem>>) {add = true}
            %dma_wait3A_175 = arith.constant 0 : i32
            %dma_wait3A_176 = tpu.memref_slice %arg7[%scan3A_81, %dma_wait3A_175] : memref<25x80xi32, #tpu.memory_space<vmem>> -> memref<1x80xi32, #tpu.memory_space<vmem>>
            %dma_wait3A_177 = tpu.memref_squeeze %dma_wait3A_176 : memref<1x80xi32, #tpu.memory_space<vmem>> -> memref<80xi32, #tpu.memory_space<vmem>>
            %dma_wait3A_178 = arith.constant 0 : i32
            %dma_wait3A_179 = arith.constant 0 : i32
            %dma_wait3A_180 = tpu.memref_slice %arg12[%dma_wait3A_178, %dma_wait3A_179] : memref<10240x128xf32, #tpu.memory_space<vmem_shared>> -> memref<10240x128xf32, #tpu.memory_space<vmem_shared>>
            tpu.wait_indirect_dma semaphore(%run_scoped3A : memref<!tpu.dma_semaphore, #tpu.memory_space<semaphore_mem>>) src(%arg10 : memref<80x128xf32, #tpu.memory_space<vmem>>) dst(%dma_wait3A_180 : memref<10240x128xf32, #tpu.memory_space<vmem_shared>>)
            tpu.yield
          }) : () -> ()
        } else {
        }
        %jit3A_137 = arith.constant 4 : i32
        %eq3A_138 = arith.constant 0 : i32
        %eq3A_139 = arith.cmpi eq, %jit3A_137, %eq3A_138 : i32
        %jit3A_140 = arith.constant 1 : i32
        %select_n3A_141 = arith.select %eq3A_139, %jit3A_140, %jit3A_137 : i32
        %rem3A_142 = arith.remsi %scan3A_81, %select_n3A_141 : i32
        %ne3A_143 = arith.constant 0 : i32
        %ne3A_144 = arith.cmpi ne, %rem3A_142, %ne3A_143 : i32
        %lt3A_145 = arith.constant 0 : i32
        %lt3A_146 = arith.cmpi slt, %rem3A_142, %lt3A_145 : i32
        %lt3A_147 = arith.constant 0 : i32
        %lt3A_148 = arith.cmpi slt, %select_n3A_141, %lt3A_147 : i32
        %ne3A_149 = arith.xori %lt3A_146, %lt3A_148 : i1
        %and3A_150 = arith.andi %ne3A_149, %ne3A_144 : i1
        %add3A_151 = arith.addi %rem3A_142, %select_n3A_141 : i32
        %select_n3A_152 = arith.select %and3A_150, %add3A_151, %rem3A_142 : i32
        %eq3A_153 = arith.constant 3 : i32
        %eq3A_154 = arith.cmpi eq, %select_n3A_152, %eq3A_153 : i32
        %convert_element_type3A_155 = arith.extui %eq3A_154 : i1 to i32
        %cond3A_156 = arith.constant 0 : i32
        %cond3A_157 = arith.cmpi ne, %convert_element_type3A_155, %cond3A_156 : i32
        scf.if %cond3A_157 {
          %dma_wait3A = arith.constant 0 : i32
          %dma_wait3A_159 = tpu.memref_slice %arg6[%scan3A_81, %dma_wait3A] : memref<25x80xi32, #tpu.memory_space<vmem>> -> memref<1x80xi32, #tpu.memory_space<vmem>>
          %dma_wait3A_160 = tpu.memref_squeeze %dma_wait3A_159 : memref<1x80xi32, #tpu.memory_space<vmem>> -> memref<80xi32, #tpu.memory_space<vmem>>
          %dma_wait3A_161 = arith.constant 0 : i32
          %dma_wait3A_162 = arith.constant 0 : i32
          %dma_wait3A_163 = tpu.memref_slice %arg2[%dma_wait3A_161, %dma_wait3A_162] : memref<20480x128xf32, #tpu.memory_space<hbm>> -> memref<20480x128xf32, #tpu.memory_space<hbm>>
          tpu.wait_indirect_dma semaphore(%arg16 : memref<!tpu.dma_semaphore, #tpu.memory_space<semaphore_mem>>) src(%dma_wait3A_163 : memref<20480x128xf32, #tpu.memory_space<hbm>>) dst(%arg11 : memref<80x128xf32, #tpu.memory_space<vmem>>)
          %lt3A_164 = arith.constant 22 : i32
          %lt3A_165 = arith.cmpi slt, %scan3A_81, %lt3A_164 : i32
          %convert_element_type3A_166 = arith.extui %lt3A_165 : i1 to i32
          %cond3A_167 = arith.constant 0 : i32
          %cond3A_168 = arith.cmpi ne, %convert_element_type3A_166, %cond3A_167 : i32
          scf.if %cond3A_168 {
            %add3A_169 = arith.constant 4 : i32
            %add3A_170 = arith.addi %scan3A_81, %add3A_169 : i32
            %sub3A = arith.constant 1 : i32
            %sub3A_171 = arith.subi %add3A_170, %sub3A : i32
            %dma_start3A_172 = arith.constant 0 : i32
            %dma_start3A_173 = tpu.memref_slice %arg6[%sub3A_171, %dma_start3A_172] : memref<25x80xi32, #tpu.memory_space<vmem>> -> memref<1x80xi32, #tpu.memory_space<vmem>>
            %dma_start3A_174 = tpu.memref_squeeze %dma_start3A_173 : memref<1x80xi32, #tpu.memory_space<vmem>> -> memref<80xi32, #tpu.memory_space<vmem>>
            %dma_start3A_175 = arith.constant 0 : i32
            %dma_start3A_176 = arith.constant 0 : i32
            %dma_start3A_177 = tpu.memref_slice %arg2[%dma_start3A_175, %dma_start3A_176] : memref<20480x128xf32, #tpu.memory_space<hbm>> -> memref<20480x128xf32, #tpu.memory_space<hbm>>
            tpu.enqueue_indirect_dma source(%dma_start3A_177 : memref<20480x128xf32, #tpu.memory_space<hbm>>) target(%arg10 : memref<80x128xf32, #tpu.memory_space<vmem>>) offsets(%dma_start3A_174 : memref<80xi32, #tpu.memory_space<vmem>>) semaphore(%arg15 : memref<!tpu.dma_semaphore, #tpu.memory_space<semaphore_mem>>)
          } else {
          }
          "tpu.region"() ({
            %run_scoped3A = tpu.sem_alloc : memref<!tpu.dma_semaphore, #tpu.memory_space<semaphore_mem>>
            %dma_start3A_169 = arith.constant 0 : i32
            %dma_start3A_170 = tpu.memref_slice %arg7[%scan3A_81, %dma_start3A_169] : memref<25x80xi32, #tpu.memory_space<vmem>> -> memref<1x80xi32, #tpu.memory_space<vmem>>
            %dma_start3A_171 = tpu.memref_squeeze %dma_start3A_170 : memref<1x80xi32, #tpu.memory_space<vmem>> -> memref<80xi32, #tpu.memory_space<vmem>>
            %dma_start3A_172 = arith.constant 0 : i32
            %dma_start3A_173 = arith.constant 0 : i32
            %dma_start3A_174 = tpu.memref_slice %arg12[%dma_start3A_172, %dma_start3A_173] : memref<10240x128xf32, #tpu.memory_space<vmem_shared>> -> memref<10240x128xf32, #tpu.memory_space<vmem_shared>>
            tpu.enqueue_indirect_dma source(%arg11 : memref<80x128xf32, #tpu.memory_space<vmem>>) target(%dma_start3A_174 : memref<10240x128xf32, #tpu.memory_space<vmem_shared>>) offsets(%dma_start3A_171 : memref<80xi32, #tpu.memory_space<vmem>>) semaphore(%run_scoped3A : memref<!tpu.dma_semaphore, #tpu.memory_space<semaphore_mem>>) {add = true}
            %dma_wait3A_175 = arith.constant 0 : i32
            %dma_wait3A_176 = tpu.memref_slice %arg7[%scan3A_81, %dma_wait3A_175] : memref<25x80xi32, #tpu.memory_space<vmem>> -> memref<1x80xi32, #tpu.memory_space<vmem>>
            %dma_wait3A_177 = tpu.memref_squeeze %dma_wait3A_176 : memref<1x80xi32, #tpu.memory_space<vmem>> -> memref<80xi32, #tpu.memory_space<vmem>>
            %dma_wait3A_178 = arith.constant 0 : i32
            %dma_wait3A_179 = arith.constant 0 : i32
            %dma_wait3A_180 = tpu.memref_slice %arg12[%dma_wait3A_178, %dma_wait3A_179] : memref<10240x128xf32, #tpu.memory_space<vmem_shared>> -> memref<10240x128xf32, #tpu.memory_space<vmem_shared>>
            tpu.wait_indirect_dma semaphore(%run_scoped3A : memref<!tpu.dma_semaphore, #tpu.memory_space<semaphore_mem>>) src(%arg11 : memref<80x128xf32, #tpu.memory_space<vmem>>) dst(%dma_wait3A_180 : memref<10240x128xf32, #tpu.memory_space<vmem_shared>>)
            tpu.yield
          }) : () -> ()
        } else {
        }
        %scan3A_158 = arith.constant 0 : i32
        scf.yield %scan3A_158 : i32
      }
      %scan3A_79 = arith.constant 25 : i32
      %scan3A_80 = arith.constant 0 : i32
      scf.yield %scan3A_80 : i32
    }
    %scan3A_42 = arith.constant 5 : i32
    %barrier3A_43 = arith.constant 0 : index
    tpu.barrier barrier_id(%barrier3A_43)
    %mul3A_44 = arith.constant 640 : i32
    %mul3A_45 = arith.muli %arg1, %mul3A_44 : i32
    %mul3A_46 = arith.constant 10240 : i32
    %mul3A_47 = arith.muli %arg0, %mul3A_46 : i32
    %mul3A_48 = arith.constant 640 : i32
    %mul3A_49 = arith.muli %arg1, %mul3A_48 : i32
    %add3A_50 = arith.addi %mul3A_47, %mul3A_49 : i32
    "tpu.region"() ({
      %run_scoped3A = tpu.sem_alloc : memref<!tpu.dma_semaphore, #tpu.memory_space<semaphore_mem>>
      %dma_start3A = arith.constant 0 : i32
      %dma_start3A_51 = tpu.memref_slice %arg5[%add3A_50, %dma_start3A] : memref<20480x128xf32, #tpu.memory_space<hbm>> -> memref<640x128xf32, #tpu.memory_space<hbm>>
      %dma_start3A_52 = arith.constant 0 : i32
      %dma_start3A_53 = tpu.memref_slice %arg12[%mul3A_45, %dma_start3A_52] : memref<10240x128xf32, #tpu.memory_space<vmem_shared>> -> memref<640x128xf32, #tpu.memory_space<vmem_shared>>
      tpu.enqueue_dma source(%dma_start3A_53 : memref<640x128xf32, #tpu.memory_space<vmem_shared>>) target(%dma_start3A_51 : memref<640x128xf32, #tpu.memory_space<hbm>>) target_semaphore(%run_scoped3A : memref<!tpu.dma_semaphore, #tpu.memory_space<semaphore_mem>>)
      %dma_wait3A = arith.constant 0 : i32
      %dma_wait3A_54 = tpu.memref_slice %arg5[%add3A_50, %dma_wait3A] : memref<20480x128xf32, #tpu.memory_space<hbm>> -> memref<640x128xf32, #tpu.memory_space<hbm>>
      %dma_wait3A_55 = arith.constant 0 : i32
      %dma_wait3A_56 = tpu.memref_slice %arg12[%mul3A_45, %dma_wait3A_55] : memref<10240x128xf32, #tpu.memory_space<vmem_shared>> -> memref<640x128xf32, #tpu.memory_space<vmem_shared>>
      tpu.wait_dma2 semaphore(%run_scoped3A : memref<!tpu.dma_semaphore, #tpu.memory_space<semaphore_mem>>) src(%dma_wait3A_56 : memref<640x128xf32, #tpu.memory_space<vmem_shared>>) dst(%dma_wait3A_54 : memref<640x128xf32, #tpu.memory_space<hbm>>)
      tpu.yield
    }) : () -> ()
    return
  }
}

module attributes {stable_mosaic.version = 14 : i64} {
  func.func @_tc1_body(%arg0: i32, %arg1: memref<1024x256xf32, #tpu.memory_space<vmem>>, %arg2: memref<256x256xf32, #tpu.memory_space<vmem>>, %arg3: memref<1024x2xf32, #tpu.memory_space<vmem>>, %arg4: memref<2x1024x128xf32, #tpu.memory_space<vmem>>) attributes {dimension_semantics = [#tpu.dimension_semantics<arbitrary>], iteration_bounds = array<i64: 10>, scalar_prefetch = 0 : i64, scratch_operands = 0 : i64, tpu.core_type = #tpu.core_type<tc>, window_params = [{transform_indices = @transform_0, window_bounds = array<i64: 1024, 256>}, {pipeline_mode = #tpu.pipeline_mode<synchronous>, transform_indices = @transform_1, window_bounds = array<i64: 256, 256>}, {transform_indices = @transform_2, window_bounds = array<i64: 1024, 2>}, {transform_indices = @transform_3, window_bounds = array<i64: 2, 1024, 128>}]} {
    %get3A = arith.constant 0 : index
    %get3A_0 = arith.constant 0 : index
    %get3A_1 = vector.load %arg3[%get3A, %get3A_0] : memref<1024x2xf32, #tpu.memory_space<vmem>>, vector<1024x1xf32>
    %get3A_2 = vector.shape_cast %get3A_1 : vector<1024x1xf32> to vector<1024xf32>
    %get3A_3 = arith.constant 0 : index
    %get3A_4 = arith.constant 1 : index
    %get3A_5 = vector.load %arg3[%get3A_3, %get3A_4] : memref<1024x2xf32, #tpu.memory_space<vmem>>, vector<1024x1xf32>
    %get3A_6 = vector.shape_cast %get3A_5 : vector<1024x1xf32> to vector<1024xf32>
    %add3A = arith.addf %get3A_2, %get3A_6 : vector<1024xf32>
    %add3A_7 = arith.constant 1.000000e+00 : f32
    %add3A_8 = vector.broadcast %add3A_7 : f32 to vector<1024xf32>
    %add3A_9 = arith.addf %add3A, %add3A_8 : vector<1024xf32>
    %rsqrt3A = math.rsqrt %add3A_9 : vector<1024xf32>
    %broadcast_in_dim3A = vector.shape_cast %rsqrt3A : vector<1024xf32> to vector<1024x1xf32>
    %get3A_10 = arith.constant 0 : index
    %get3A_11 = arith.constant 0 : index
    %get3A_12 = vector.load %arg1[%get3A_10, %get3A_11] : memref<1024x256xf32, #tpu.memory_space<vmem>>, vector<1024x256xf32>
    %get3A_13 = arith.constant 0 : index
    %get3A_14 = arith.constant 0 : index
    %get3A_15 = vector.load %arg2[%get3A_13, %get3A_14] : memref<256x256xf32, #tpu.memory_space<vmem>>, vector<256x256xf32>
    %dot_general3A = arith.constant dense<0.000000e+00> : vector<1024x256xf32>
    %dot_general3A_16 = tpu.matmul %get3A_12, %get3A_15, %dot_general3A {dimension_numbers = #tpu.dot_dimension_numbers<[1], [0], [0], [1], [0, 0, 1, 1], [], []>, transpose_lhs_hint = false} : vector<1024x256xf32>, vector<256x256xf32>, vector<1024x256xf32> -> vector<1024x256xf32>
    %slice3A = vector.extract_strided_slice %dot_general3A_16 {offsets = [0, 0], sizes = [1024, 128], strides = [1, 1]} : vector<1024x256xf32> to vector<1024x128xf32>
    %mul3A = vector.broadcast %broadcast_in_dim3A : vector<1024x1xf32> to vector<1024x128xf32>
    %mul3A_17 = arith.mulf %slice3A, %mul3A : vector<1024x128xf32>
    %swap3A = arith.constant 0 : index
    %swap3A_18 = arith.constant 0 : index
    %swap3A_19 = arith.constant 0 : index
    %swap3A_20 = vector.load %arg4[%swap3A, %swap3A_18, %swap3A_19] : memref<2x1024x128xf32, #tpu.memory_space<vmem>>, vector<1x1024x128xf32>
    %swap3A_21 = vector.shape_cast %swap3A_20 : vector<1x1024x128xf32> to vector<1024x128xf32>
    %swap3A_22 = vector.shape_cast %mul3A_17 : vector<1024x128xf32> to vector<1x1024x128xf32>
    tpu.vector_store %arg4[%swap3A, %swap3A_18, %swap3A_19], %swap3A_22 {strides = array<i32>} : memref<2x1024x128xf32, #tpu.memory_space<vmem>>, vector<1x1024x128xf32>,
    %slice3A_23 = vector.extract_strided_slice %dot_general3A_16 {offsets = [0, 128], sizes = [1024, 128], strides = [1, 1]} : vector<1024x256xf32> to vector<1024x128xf32>
    %mul3A_24 = vector.broadcast %broadcast_in_dim3A : vector<1024x1xf32> to vector<1024x128xf32>
    %mul3A_25 = arith.mulf %slice3A_23, %mul3A_24 : vector<1024x128xf32>
    %swap3A_26 = arith.constant 1 : index
    %swap3A_27 = arith.constant 0 : index
    %swap3A_28 = arith.constant 0 : index
    %swap3A_29 = vector.load %arg4[%swap3A_26, %swap3A_27, %swap3A_28] : memref<2x1024x128xf32, #tpu.memory_space<vmem>>, vector<1x1024x128xf32>
    %swap3A_30 = vector.shape_cast %swap3A_29 : vector<1x1024x128xf32> to vector<1024x128xf32>
    %swap3A_31 = vector.shape_cast %mul3A_25 : vector<1024x128xf32> to vector<1x1024x128xf32>
    tpu.vector_store %arg4[%swap3A_26, %swap3A_27, %swap3A_28], %swap3A_31 {strides = array<i32>} : memref<2x1024x128xf32, #tpu.memory_space<vmem>>, vector<1x1024x128xf32>,
    return
  }
  func.func @transform_0(%arg0: i32) -> (i32, i32) {
    %c0_i32 = arith.constant 0 : i32
    %c0_i32_0 = arith.constant 0 : i32
    return %arg0, %c0_i32 : i32, i32
  }
  func.func @transform_1(%arg0: i32) -> (i32, i32) {
    %c0_i32 = arith.constant 0 : i32
    %c0_i32_0 = arith.constant 0 : i32
    %c0_i32_1 = arith.constant 0 : i32
    return %c0_i32, %c0_i32_0 : i32, i32
  }
  func.func @transform_2(%arg0: i32) -> (i32, i32) {
    %c0_i32 = arith.constant 0 : i32
    %c0_i32_0 = arith.constant 0 : i32
    return %arg0, %c0_i32 : i32, i32
  }
  func.func @transform_3(%arg0: i32) -> (i32, i32, i32) {
    %c0_i32 = arith.constant 0 : i32
    %c0_i32_0 = arith.constant 0 : i32
    %c0_i32_1 = arith.constant 0 : i32
    return %c0_i32, %arg0, %c0_i32_0 : i32, i32, i32
  }
}

module attributes {stable_mosaic.version = 14 : i64} {
  func.func @_tc2_body(%arg0: i32, %arg1: memref<1024x128xf32, #tpu.memory_space<vmem>>, %arg2: memref<1024x128xf32, #tpu.memory_space<vmem>>, %arg3: memref<1024x128xf32, #tpu.memory_space<vmem>>, %arg4: memref<1024x128xf32, #tpu.memory_space<vmem>>, %arg5: memref<1024x2xf32, #tpu.memory_space<vmem>>, %arg6: memref<1x256xf32, #tpu.memory_space<vmem>>, %arg7: memref<256x256xf32, #tpu.memory_space<vmem>>, %arg8: memref<2x1024x128xf32, #tpu.memory_space<vmem>>) attributes {dimension_semantics = [#tpu.dimension_semantics<arbitrary>], iteration_bounds = array<i64: 10>, scalar_prefetch = 0 : i64, scratch_operands = 0 : i64, tpu.core_type = #tpu.core_type<tc>, window_params = [{transform_indices = @transform_0, window_bounds = array<i64: 1024, 128>}, {transform_indices = @transform_1, window_bounds = array<i64: 1024, 128>}, {transform_indices = @transform_2, window_bounds = array<i64: 1024, 128>}, {transform_indices = @transform_3, window_bounds = array<i64: 1024, 128>}, {transform_indices = @transform_4, window_bounds = array<i64: 1024, 2>}, {pipeline_mode = #tpu.pipeline_mode<synchronous>, transform_indices = @transform_5, window_bounds = array<i64: 1, 256>}, {pipeline_mode = #tpu.pipeline_mode<synchronous>, transform_indices = @transform_6, window_bounds = array<i64: 256, 256>}, {transform_indices = @transform_7, window_bounds = array<i64: 2, 1024, 128>}]} {
    %get3A = arith.constant 0 : index
    %get3A_0 = arith.constant 0 : index
    %get3A_1 = vector.load %arg5[%get3A, %get3A_0] : memref<1024x2xf32, #tpu.memory_space<vmem>>, vector<1024x1xf32>
    %get3A_2 = vector.shape_cast %get3A_1 : vector<1024x1xf32> to vector<1024xf32>
    %get3A_3 = arith.constant 0 : index
    %get3A_4 = arith.constant 1 : index
    %get3A_5 = vector.load %arg5[%get3A_3, %get3A_4] : memref<1024x2xf32, #tpu.memory_space<vmem>>, vector<1024x1xf32>
    %get3A_6 = vector.shape_cast %get3A_5 : vector<1024x1xf32> to vector<1024xf32>
    %add3A = arith.addf %get3A_2, %get3A_6 : vector<1024xf32>
    %add3A_7 = arith.constant 1.000000e+00 : f32
    %add3A_8 = vector.broadcast %add3A_7 : f32 to vector<1024xf32>
    %add3A_9 = arith.addf %add3A, %add3A_8 : vector<1024xf32>
    %rsqrt3A = math.rsqrt %add3A_9 : vector<1024xf32>
    %broadcast_in_dim3A = vector.shape_cast %rsqrt3A : vector<1024xf32> to vector<1024x1xf32>
    %get3A_10 = arith.constant 0 : index
    %get3A_11 = arith.constant 0 : index
    %get3A_12 = vector.load %arg1[%get3A_10, %get3A_11] : memref<1024x128xf32, #tpu.memory_space<vmem>>, vector<1024x128xf32>
    %get3A_13 = arith.constant 0 : index
    %get3A_14 = arith.constant 0 : index
    %get3A_15 = vector.load %arg3[%get3A_13, %get3A_14] : memref<1024x128xf32, #tpu.memory_space<vmem>>, vector<1024x128xf32>
    %add3A_16 = arith.addf %get3A_12, %get3A_15 : vector<1024x128xf32>
    %mul3A = vector.broadcast %broadcast_in_dim3A : vector<1024x1xf32> to vector<1024x128xf32>
    %mul3A_17 = arith.mulf %add3A_16, %mul3A : vector<1024x128xf32>
    %get3A_18 = arith.constant 0 : index
    %get3A_19 = arith.constant 0 : index
    %get3A_20 = vector.load %arg6[%get3A_18, %get3A_19] : memref<1x256xf32, #tpu.memory_space<vmem>>, vector<1x128xf32>
    %get3A_21 = vector.shape_cast %get3A_20 : vector<1x128xf32> to vector<128xf32>
    %broadcast_in_dim3A_22 = vector.shape_cast %get3A_21 : vector<128xf32> to vector<1x128xf32>
    %add3A_23 = vector.broadcast %broadcast_in_dim3A_22 : vector<1x128xf32> to vector<1024x128xf32>
    %add3A_24 = arith.addf %mul3A_17, %add3A_23 : vector<1024x128xf32>
    %max3A = arith.constant 0.000000e+00 : f32
    %max3A_25 = vector.broadcast %max3A : f32 to vector<1024x128xf32>
    %max3A_26 = arith.maximumf %add3A_24, %max3A_25 : vector<1024x128xf32>
    %get3A_27 = arith.constant 0 : index
    %get3A_28 = arith.constant 0 : index
    %get3A_29 = vector.load %arg2[%get3A_27, %get3A_28] : memref<1024x128xf32, #tpu.memory_space<vmem>>, vector<1024x128xf32>
    %get3A_30 = arith.constant 0 : index
    %get3A_31 = arith.constant 0 : index
    %get3A_32 = vector.load %arg4[%get3A_30, %get3A_31] : memref<1024x128xf32, #tpu.memory_space<vmem>>, vector<1024x128xf32>
    %add3A_33 = arith.addf %get3A_29, %get3A_32 : vector<1024x128xf32>
    %mul3A_34 = vector.broadcast %broadcast_in_dim3A : vector<1024x1xf32> to vector<1024x128xf32>
    %mul3A_35 = arith.mulf %add3A_33, %mul3A_34 : vector<1024x128xf32>
    %get3A_36 = arith.constant 0 : index
    %get3A_37 = arith.constant 128 : index
    %get3A_38 = vector.load %arg6[%get3A_36, %get3A_37] : memref<1x256xf32, #tpu.memory_space<vmem>>, vector<1x128xf32>
    %get3A_39 = vector.shape_cast %get3A_38 : vector<1x128xf32> to vector<128xf32>
    %broadcast_in_dim3A_40 = vector.shape_cast %get3A_39 : vector<128xf32> to vector<1x128xf32>
    %add3A_41 = vector.broadcast %broadcast_in_dim3A_40 : vector<1x128xf32> to vector<1024x128xf32>
    %add3A_42 = arith.addf %mul3A_35, %add3A_41 : vector<1024x128xf32>
    %max3A_43 = arith.constant 0.000000e+00 : f32
    %max3A_44 = vector.broadcast %max3A_43 : f32 to vector<1024x128xf32>
    %max3A_45 = arith.maximumf %add3A_42, %max3A_44 : vector<1024x128xf32>
    %get3A_46 = arith.constant 0 : index
    %get3A_47 = arith.constant 0 : index
    %get3A_48 = vector.load %arg7[%get3A_46, %get3A_47] : memref<256x256xf32, #tpu.memory_space<vmem>>, vector<128x256xf32>
    %dot_general3A = arith.constant dense<0.000000e+00> : vector<1024x256xf32>
    %dot_general3A_49 = tpu.matmul %max3A_26, %get3A_48, %dot_general3A {dimension_numbers = #tpu.dot_dimension_numbers<[1], [0], [0], [1], [0, 0, 1, 1], [], []>, transpose_lhs_hint = false} : vector<1024x128xf32>, vector<128x256xf32>, vector<1024x256xf32> -> vector<1024x256xf32>
    %get3A_50 = arith.constant 128 : index
    %get3A_51 = arith.constant 0 : index
    %get3A_52 = vector.load %arg7[%get3A_50, %get3A_51] : memref<256x256xf32, #tpu.memory_space<vmem>>, vector<128x256xf32>
    %dot_general3A_53 = arith.constant dense<0.000000e+00> : vector<1024x256xf32>
    %dot_general3A_54 = tpu.matmul %max3A_45, %get3A_52, %dot_general3A_53 {dimension_numbers = #tpu.dot_dimension_numbers<[1], [0], [0], [1], [0, 0, 1, 1], [], []>, transpose_lhs_hint = false} : vector<1024x128xf32>, vector<128x256xf32>, vector<1024x256xf32> -> vector<1024x256xf32>
    %add3A_55 = arith.addf %dot_general3A_49, %dot_general3A_54 : vector<1024x256xf32>
    %slice3A = vector.extract_strided_slice %add3A_55 {offsets = [0, 0], sizes = [1024, 128], strides = [1, 1]} : vector<1024x256xf32> to vector<1024x128xf32>
    %mul3A_56 = vector.broadcast %broadcast_in_dim3A : vector<1024x1xf32> to vector<1024x128xf32>
    %mul3A_57 = arith.mulf %slice3A, %mul3A_56 : vector<1024x128xf32>
    %swap3A = arith.constant 0 : index
    %swap3A_58 = arith.constant 0 : index
    %swap3A_59 = arith.constant 0 : index
    %swap3A_60 = vector.load %arg8[%swap3A, %swap3A_58, %swap3A_59] : memref<2x1024x128xf32, #tpu.memory_space<vmem>>, vector<1x1024x128xf32>
    %swap3A_61 = vector.shape_cast %swap3A_60 : vector<1x1024x128xf32> to vector<1024x128xf32>
    %swap3A_62 = vector.shape_cast %mul3A_57 : vector<1024x128xf32> to vector<1x1024x128xf32>
    tpu.vector_store %arg8[%swap3A, %swap3A_58, %swap3A_59], %swap3A_62 {strides = array<i32>} : memref<2x1024x128xf32, #tpu.memory_space<vmem>>, vector<1x1024x128xf32>,
    %slice3A_63 = vector.extract_strided_slice %add3A_55 {offsets = [0, 128], sizes = [1024, 128], strides = [1, 1]} : vector<1024x256xf32> to vector<1024x128xf32>
    %mul3A_64 = vector.broadcast %broadcast_in_dim3A : vector<1024x1xf32> to vector<1024x128xf32>
    %mul3A_65 = arith.mulf %slice3A_63, %mul3A_64 : vector<1024x128xf32>
    %swap3A_66 = arith.constant 1 : index
    %swap3A_67 = arith.constant 0 : index
    %swap3A_68 = arith.constant 0 : index
    %swap3A_69 = vector.load %arg8[%swap3A_66, %swap3A_67, %swap3A_68] : memref<2x1024x128xf32, #tpu.memory_space<vmem>>, vector<1x1024x128xf32>
    %swap3A_70 = vector.shape_cast %swap3A_69 : vector<1x1024x128xf32> to vector<1024x128xf32>
    %swap3A_71 = vector.shape_cast %mul3A_65 : vector<1024x128xf32> to vector<1x1024x128xf32>
    tpu.vector_store %arg8[%swap3A_66, %swap3A_67, %swap3A_68], %swap3A_71 {strides = array<i32>} : memref<2x1024x128xf32, #tpu.memory_space<vmem>>, vector<1x1024x128xf32>,
    return
  }
  func.func @transform_0(%arg0: i32) -> (i32, i32) {
    %c0_i32 = arith.constant 0 : i32
    %c0_i32_0 = arith.constant 0 : i32
    return %arg0, %c0_i32 : i32, i32
  }
  func.func @transform_1(%arg0: i32) -> (i32, i32) {
    %add3A = arith.constant 10 : i32
    %add3A_0 = arith.addi %add3A, %arg0 : i32
    %c0_i32 = arith.constant 0 : i32
    %c0_i32_1 = arith.constant 0 : i32
    return %add3A_0, %c0_i32 : i32, i32
  }
  func.func @transform_2(%arg0: i32) -> (i32, i32) {
    %c0_i32 = arith.constant 0 : i32
    %c0_i32_0 = arith.constant 0 : i32
    return %arg0, %c0_i32 : i32, i32
  }
  func.func @transform_3(%arg0: i32) -> (i32, i32) {
    %add3A = arith.constant 10 : i32
    %add3A_0 = arith.addi %add3A, %arg0 : i32
    %c0_i32 = arith.constant 0 : i32
    %c0_i32_1 = arith.constant 0 : i32
    return %add3A_0, %c0_i32 : i32, i32
  }
  func.func @transform_4(%arg0: i32) -> (i32, i32) {
    %c0_i32 = arith.constant 0 : i32
    %c0_i32_0 = arith.constant 0 : i32
    return %arg0, %c0_i32 : i32, i32
  }
  func.func @transform_5(%arg0: i32) -> (i32, i32) {
    %c0_i32 = arith.constant 0 : i32
    %c0_i32_0 = arith.constant 0 : i32
    %c0_i32_1 = arith.constant 0 : i32
    return %c0_i32, %c0_i32_0 : i32, i32
  }
  func.func @transform_6(%arg0: i32) -> (i32, i32) {
    %c0_i32 = arith.constant 0 : i32
    %c0_i32_0 = arith.constant 0 : i32
    %c0_i32_1 = arith.constant 0 : i32
    return %c0_i32, %c0_i32_0 : i32, i32
  }
  func.func @transform_7(%arg0: i32) -> (i32, i32, i32) {
    %c0_i32 = arith.constant 0 : i32
    %c0_i32_0 = arith.constant 0 : i32
    %c0_i32_1 = arith.constant 0 : i32
    return %c0_i32, %arg0, %c0_i32_0 : i32, i32, i32
  }
}

module attributes {stable_mosaic.version = 14 : i64} {
  func.func @_tc3_body(%arg0: i32, %arg1: memref<1024x128xf32, #tpu.memory_space<vmem>>, %arg2: memref<1024x128xf32, #tpu.memory_space<vmem>>, %arg3: memref<1024x128xf32, #tpu.memory_space<vmem>>, %arg4: memref<1024x128xf32, #tpu.memory_space<vmem>>, %arg5: memref<1024x2xf32, #tpu.memory_space<vmem>>, %arg6: memref<1x256xf32, #tpu.memory_space<vmem>>, %arg7: memref<256x64xf32, #tpu.memory_space<vmem>>, %arg8: memref<1x64xf32, #tpu.memory_space<vmem>>, %arg9: memref<1024x1xi32, #tpu.memory_space<vmem>>, %arg10: memref<128x64xf32, #tpu.memory_space<vmem>>) attributes {dimension_semantics = [#tpu.dimension_semantics<arbitrary>], iteration_bounds = array<i64: 10>, scalar_prefetch = 0 : i64, scratch_operands = 0 : i64, tpu.core_type = #tpu.core_type<tc>, window_params = [{transform_indices = @transform_0, window_bounds = array<i64: 1024, 128>}, {transform_indices = @transform_1, window_bounds = array<i64: 1024, 128>}, {transform_indices = @transform_2, window_bounds = array<i64: 1024, 128>}, {transform_indices = @transform_3, window_bounds = array<i64: 1024, 128>}, {transform_indices = @transform_4, window_bounds = array<i64: 1024, 2>}, {pipeline_mode = #tpu.pipeline_mode<synchronous>, transform_indices = @transform_5, window_bounds = array<i64: 1, 256>}, {pipeline_mode = #tpu.pipeline_mode<synchronous>, transform_indices = @transform_6, window_bounds = array<i64: 256, 64>}, {pipeline_mode = #tpu.pipeline_mode<synchronous>, transform_indices = @transform_7, window_bounds = array<i64: 1, 64>}, {transform_indices = @transform_8, window_bounds = array<i64: 1024, 1>}, {pipeline_mode = #tpu.pipeline_mode<synchronous>, transform_indices = @transform_9, window_bounds = array<i64: 128, 64>}]} {
    %get3A = arith.constant 0 : index
    %get3A_0 = arith.constant 0 : index
    %get3A_1 = vector.load %arg5[%get3A, %get3A_0] : memref<1024x2xf32, #tpu.memory_space<vmem>>, vector<1024x1xf32>
    %get3A_2 = vector.shape_cast %get3A_1 : vector<1024x1xf32> to vector<1024xf32>
    %get3A_3 = arith.constant 0 : index
    %get3A_4 = arith.constant 1 : index
    %get3A_5 = vector.load %arg5[%get3A_3, %get3A_4] : memref<1024x2xf32, #tpu.memory_space<vmem>>, vector<1024x1xf32>
    %get3A_6 = vector.shape_cast %get3A_5 : vector<1024x1xf32> to vector<1024xf32>
    %add3A = arith.addf %get3A_2, %get3A_6 : vector<1024xf32>
    %add3A_7 = arith.constant 1.000000e+00 : f32
    %add3A_8 = vector.broadcast %add3A_7 : f32 to vector<1024xf32>
    %add3A_9 = arith.addf %add3A, %add3A_8 : vector<1024xf32>
    %rsqrt3A = math.rsqrt %add3A_9 : vector<1024xf32>
    %broadcast_in_dim3A = vector.shape_cast %rsqrt3A : vector<1024xf32> to vector<1024x1xf32>
    %get3A_10 = arith.constant 0 : index
    %get3A_11 = arith.constant 0 : index
    %get3A_12 = vector.load %arg1[%get3A_10, %get3A_11] : memref<1024x128xf32, #tpu.memory_space<vmem>>, vector<1024x128xf32>
    %get3A_13 = arith.constant 0 : index
    %get3A_14 = arith.constant 0 : index
    %get3A_15 = vector.load %arg3[%get3A_13, %get3A_14] : memref<1024x128xf32, #tpu.memory_space<vmem>>, vector<1024x128xf32>
    %add3A_16 = arith.addf %get3A_12, %get3A_15 : vector<1024x128xf32>
    %mul3A = vector.broadcast %broadcast_in_dim3A : vector<1024x1xf32> to vector<1024x128xf32>
    %mul3A_17 = arith.mulf %add3A_16, %mul3A : vector<1024x128xf32>
    %get3A_18 = arith.constant 0 : index
    %get3A_19 = arith.constant 0 : index
    %get3A_20 = vector.load %arg6[%get3A_18, %get3A_19] : memref<1x256xf32, #tpu.memory_space<vmem>>, vector<1x128xf32>
    %get3A_21 = vector.shape_cast %get3A_20 : vector<1x128xf32> to vector<128xf32>
    %broadcast_in_dim3A_22 = vector.shape_cast %get3A_21 : vector<128xf32> to vector<1x128xf32>
    %add3A_23 = vector.broadcast %broadcast_in_dim3A_22 : vector<1x128xf32> to vector<1024x128xf32>
    %add3A_24 = arith.addf %mul3A_17, %add3A_23 : vector<1024x128xf32>
    %max3A = arith.constant 0.000000e+00 : f32
    %max3A_25 = vector.broadcast %max3A : f32 to vector<1024x128xf32>
    %max3A_26 = arith.maximumf %add3A_24, %max3A_25 : vector<1024x128xf32>
    %get3A_27 = arith.constant 0 : index
    %get3A_28 = arith.constant 0 : index
    %get3A_29 = vector.load %arg2[%get3A_27, %get3A_28] : memref<1024x128xf32, #tpu.memory_space<vmem>>, vector<1024x128xf32>
    %get3A_30 = arith.constant 0 : index
    %get3A_31 = arith.constant 0 : index
    %get3A_32 = vector.load %arg4[%get3A_30, %get3A_31] : memref<1024x128xf32, #tpu.memory_space<vmem>>, vector<1024x128xf32>
    %add3A_33 = arith.addf %get3A_29, %get3A_32 : vector<1024x128xf32>
    %mul3A_34 = vector.broadcast %broadcast_in_dim3A : vector<1024x1xf32> to vector<1024x128xf32>
    %mul3A_35 = arith.mulf %add3A_33, %mul3A_34 : vector<1024x128xf32>
    %get3A_36 = arith.constant 0 : index
    %get3A_37 = arith.constant 128 : index
    %get3A_38 = vector.load %arg6[%get3A_36, %get3A_37] : memref<1x256xf32, #tpu.memory_space<vmem>>, vector<1x128xf32>
    %get3A_39 = vector.shape_cast %get3A_38 : vector<1x128xf32> to vector<128xf32>
    %broadcast_in_dim3A_40 = vector.shape_cast %get3A_39 : vector<128xf32> to vector<1x128xf32>
    %add3A_41 = vector.broadcast %broadcast_in_dim3A_40 : vector<1x128xf32> to vector<1024x128xf32>
    %add3A_42 = arith.addf %mul3A_35, %add3A_41 : vector<1024x128xf32>
    %max3A_43 = arith.constant 0.000000e+00 : f32
    %max3A_44 = vector.broadcast %max3A_43 : f32 to vector<1024x128xf32>
    %max3A_45 = arith.maximumf %add3A_42, %max3A_44 : vector<1024x128xf32>
    %get3A_46 = arith.constant 0 : index
    %get3A_47 = arith.constant 0 : index
    %get3A_48 = vector.load %arg7[%get3A_46, %get3A_47] : memref<256x64xf32, #tpu.memory_space<vmem>>, vector<128x64xf32>
    %dot_general3A = arith.constant dense<0.000000e+00> : vector<1024x64xf32>
    %dot_general3A_49 = tpu.matmul %max3A_26, %get3A_48, %dot_general3A {dimension_numbers = #tpu.dot_dimension_numbers<[1], [0], [0], [1], [0, 0, 1, 1], [], []>, transpose_lhs_hint = false} : vector<1024x128xf32>, vector<128x64xf32>, vector<1024x64xf32> -> vector<1024x64xf32>
    %get3A_50 = arith.constant 128 : index
    %get3A_51 = arith.constant 0 : index
    %get3A_52 = vector.load %arg7[%get3A_50, %get3A_51] : memref<256x64xf32, #tpu.memory_space<vmem>>, vector<128x64xf32>
    %dot_general3A_53 = arith.constant dense<0.000000e+00> : vector<1024x64xf32>
    %dot_general3A_54 = tpu.matmul %max3A_45, %get3A_52, %dot_general3A_53 {dimension_numbers = #tpu.dot_dimension_numbers<[1], [0], [0], [1], [0, 0, 1, 1], [], []>, transpose_lhs_hint = false} : vector<1024x128xf32>, vector<128x64xf32>, vector<1024x64xf32> -> vector<1024x64xf32>
    %add3A_55 = arith.addf %dot_general3A_49, %dot_general3A_54 : vector<1024x64xf32>
    %iota3A = tpu.iota {dimensions = array<i32: 1>} : vector<1024x128xi32>
    %get3A_56 = arith.constant 0 : index
    %get3A_57 = arith.constant 0 : index
    %get3A_58 = vector.load %arg9[%get3A_56, %get3A_57] : memref<1024x1xi32, #tpu.memory_space<vmem>>, vector<1024x1xi32>
    %eq3A = vector.broadcast %get3A_58 : vector<1024x1xi32> to vector<1024x128xi32>
    %eq3A_59 = arith.cmpi eq, %eq3A, %iota3A : vector<1024x128xi32>
    %convert_element_type3A = arith.extui %eq3A_59 : vector<1024x128xi1> to vector<1024x128xi32>
    %convert_element_type3A_60 = arith.sitofp %convert_element_type3A : vector<1024x128xi32> to vector<1024x128xf32>
    %dot_general3A_61 = arith.constant dense<0.000000e+00> : vector<128x64xf32>
    %dot_general3A_62 = tpu.matmul %convert_element_type3A_60, %add3A_55, %dot_general3A_61 {dimension_numbers = #tpu.dot_dimension_numbers<[0], [0], [1], [1], [0, 1, 1, 1], [], []>, transpose_lhs_hint = false} : vector<1024x128xf32>, vector<1024x64xf32>, vector<128x64xf32> -> vector<128x64xf32>
    %eq3A_63 = arith.constant 0 : i32
    %eq3A_64 = arith.cmpi eq, %arg0, %eq3A_63 : i32
    %convert_element_type3A_65 = arith.extui %eq3A_64 : i1 to i32
    %cond3A = arith.constant 0 : i32
    %cond3A_66 = arith.cmpi ne, %convert_element_type3A_65, %cond3A : i32
    scf.if %cond3A_66 {
      %get3A_71 = arith.constant 0 : index
      %get3A_72 = arith.constant 0 : index
      %get3A_73 = vector.load %arg8[%get3A_71, %get3A_72] : memref<1x64xf32, #tpu.memory_space<vmem>>, vector<1x64xf32>
      %add3A_74 = vector.broadcast %get3A_73 : vector<1x64xf32> to vector<128x64xf32>
      %add3A_75 = arith.addf %dot_general3A_62, %add3A_74 : vector<128x64xf32>
      %swap3A = arith.constant 0 : index
      %swap3A_76 = arith.constant 0 : index
      %swap3A_77 = vector.load %arg10[%swap3A, %swap3A_76] : memref<128x64xf32, #tpu.memory_space<vmem>>, vector<128x64xf32>
      tpu.vector_store %arg10[%swap3A, %swap3A_76], %add3A_75 {strides = array<i32>} : memref<128x64xf32, #tpu.memory_space<vmem>>, vector<128x64xf32>,
    } else {
    }
    %ne3A = arith.constant 0 : i32
    %ne3A_67 = arith.cmpi ne, %arg0, %ne3A : i32
    %convert_element_type3A_68 = arith.extui %ne3A_67 : i1 to i32
    %cond3A_69 = arith.constant 0 : i32
    %cond3A_70 = arith.cmpi ne, %convert_element_type3A_68, %cond3A_69 : i32
    scf.if %cond3A_70 {
      %get3A_71 = arith.constant 0 : index
      %get3A_72 = arith.constant 0 : index
      %get3A_73 = vector.load %arg10[%get3A_71, %get3A_72] : memref<128x64xf32, #tpu.memory_space<vmem>>, vector<128x64xf32>
      %add3A_74 = arith.addf %get3A_73, %dot_general3A_62 : vector<128x64xf32>
      %swap3A = arith.constant 0 : index
      %swap3A_75 = arith.constant 0 : index
      %swap3A_76 = vector.load %arg10[%swap3A, %swap3A_75] : memref<128x64xf32, #tpu.memory_space<vmem>>, vector<128x64xf32>
      tpu.vector_store %arg10[%swap3A, %swap3A_75], %add3A_74 {strides = array<i32>} : memref<128x64xf32, #tpu.memory_space<vmem>>, vector<128x64xf32>,
    } else {
    }
    return
  }
  func.func @transform_0(%arg0: i32) -> (i32, i32) {
    %c0_i32 = arith.constant 0 : i32
    %c0_i32_0 = arith.constant 0 : i32
    return %arg0, %c0_i32 : i32, i32
  }
  func.func @transform_1(%arg0: i32) -> (i32, i32) {
    %add3A = arith.constant 10 : i32
    %add3A_0 = arith.addi %add3A, %arg0 : i32
    %c0_i32 = arith.constant 0 : i32
    %c0_i32_1 = arith.constant 0 : i32
    return %add3A_0, %c0_i32 : i32, i32
  }
  func.func @transform_2(%arg0: i32) -> (i32, i32) {
    %c0_i32 = arith.constant 0 : i32
    %c0_i32_0 = arith.constant 0 : i32
    return %arg0, %c0_i32 : i32, i32
  }
  func.func @transform_3(%arg0: i32) -> (i32, i32) {
    %add3A = arith.constant 10 : i32
    %add3A_0 = arith.addi %add3A, %arg0 : i32
    %c0_i32 = arith.constant 0 : i32
    %c0_i32_1 = arith.constant 0 : i32
    return %add3A_0, %c0_i32 : i32, i32
  }
  func.func @transform_4(%arg0: i32) -> (i32, i32) {
    %c0_i32 = arith.constant 0 : i32
    %c0_i32_0 = arith.constant 0 : i32
    return %arg0, %c0_i32 : i32, i32
  }
  func.func @transform_5(%arg0: i32) -> (i32, i32) {
    %c0_i32 = arith.constant 0 : i32
    %c0_i32_0 = arith.constant 0 : i32
    %c0_i32_1 = arith.constant 0 : i32
    return %c0_i32, %c0_i32_0 : i32, i32
  }
  func.func @transform_6(%arg0: i32) -> (i32, i32) {
    %c0_i32 = arith.constant 0 : i32
    %c0_i32_0 = arith.constant 0 : i32
    %c0_i32_1 = arith.constant 0 : i32
    return %c0_i32, %c0_i32_0 : i32, i32
  }
  func.func @transform_7(%arg0: i32) -> (i32, i32) {
    %c0_i32 = arith.constant 0 : i32
    %c0_i32_0 = arith.constant 0 : i32
    %c0_i32_1 = arith.constant 0 : i32
    return %c0_i32, %c0_i32_0 : i32, i32
  }
  func.func @transform_8(%arg0: i32) -> (i32, i32) {
    %c0_i32 = arith.constant 0 : i32
    %c0_i32_0 = arith.constant 0 : i32
    return %arg0, %c0_i32 : i32, i32
  }
  func.func @transform_9(%arg0: i32) -> (i32, i32) {
    %c0_i32 = arith.constant 0 : i32
    %c0_i32_0 = arith.constant 0 : i32
    %c0_i32_1 = arith.constant 0 : i32
    return %c0_i32, %c0_i32_0 : i32, i32
  }
}

</mosaic_0001>

<sc_bundles>
// kernel: kernel.11.cloned.1.call-start
scs
__scs_entry_jumppad:
0x0: {  	(pc) =	sbr.rel $0x88, $3  }
0x1: {  	(tag) =	ssettag $0x0;
	lr =	simm.s32 $0x1  }
0x2: {  	[smem:$0x3F98] =	sst lr;
	_ =	strace $0xD0000000  }
0x3: {  	_ = 	snop  }
0x4: {  	_ = 	snop  }
0x5: {  	_ = 	snop  }
0x6: {  	_ = 	snop  }
0x7: {  	_ = 	snop  }
__scs_overlays_trampoline_lowered:
0x8: {  	[smem:$0x3FA7] =	sst s0  }
0x9: {  	[smem:$0x3FA8] =	sst s1  }
0xa: {  	[smem:$0x3FA9] =	sst s2  }
0xb: {  	[smem:$0x3FAA] =	sst s3  }
0xc: {  	[smem:$0x3FAB] =	sst s4  }
0xd: {  	[smem:$0x3FAC] =	sst s5  }
0xe: {  	[smem:$0x3FAD] =	sst s6  }
0xf: {  	[smem:$0x3FAE] =	sst s7  }
0x10: {  	[smem:$0x3FAF] =	sst s8  }
0x11: {  	[smem:$0x3FB0] =	sst s9;
	s0 =	simm.s32 @!p0 $0x0  }
0x12: {  	s1 =	sld [smem:$0x3F96];
	s0 =	simm.s32 @p0 $0x1  }
0x13: {  	[smem:$0x3FB1] =	sst s0;
	s0 =	simm.s32 @!p1 $0x0  }
0x14: {  	s2 =	sld [smem:$0x3F95];
	s0 =	simm.s32 @p1 $0x1  }
0x15: {  	[smem:$0x3FB2] =	sst s0;
	s0 =	simm.s32 @!p2 $0x0  }
0x16: {  	s3 =	sld [smem:$0x3FDB];
	s0 =	simm.s32 @p2 $0x1  }
0x17: {  	s4 =	simm.s32 $0x1BF5;
	[smem:$0x3FB4] =	sst s0  }
0x18: {  	s0 =	sld [smem:$0x3F97];
	_ =	swait.ge [sflag:s4], $0x0  }
0x19: {  	s7 =	sld [smem:$0x3F98]  }
0x1a: {  	s8 =	sadd.s32 $0xFFFFE003, lr  }
0x1b: {  	s9 =	sadd.s32 $0xFFFFFEF7, lr;
	s5 =	simm.s32 $0xFFFFFFFF;
	p2 =	slt.u32 s8, $0xFFFFF086  }
0x1c: {  	p1 =	slt.u32 s9, $0xF7A;
	s5 =	simm.s32 @!p2 $0x0  }
0x1d: {  	s5 =	simm.s32 @p1 $0x1;
	p0 =	seq.s32 s7, s2  }
0x1e: {  	s7 =	smul.u32 @!p0 $0xF7A, s2;
	p2 =	seq.s32 @!p0 s5, $0x0  }
0x1f: {  	s9 =	smul.u32 $0xF7A, s1;
	s8 =	simm.s32 @!p0 $0x1BF5;
	p2 =	por !p2, p0  }
0x20: {  	[sflag:s8] =	ssyncset.s32 @!p0 $0xFFFFF086;
	s6 =	sadd.s32 @!p0 s3, s7;
	s7 =	simm.s32 @!p0 $0x108  }
0x21: {  	s3 =	sadd.s32 s3, s9;
	s6 =	sadd.s32 @!p0 $0x88, s6;
	s7 =	simm.s32 @p2 $0x1082  }
0x22: {  	[simem:s7], [sflag:s8] =	dma.local @!p0 [hbm:s6], $0xF7A  }
0x23: {  	s9 =	sor.u32 $0xD0000000, s2;
	s6 =	simm.s32 $0x108;
	_ =	swait.ge @!p0 [sflag:s8], $0x0  }
0x24: {  	s3 =	sadd.s32 $0x88, s3;
	s6 =	simm.s32 @!p1 $0x1082;
	[sflag:s4] =	ssyncset.s32 $0xFFFFF086  }
0x25: {  	[simem:s6], [sflag:s4] =	dma.local [hbm:s3], $0xF7A  }
0x26: {  	[smem:$0x3F98] =	sst s1;
	(tag) =	ssettag s2;
	_ =	strace s9  }
0x27: {  	s1 =	sld [smem:$0x3FA8]  }
0x28: {  	s2 =	sld [smem:$0x3FA9]  }
0x29: {  	s4 =	sld [smem:$0x3FAB]  }
0x2a: {  	p0 =	seq.s32 s5, $0x0;
	s5 =	sld [smem:$0x3FAC]  }
0x2b: {  	s6 =	sld [smem:$0x3FAD]  }
0x2c: {  	s7 =	sld [smem:$0x3FAE]  }
0x2d: {  	s3 =	simm.s32 $0x108;
	s8 =	sld [smem:$0x3FAF]  }
0x2e: {  	s3 =	simm.s32 @!p0 $0x1082;
	s9 =	sld [smem:$0x3FB0]  }
0x2f: {  	lr =	sadd.s32 s0, s3;
	s0 =	sld [smem:$0x3FA7]  }
0x30: {  	s3 =	sld [smem:$0x3FAA]  }
0x31: {  	[smem:$0x3FB3] =	sst s10  }
0x32: {  	s10 =	sld [smem:$0x3FB1];
	_ =	sdelay $0x3  }
0x33: {  	p0 =	seq.s32 s10, $0x1;
	s10 =	sld [smem:$0x3FB3];
	_ =	sdelay $0x3  }
0x34: {  	[smem:$0x3FB3] =	sst s10  }
0x35: {  	s10 =	sld [smem:$0x3FB2];
	_ =	sdelay $0x3  }
0x36: {  	p1 =	seq.s32 s10, $0x1;
	s10 =	sld [smem:$0x3FB3];
	_ =	sdelay $0x3  }
0x37: {  	[smem:$0x3FB3] =	sst s10  }
0x38: {  	s10 =	sld [smem:$0x3FB4]  }
0x39: {  	_ = 	snop;
	(pc) =	sbr.ind lr, $3  }
0x3a: {  	_ = 	snop  }
0x3b: {  	_ = 	snop  }
0x3c: {  	p2 =	seq.s32 s10, $0x1;
	s10 =	sld [smem:$0x3FB3]  }
0x3d: {  	_ =	shalt  }
0x3e: {  	_ =	shalt  }
0x3f: {  	_ =	shalt  }
0x40: {  	_ =	shalt  }
0x41: {  	_ =	shalt  }
0x42: {  	_ =	shalt  }
0x43: {  	_ =	shalt  }
0x44: {  	_ =	shalt  }
0x45: {  	_ =	shalt  }
0x46: {  	_ =	shalt  }
0x47: {  	_ =	shalt  }
0x48: {  	_ =	shalt  }
0x49: {  	_ =	shalt  }
0x4a: {  	_ =	shalt  }
0x4b: {  	_ =	shalt  }
0x4c: {  	_ =	shalt  }
0x4d: {  	_ =	shalt  }
0x4e: {  	_ =	shalt  }
0x4f: {  	_ =	shalt  }
0x50: {  	_ =	shalt  }
0x51: {  	_ =	shalt  }
0x52: {  	_ =	shalt  }
0x53: {  	_ =	shalt  }
0x54: {  	_ =	shalt  }
0x55: {  	_ =	shalt  }
0x56: {  	_ =	shalt  }
0x57: {  	_ =	shalt  }
0x58: {  	_ =	shalt  }
0x59: {  	_ =	shalt  }
0x5a: {  	_ =	shalt  }
0x5b: {  	_ =	shalt  }
0x5c: {  	_ =	shalt  }
0x5d: {  	_ =	shalt  }
0x5e: {  	_ =	shalt  }
0x5f: {  	_ =	shalt  }
0x60: {  	_ =	shalt  }
0x61: {  	_ =	shalt  }
0x62: {  	_ =	shalt  }
0x63: {  	_ =	shalt  }
0x64: {  	_ =	shalt  }
0x65: {  	_ =	shalt  }
0x66: {  	_ =	shalt  }
0x67: {  	_ =	shalt  }
0x68: {  	_ =	shalt  }
0x69: {  	_ =	shalt  }
0x6a: {  	_ =	shalt  }
0x6b: {  	_ =	shalt  }
0x6c: {  	_ =	shalt  }
0x6d: {  	_ =	shalt  }
0x6e: {  	_ =	shalt  }
0x6f: {  	_ =	shalt  }
0x70: {  	_ =	shalt  }
0x71: {  	_ =	shalt  }
0x72: {  	_ =	shalt  }
0x73: {  	_ =	shalt  }
0x74: {  	_ =	shalt  }
0x75: {  	_ =	shalt  }
0x76: {  	_ =	shalt  }
0x77: {  	_ =	shalt  }
0x78: {  	_ =	shalt  }
0x79: {  	_ =	shalt  }
0x7a: {  	_ =	shalt  }
0x7b: {  	_ =	shalt  }
0x7c: {  	_ =	shalt  }
0x7d: {  	_ =	shalt  }
0x7e: {  	_ =	shalt  }
0x7f: {  	_ =	shalt  }
0x80: {  	_ =	shalt  }
0x81: {  	_ =	shalt  }
0x82: {  	_ =	shalt  }
0x83: {  	_ =	shalt  }
0x84: {  	_ =	shalt  }
0x85: {  	_ =	shalt  }
0x86: {  	_ =	shalt  }
0x87: {  	_ =	shalt  }
.Lfunc_end0:
.L_simem_size_0:
called_computation.1_lowered:
.L_overlay_start_0:
0x88: {  	s2 =	sld [smem:$0x3FD9]  }
0x89: {  	s3 =	sld [smem:$0x3FFE];
	_ =	sdelay $0x1  }
0x8a: {  	s1 =	srdreg.scid  }
0x8b: {  	s0 =	sand.u32 $0x1, s1  }
0x8c: {  	s16 =	sshll.u32 s0, $0xA;
	s2 =	sadd.s32 s3, s2  }
0x8d: {  	s2 =	sadd.s32 s2, s16  }
0x8e: {  	[smem:$0x3FBF] =	sst s2  }
0x8f: {  	_ = 	snop  }
0x90: {  	(tm) =	ssettm $0x1  }
0x91: {  	s17 =	sld [smem:$0x3FFB];
	_ =	sdelay $0x3  }
0x92: {  	_ =	strace s17  }
0x93: {  	s2 =	sld [smem:$0x3FFC];
	_ =	sdelay $0x3  }
0x94: {  	_ =	strace s2  }
0x95: {  	s2 =	sld [smem:$0x3FFD];
	_ =	sdelay $0x3  }
0x96: {  	_ =	strace s2  }
0x97: {  	_ =	strace $0x8FFFFFFF  }
0x98: {  	s18 =	sld [smem:$0x3FDB];
	_ =	sdelay $0x1  }
0x99: {  	s19 =	simm.s32 $_scs_section_size  }
0x9a: {  	s4 =	simm.s32 $_size__tile_overlayer_lowered;
	s5 =	simm.s32 $_tile_overlayer_lowered  }
0x9b: {  	s22 =	simm.s32 $0x1BFF;
	s21 =	sshll.u32 s5, $0x1;
	s2 =	sadd.s32 s19, s18  }
0x9c: {  	s6 =	simm.s32 $0x0;
	s20 =	sshll.u32 s4, $0x1;
	s4 =	sadd.s32 s21, s2  }
0x9d: {  	[timem:s6], [sflag:s22] =	dma.local [hbm:s4], s20  }
0x9e: {  	_ =	swait.ge [sflag:s22], s20  }
0x9f: {  	s3 =	ssub.s32 $0x0, s20;
	[sflag:s22] =	ssyncset.done $0x0  }
0xa0: {  	[sflag:s22] =	ssyncadd.s32 s3;
	_ =	sdelay $0x1  }
0xa1: {  	s23 =	simm.s32 $0x1B8B  }
0xa2: {  	_ =	swait.ge [sflag:s23], $0x1  }
0xa3: {  	[sflag:s23] =	ssyncset.done $0x0  }
0xa4: {  	s25 =	simm.s32 $0x1B8E;
	s24 =	sld [smem:$0x3FFE];
	[sflag:s23] =	ssyncadd.s32 $0xFFFFFFFF  }
0xa5: {  	s26 =	simm.s32 $execute0_lowered;
	[smem:$0x3FD2] =	sst s25  }
0xa6: {  	s4 =	sshll.u32 s26, $0x1;
	_ =	strace $0x80000049;
	[dreg:$0x1] =	wrdreg $0xFFFFFFFF  }
0xa7: {  	s28 =	simm.s32 $_size_execute0_lowered;
	s2 =	sadd.s32 s2, s4;
	[dreg:$0x0] =	wrdreg $0x0  }
0xa8: {  	s4 =	sshll.u32 s28, $0x1;
	[dreg:$0x2] =	wrdreg s2  }
0xa9: {  	[dreg:$0x3] =	wrdreg s4  }
0xaa: {  	[dreg:$0x4] =	wrdreg $0xC0  }
0xab: {  	_ =	task [dreg:s6], $0x5FFFF  }
0xac: {  	[dreg:$0x1] =	wrdreg $0xFFFFFFFF  }
0xad: {  	[dreg:$0x0] =	wrdreg $0x60  }
0xae: {  	[dreg:$0x2] =	wrdreg s24  }
0xaf: {  	[dreg:$0x3] =	wrdreg $0xC0000  }
0xb0: {  	[dreg:$0x4] =	wrdreg $0x9  }
0xb1: {  	_ =	task.clear_ibuf [dreg:s6], $0x5FFFF;
	_ =	strace $0x90000049  }
0xb2: {  	s29 =	simm.s32 $0x9;
	_ =	strace $0x8000004B  }
0xb3: {  	_ =	swait.ge [sflag:s29], $0x1  }
0xb4: {  	[sflag:s29] =	ssyncadd.s32 $0xFFFFFFFF  }
0xb5: {  	_ =	strace $0x9000004B  }
0xb6: {  	_ =	sfence  }
0xb7: {  	s30 =	sld [smem:$0x0];
	_ =	sdelay $0x2  }
0xb8: {  	s31 =	sshll.u32 s1, $0xD;
	s1 =	sshrl.u32 s1, $0x2  }
0xb9: {  	s3 =	sand.u32 $0x4000, s31;
	s1 =	sadd.s32 s1, s30  }
0xba: {  	s0 =	sor.u32 s3, s0;
	s1 =	sshll.u32 s1, $0x11  }
0xbb: {  	s0 =	sor.u32 s1, s0  }
0xbc: {  	s0 =	sadd.s32 $0x8F2B, s0  }
0xbd: {  	[sflag:s0] =	ssyncadd.remote.s32 $0x1  }
0xbe: {  	_ =	sfence.sel $0xFFFF  }
0xbf: {  	[dreg:$0x0] =	wrdreg $0xFFFFFFFF;
	(pc) =	sbr.abs _section_cstart, $3  }
0xc0: {  	[dreg:$0x1] =	wrdreg $0xFFFFFFFF  }
0xc1: {  	_ =	task.clear_ibuf [dreg:s6], $0x2FFFF;
	_ =	strace $0x9FFFFFFF  }
0xc2: {  	(tm) =	ssettm $0x7FFFFFFF  }
0xc3: {  	_ =	shalt  }
tec
execute0_lowered:
.L_overlay_start_1:
0x0: {  	(tag) =	ssettag $0x1  }
0x1: {  	s0 =	rddreg [dreg:$0x0]  }
0x2: {  	s2 =	rddreg [dreg:$0x1];
	s3 =	simm.s32 $0x0  }
0x3: {  	s4 =	srdreg.scid;
	s1 =	stileid.u32;
	s19 =	simm.s32 $0x2000  }
0x4: {  	s20 =	simm.s32 $0x5;
	s21 =	simm.s32 $0x50;
	s22 =	simm.s32 $0x80  }
0x5: {  	s23 =	simm.s32 $0x4800;
	s24 =	simm.s32 $0x100;
	s25 =	simm.s32 $0x7000  }
0x6: {  	[smem:$0x7FF] =	sst s3;
	s8 =	sand.u32 $0x1, s4;
	s7 =	smul.u32 $0x2800, s1  }
0x7: {  	s4 =	sadd.s32 $0x20600, s0;
	s5 =	sadd.s32 $0x70600, s0;
	s10 =	smul.u32 $0x50000, s1  }
0x8: {  	s6 =	sadd.s32 $0x16600, s0;
	s9 =	smul.u32 $0x28000, s8;
	s28 =	ssub.s32 $0x2, s8  }
0x9: {  	_ =	strace $0x8000004A;
	s16 =	smul.u32 $0x50000, s8;
	s29 =	sshrl.u32 s28, $0x1  }
0xa: {  	s10 =	sshrl.u32 s10, $0x2;
	s7 =	sadd.s32 s7, s9;
	s18 =	ssub.s32 s28, s29  }
0xb: {  	s0 =	sadd.s32 s7, s0;
	s7 =	sadd.s32 s10, s2;
	s10 =	smul.u32 $0x5000, s1  }
0xc: {  	s18 =	smax.u32 s18, $0x1;
	s30 =	sadd.s32 $0x2800, s7;
	s31 =	sadd.s32 $0x5000, s7  }
0xd: {  	s11 =	sadd.s32 $0x7800, s7;
	s12 =	sadd.s32 $0xA000, s7;
	s13 =	sadd.s32 $0xC800, s7  }
0xe: {  	s14 =	sadd.s32 $0xF000, s7;
	s15 =	sadd.s32 $0x11800, s7;
	[dreg:$0x3] =	wrdreg s30  }
0xf: {  	v0 =	vimm.f32 $0.0e+00;
	s17 =	sadd.s32 $0x84600, s0;
	[dreg:$0x4] =	wrdreg s31;
	s16 =	sadd.s32 s16, s10  }
.LBB2_1:
0x10: {  	s26 =	simm.s32 $0x0;
	s28 =	simm.s32 $0x200  }
.LBB2_2:
0x11: {  	p0 =	sne.s32 s28, $0x9E00;
	[tilespmem:s26+$0x2070] =	vst v0  }
0x12: {  	[tilespmem:s26+$0x2000] =	vst v0  }
0x13: {  	[tilespmem:s26+$0x2010] =	vst v0  }
.Ltmp0:
0x14: {  	[tilespmem:s26+$0x2020] =	vst v0;
	(pc) =	sbr.rel @p0 .LBB2_2-.Ltmp0, $4  }
0x15: {  	[tilespmem:s26+$0x2030] =	vst v0  }
0x16: {  	[tilespmem:s26+$0x2040] =	vst v0  }
0x17: {  	[tilespmem:s26+$0x2050] =	vst v0  }
0x18: {  	[tilespmem:s26+$0x2060] =	vst v0;
	s26 =	sshra.s32 s28, $0x2;
	s28 =	sadd.s32 $0x200, s28  }
0x19: {  	[tilespmem:s26+$0x2070] =	vst v0  }
0x1a: {  	[tilespmem:s26+$0x2000] =	vst v0  }
0x1b: {  	[tilespmem:s26+$0x2010] =	vst v0  }
0x1c: {  	[tilespmem:s26+$0x2020] =	vst v0  }
0x1d: {  	[tilespmem:s26+$0x2030] =	vst v0  }
0x1e: {  	[tilespmem:s26+$0x2040] =	vst v0  }
0x1f: {  	[tilespmem:s26+$0x2050] =	vst v0  }
0x20: {  	[tilespmem:s26+$0x2060] =	vst v0  }
0x21: {  	[spmem:s7] =	stream.linear.scatter [tilespmem:s19], [sflag:$0x5], $0x2800, $0x38;
	v63 =	vld [tilespmem:$0x0]  }
0x22: {  	_ =	swait.ge [sflag:s20], $0x2800  }
0x23: {  	[sflag:s20] =	ssyncset.done $0x0  }
0x24: {  	s0 =	rddreg [dreg:$0x3];
	[sflag:s20] =	ssyncadd.s32 $0xFFFFD800  }
0x25: {  	[spmem:s0] =	stream.linear.scatter [tilespmem:s19], [sflag:$0x5], $0x2800, $0x38;
	v63 =	vld [tilespmem:$0x0]  }
0x26: {  	_ =	swait.ge [sflag:s20], $0x2800  }
0x27: {  	[sflag:s20] =	ssyncset.done $0x0  }
0x28: {  	s31 =	rddreg [dreg:$0x4];
	[sflag:s20] =	ssyncadd.s32 $0xFFFFD800  }
0x29: {  	[spmem:s31] =	stream.linear.scatter [tilespmem:s19], [sflag:$0x5], $0x2800, $0x38;
	v63 =	vld [tilespmem:$0x0]  }
0x2a: {  	_ =	swait.ge [sflag:s20], $0x2800  }
0x2b: {  	[sflag:s20] =	ssyncset.done $0x0  }
0x2c: {  	[sflag:s20] =	ssyncadd.s32 $0xFFFFD800  }
0x2d: {  	[spmem:s11] =	stream.linear.scatter [tilespmem:s19], [sflag:$0x5], $0x2800, $0x38;
	v63 =	vld [tilespmem:$0x0]  }
0x2e: {  	_ =	swait.ge [sflag:s20], $0x2800  }
0x2f: {  	[sflag:s20] =	ssyncset.done $0x0  }
0x30: {  	[sflag:s20] =	ssyncadd.s32 $0xFFFFD800  }
0x31: {  	[spmem:s12] =	stream.linear.scatter [tilespmem:s19], [sflag:$0x5], $0x2800, $0x38;
	v63 =	vld [tilespmem:$0x0]  }
0x32: {  	_ =	swait.ge [sflag:s20], $0x2800  }
0x33: {  	[sflag:s20] =	ssyncset.done $0x0  }
0x34: {  	[sflag:s20] =	ssyncadd.s32 $0xFFFFD800  }
0x35: {  	[spmem:s13] =	stream.linear.scatter [tilespmem:s19], [sflag:$0x5], $0x2800, $0x38;
	v63 =	vld [tilespmem:$0x0]  }
0x36: {  	_ =	swait.ge [sflag:s20], $0x2800  }
0x37: {  	[sflag:s20] =	ssyncset.done $0x0  }
0x38: {  	[sflag:s20] =	ssyncadd.s32 $0xFFFFD800  }
0x39: {  	[spmem:s14] =	stream.linear.scatter [tilespmem:s19], [sflag:$0x5], $0x2800, $0x38;
	v63 =	vld [tilespmem:$0x0]  }
0x3a: {  	_ =	swait.ge [sflag:s20], $0x2800  }
0x3b: {  	[sflag:s20] =	ssyncset.done $0x0  }
0x3c: {  	[sflag:s20] =	ssyncadd.s32 $0xFFFFD800  }
0x3d: {  	[spmem:s15] =	stream.linear.scatter [tilespmem:s19], [sflag:$0x5], $0x2800, $0x38;
	v63 =	vld [tilespmem:$0x0]  }
0x3e: {  	_ =	swait.ge [sflag:s20], $0x2800  }
0x3f: {  	[sflag:s20] =	ssyncset.done $0x0  }
0x40: {  	[sflag:s20] =	ssyncadd.s32 $0xFFFFD800  }
0x41: {  	s26 =	simm.s32 $0x0;
	s28 =	simm.s32 $0x0;
	[bflag:$0x0] =	sbarrier.arrive $0xFFFF  }
.LBB2_4:
0x42: {  	s0 =	sshll.u32 s28, $0xC  }
0x43: {  	s29 =	sadd.s32 s16, s0  }
0x44: {  	s29 =	sshrl.u32 s29, $0x3  }
0x45: {  	s29 =	sadd.s32 s5, s29  }
0x46: {  	[tilespmem:s26], [sflag:$0x5] =	stream.linear.gather [hbm4b:s29+s26], $0xC80, $0x38;
	v63 =	vld [tilespmem:$0x0]  }
0x47: {  	s0 =	sadd.s32 s10, s0;
	_ =	swait.ge [sflag:s20], $0xC80  }
0x48: {  	s0 =	sshrl.u32 s0, $0x3;
	[sflag:s20] =	ssyncset.done $0x0  }
0x49: {  	s0 =	sadd.s32 s6, s0;
	s29 =	simm.s32 $0x1000;
	[sflag:s20] =	ssyncadd.s32 $0xFFFFF380  }
0x4a: {  	[tilespmem:s29], [sflag:$0x5] =	stream.linear.gather [hbm4b:s0+s26], $0xC80, $0x38;
	v63 =	vld [tilespmem:$0x0]  }
0x4b: {  	_ =	swait.ge [sflag:s20], $0xC80  }
0x4c: {  	[sflag:s20] =	ssyncset.done $0x0  }
0x4d: {  	[sflag:s20] =	ssyncadd.s32 $0xFFFFF380  }
0x4e: {  	[tilespmem:s19], [sflag:$0x1] =	stream.indirect.gather [hbm4b:s4+s21], $0x80, s26, s21, $0xb8;
	v63 =	vld [tilespmem:$0x0]  }
0x4f: {  	_ = 	snop  }
0x50: {  	[tilespmem:s23], [sflag:$0x2] =	stream.indirect.gather [hbm4b:s4+s21], $0x80, s22, s21, $0xb8;
	v63 =	vld [tilespmem:$0x0]  }
0x51: {  	s30 =	simm.s32 $0x180;
	s31 =	simm.s32 $0x0  }
0x52: {  	[tilespmem:s25], [sflag:$0x3] =	stream.indirect.gather [hbm4b:s4+s21], $0x80, s24, s21, $0xb8;
	v63 =	vld [tilespmem:$0x0]  }
.LBB2_5:
0x53: {  	s0 =	sand.u32 $0x3, s31  }
0x54: {  	p0 =	sgt.s32 s0, $0x1  }
0x55: {  	p2 =	seq.s32 @p0 s0, $0x2  }
0x56: {  	p1 =	por !p2, !p0  }
0x57: {  	p3 =	sgt.u32 @!p1 s31, $0x15;
	s1 =	simm.s32 @!p1 $0x3  }
0x58: {  	_ =	swait.ge @!p1 [sflag:s1], $0x2800;
	p3 =	por @p0 p3, !p2  }
0x59: {  	[sflag:s1] =	ssyncset.done @!p1 $0x0;
	p3 =	por p3, !p0  }
0x5a: {  	[sflag:s1] =	ssyncadd.s32 @!p1 $0xFFFFD800;
	s1 =	simm.s32 @!p3 $0x50;
	s8 =	simm.s32 @!p3 $0x4800  }
0x5b: {  	[tilespmem:s8], [sflag:$0x2] =	stream.indirect.gather @!p3 [hbm4b:s4+s1], $0x80, s30, s1, $0xb8;
	v63 =	vld [tilespmem:$0x0]  }
0x5c: {  	s1 =	simm.s32 @!p1 $0x50;
	s8 =	simm.s32 @!p1 $0x7000;
	p3 =	por p2, !p0  }
0x5d: {  	[spmem:s2] =	stream.indirect.scatter.add.f32 @!p1 [tilespmem:s8], [sflag:$0x6], $0x80, s29, s1, $0xb8;
	v63 =	vld [tilespmem:$0x0]  }
0x5e: {  	p4 =	sgt.u32 @!p3 s31, $0x15;
	s1 =	simm.s32 @!p3 $0x4  }
0x5f: {  	p2 =	por @p0 p4, p2;
	_ =	swait.ge @!p3 [sflag:s1], $0x2800  }
0x60: {  	p2 =	por p2, !p0;
	[sflag:s1] =	ssyncset.done @!p3 $0x0  }
0x61: {  	s8 =	simm.s32 @!p2 $0x7000;
	[sflag:s1] =	ssyncadd.s32 @!p3 $0xFFFFD800;
	s1 =	simm.s32 @!p2 $0x50  }
0x62: {  	[tilespmem:s8], [sflag:$0x3] =	stream.indirect.gather @!p2 [hbm4b:s4+s1], $0x80, s30, s1, $0xb8;
	v63 =	vld [tilespmem:$0x0]  }
0x63: {  	s1 =	simm.s32 @!p3 $0x50;
	s8 =	simm.s32 @!p3 $0x9800  }
0x64: {  	[spmem:s2] =	stream.indirect.scatter.add.f32 @!p3 [tilespmem:s8], [sflag:$0x5], $0x80, s29, s1, $0xb8;
	v63 =	vld [tilespmem:$0x0]  }
0x65: {  	p3 =	seq.s32 @!p0 s0, $0x0  }
0x66: {  	p2 =	por !p3, p0  }
0x67: {  	p4 =	sgt.u32 @!p2 s31, $0x15;
	s0 =	simm.s32 @!p2 $0x1  }
0x68: {  	_ =	swait.ge @!p2 [sflag:s0], $0x2800;
	p4 =	por @!p0 p4, !p3  }
0x69: {  	[sflag:s0] =	ssyncset.done @!p2 $0x0;
	p4 =	por p4, p0  }
0x6a: {  	[sflag:s0] =	ssyncadd.s32 @!p2 $0xFFFFD800;
	s0 =	simm.s32 @!p4 $0x50;
	s1 =	simm.s32 @!p4 $0x9800  }
0x6b: {  	[tilespmem:s1], [sflag:$0x4] =	stream.indirect.gather @!p4 [hbm4b:s4+s0], $0x80, s30, s0, $0xb8;
	v63 =	vld [tilespmem:$0x0]  }
0x6c: {  	s0 =	simm.s32 @!p2 $0x50;
	s1 =	simm.s32 @!p2 $0x2000;
	p4 =	por p3, p0  }
0x6d: {  	[spmem:s2] =	stream.indirect.scatter.add.f32 @!p2 [tilespmem:s1], [sflag:$0x6], $0x80, s29, s0, $0xb8;
	v63 =	vld [tilespmem:$0x0]  }
0x6e: {  	p5 =	sgt.u32 @!p4 s31, $0x15;
	s0 =	simm.s32 @!p4 $0x2  }
0x6f: {  	p3 =	por @!p0 p5, p3;
	_ =	swait.ge @!p4 [sflag:s0], $0x2800  }
0x70: {  	p3 =	por p3, p0;
	[sflag:s0] =	ssyncset.done @!p4 $0x0  }
0x71: {  	s8 =	simm.s32 @!p3 $0x2000;
	[sflag:s0] =	ssyncadd.s32 @!p4 $0xFFFFD800;
	s0 =	simm.s32 @!p3 $0x50  }
0x72: {  	[tilespmem:s8], [sflag:$0x1] =	stream.indirect.gather @!p3 [hbm4b:s4+s0], $0x80, s30, s0, $0xb8;
	v63 =	vld [tilespmem:$0x0]  }
0x73: {  	s1 =	simm.s32 @!p1 $0x6;
	s0 =	simm.s32 @!p2 $0x6  }
0x74: {  	s31 =	sadd.s32 $0x1, s31;
	s1 =	simm.s32 @p1 $0x5;
	s0 =	simm.s32 @p2 $0x6  }
0x75: {  	s0 =	smov.u32 @p0 s1;
	p0 =	sne.s32 s31, $0x19  }
.Ltmp1:
0x76: {  	s9 =	simm.s32 @!p4 $0x4800;
	s8 =	simm.s32 @!p4 $0x50;
	(pc) =	sbr.rel @p0 .LBB2_5-.Ltmp1, $4  }
0x77: {  	[spmem:s2] =	stream.indirect.scatter.add.f32 @!p4 [tilespmem:s9], [sflag:$0x6], $0x80, s29, s8, $0xb8;
	v63 =	vld [tilespmem:$0x0]  }
0x78: {  	_ =	swait.ge [sflag:s0], $0x2800  }
0x79: {  	[sflag:s0] =	ssyncset.done $0x0  }
0x7a: {  	s30 =	sadd.s32 $0x80, s30;
	s29 =	sadd.s32 $0x80, s29;
	[sflag:s0] =	ssyncadd.s32 $0xFFFFD800  }
0x7b: {  	s28 =	sadd.s32 $0x1, s28  }
0x7c: {  	p0 =	sne.s32 s28, $0x5  }
.Ltmp2:
0x7d: {  	_ = 	snop;
	(pc) =	sbr.rel @p0 .LBB2_4-.Ltmp2, $1  }
0x7e: {  	_ =	sdelay $0x3  }
0x7f: {  	s0 =	stileid.u32;
	s3 =	sadd.s32 $0x1, s3  }
0x80: {  	[bflag:$0x0] =	sbarrier.arrive $0xFFFF;
	s0 =	sshll.u32 s0, $0x6;
	p0 =	sne.s32 s3, s18  }
.Ltmp3:
0x81: {  	s1 =	sshrl.u32 s7, $0x3;
	s0 =	sor.u32 $0x1C05, s0;
	(pc) =	sbr.rel @p0 .LBB2_1-.Ltmp3, $4  }
0x82: {  	[hbm:s17], [sflag:s0] =	dma.local [spmem:s1], $0x2800  }
0x83: {  	_ =	swait.ge [sflag:s20], $0x2800  }
0x84: {  	[sflag:s20] =	ssyncset.done $0x0  }
0x85: {  	[sflag:s20] =	ssyncadd.s32 $0xFFFFD800  }
0x86: {  	_ =	sfence.sel $0x180000  }
0x87: {  	[bflag:$0x0] =	sbarrier.arrive $0xFFFF  }
0x88: {  	_ =	strace $0x9000004A  }
0x89: {  	s0 =	stileid.u32;
	[bflag:$0x2] =	sbarrier.arrive $0xFFFF  }
0x8a: {  	p0 =	sne.s32 s0, $0x0;
	s0 =	rddreg [dreg:$0x2]  }
0x8b: {  	s0 =	sadd.s32 @!p0 $0x100000, s0  }
0x8c: {  	[sflag:s0] =	ssyncadd.tile.s32 @!p0 $0x1;
	_ =	shalt  }
.Lfunc_end2:
_tile_overlayer_lowered:
.L_overlay_start_2:
0x8d: {  	(tag) =	ssettag $0x2  }
0x8e: {  	s0 =	rddreg [dreg:$0x0];
	s2 =	stileid.u32  }
0x8f: {  	s1 =	rddreg [dreg:$0x1];
	p0 =	sne.s32 s2, $0x0  }
0x90: {  	s3 =	rddreg [dreg:$0x2];
	[bflag:$0x3] =	sbarrier.arrive $0xFFFF;
	s2 =	simm.s32 @!p0 $0x1C05  }
0x91: {  	[timem:s3], [sflag:s2] =	dma.local @!p0 [hbm:s0], s1  }
0x92: {  	s0 =	simm.s32 @!p0 $0x5  }
0x93: {  	_ =	swait.ge @!p0 [sflag:s0], s1  }
0x94: {  	s1 =	ssub.s32 @!p0 $0x0, s1;
	[sflag:s0] =	ssyncset.done @!p0 $0x0  }
0x95: {  	[sflag:s0] =	ssyncadd.s32 @!p0 s1  }
0x96: {  	[bflag:$0x3] =	sbarrier.arrive $0xFFFF  }
0x97: {  	_ =	shalt  }

// kernel: kernel.14.cloned.1.call-start
scs
__scs_entry_jumppad:
0x0: {  	(pc) =	sbr.rel $0x88, $3  }
0x1: {  	(tag) =	ssettag $0x0;
	lr =	simm.s32 $0x1  }
0x2: {  	[smem:$0x3F98] =	sst lr;
	_ =	strace $0xD0000000  }
0x3: {  	_ = 	snop  }
0x4: {  	_ = 	snop  }
0x5: {  	_ = 	snop  }
0x6: {  	_ = 	snop  }
0x7: {  	_ = 	snop  }
__scs_overlays_trampoline_lowered:
0x8: {  	[smem:$0x3FA7] =	sst s0  }
0x9: {  	[smem:$0x3FA8] =	sst s1  }
0xa: {  	[smem:$0x3FA9] =	sst s2  }
0xb: {  	[smem:$0x3FAA] =	sst s3  }
0xc: {  	[smem:$0x3FAB] =	sst s4  }
0xd: {  	[smem:$0x3FAC] =	sst s5  }
0xe: {  	[smem:$0x3FAD] =	sst s6  }
0xf: {  	[smem:$0x3FAE] =	sst s7  }
0x10: {  	[smem:$0x3FAF] =	sst s8  }
0x11: {  	[smem:$0x3FB0] =	sst s9;
	s0 =	simm.s32 @!p0 $0x0  }
0x12: {  	s1 =	sld [smem:$0x3F96];
	s0 =	simm.s32 @p0 $0x1  }
0x13: {  	[smem:$0x3FB1] =	sst s0;
	s0 =	simm.s32 @!p1 $0x0  }
0x14: {  	s2 =	sld [smem:$0x3F95];
	s0 =	simm.s32 @p1 $0x1  }
0x15: {  	[smem:$0x3FB2] =	sst s0;
	s0 =	simm.s32 @!p2 $0x0  }
0x16: {  	s3 =	sld [smem:$0x3FDB];
	s0 =	simm.s32 @p2 $0x1  }
0x17: {  	s4 =	simm.s32 $0x1BF5;
	[smem:$0x3FB4] =	sst s0  }
0x18: {  	s0 =	sld [smem:$0x3F97];
	_ =	swait.ge [sflag:s4], $0x0  }
0x19: {  	s7 =	sld [smem:$0x3F98]  }
0x1a: {  	s8 =	sadd.s32 $0xFFFFE003, lr  }
0x1b: {  	s9 =	sadd.s32 $0xFFFFFEF7, lr;
	s5 =	simm.s32 $0xFFFFFFFF;
	p2 =	slt.u32 s8, $0xFFFFF086  }
0x1c: {  	p1 =	slt.u32 s9, $0xF7A;
	s5 =	simm.s32 @!p2 $0x0  }
0x1d: {  	s5 =	simm.s32 @p1 $0x1;
	p0 =	seq.s32 s7, s2  }
0x1e: {  	s7 =	smul.u32 @!p0 $0xF7A, s2;
	p2 =	seq.s32 @!p0 s5, $0x0  }
0x1f: {  	s9 =	smul.u32 $0xF7A, s1;
	s8 =	simm.s32 @!p0 $0x1BF5;
	p2 =	por !p2, p0  }
0x20: {  	[sflag:s8] =	ssyncset.s32 @!p0 $0xFFFFF086;
	s6 =	sadd.s32 @!p0 s3, s7;
	s7 =	simm.s32 @!p0 $0x108  }
0x21: {  	s3 =	sadd.s32 s3, s9;
	s6 =	sadd.s32 @!p0 $0x88, s6;
	s7 =	simm.s32 @p2 $0x1082  }
0x22: {  	[simem:s7], [sflag:s8] =	dma.local @!p0 [hbm:s6], $0xF7A  }
0x23: {  	s9 =	sor.u32 $0xD0000000, s2;
	s6 =	simm.s32 $0x108;
	_ =	swait.ge @!p0 [sflag:s8], $0x0  }
0x24: {  	s3 =	sadd.s32 $0x88, s3;
	s6 =	simm.s32 @!p1 $0x1082;
	[sflag:s4] =	ssyncset.s32 $0xFFFFF086  }
0x25: {  	[simem:s6], [sflag:s4] =	dma.local [hbm:s3], $0xF7A  }
0x26: {  	[smem:$0x3F98] =	sst s1;
	(tag) =	ssettag s2;
	_ =	strace s9  }
0x27: {  	s1 =	sld [smem:$0x3FA8]  }
0x28: {  	s2 =	sld [smem:$0x3FA9]  }
0x29: {  	s4 =	sld [smem:$0x3FAB]  }
0x2a: {  	p0 =	seq.s32 s5, $0x0;
	s5 =	sld [smem:$0x3FAC]  }
0x2b: {  	s6 =	sld [smem:$0x3FAD]  }
0x2c: {  	s7 =	sld [smem:$0x3FAE]  }
0x2d: {  	s3 =	simm.s32 $0x108;
	s8 =	sld [smem:$0x3FAF]  }
0x2e: {  	s3 =	simm.s32 @!p0 $0x1082;
	s9 =	sld [smem:$0x3FB0]  }
0x2f: {  	lr =	sadd.s32 s0, s3;
	s0 =	sld [smem:$0x3FA7]  }
0x30: {  	s3 =	sld [smem:$0x3FAA]  }
0x31: {  	[smem:$0x3FB3] =	sst s10  }
0x32: {  	s10 =	sld [smem:$0x3FB1];
	_ =	sdelay $0x3  }
0x33: {  	p0 =	seq.s32 s10, $0x1;
	s10 =	sld [smem:$0x3FB3];
	_ =	sdelay $0x3  }
0x34: {  	[smem:$0x3FB3] =	sst s10  }
0x35: {  	s10 =	sld [smem:$0x3FB2];
	_ =	sdelay $0x3  }
0x36: {  	p1 =	seq.s32 s10, $0x1;
	s10 =	sld [smem:$0x3FB3];
	_ =	sdelay $0x3  }
0x37: {  	[smem:$0x3FB3] =	sst s10  }
0x38: {  	s10 =	sld [smem:$0x3FB4]  }
0x39: {  	_ = 	snop;
	(pc) =	sbr.ind lr, $3  }
0x3a: {  	_ = 	snop  }
0x3b: {  	_ = 	snop  }
0x3c: {  	p2 =	seq.s32 s10, $0x1;
	s10 =	sld [smem:$0x3FB3]  }
0x3d: {  	_ =	shalt  }
0x3e: {  	_ =	shalt  }
0x3f: {  	_ =	shalt  }
0x40: {  	_ =	shalt  }
0x41: {  	_ =	shalt  }
0x42: {  	_ =	shalt  }
0x43: {  	_ =	shalt  }
0x44: {  	_ =	shalt  }
0x45: {  	_ =	shalt  }
0x46: {  	_ =	shalt  }
0x47: {  	_ =	shalt  }
0x48: {  	_ =	shalt  }
0x49: {  	_ =	shalt  }
0x4a: {  	_ =	shalt  }
0x4b: {  	_ =	shalt  }
0x4c: {  	_ =	shalt  }
0x4d: {  	_ =	shalt  }
0x4e: {  	_ =	shalt  }
0x4f: {  	_ =	shalt  }
0x50: {  	_ =	shalt  }
0x51: {  	_ =	shalt  }
0x52: {  	_ =	shalt  }
0x53: {  	_ =	shalt  }
0x54: {  	_ =	shalt  }
0x55: {  	_ =	shalt  }
0x56: {  	_ =	shalt  }
0x57: {  	_ =	shalt  }
0x58: {  	_ =	shalt  }
0x59: {  	_ =	shalt  }
0x5a: {  	_ =	shalt  }
0x5b: {  	_ =	shalt  }
0x5c: {  	_ =	shalt  }
0x5d: {  	_ =	shalt  }
0x5e: {  	_ =	shalt  }
0x5f: {  	_ =	shalt  }
0x60: {  	_ =	shalt  }
0x61: {  	_ =	shalt  }
0x62: {  	_ =	shalt  }
0x63: {  	_ =	shalt  }
0x64: {  	_ =	shalt  }
0x65: {  	_ =	shalt  }
0x66: {  	_ =	shalt  }
0x67: {  	_ =	shalt  }
0x68: {  	_ =	shalt  }
0x69: {  	_ =	shalt  }
0x6a: {  	_ =	shalt  }
0x6b: {  	_ =	shalt  }
0x6c: {  	_ =	shalt  }
0x6d: {  	_ =	shalt  }
0x6e: {  	_ =	shalt  }
0x6f: {  	_ =	shalt  }
0x70: {  	_ =	shalt  }
0x71: {  	_ =	shalt  }
0x72: {  	_ =	shalt  }
0x73: {  	_ =	shalt  }
0x74: {  	_ =	shalt  }
0x75: {  	_ =	shalt  }
0x76: {  	_ =	shalt  }
0x77: {  	_ =	shalt  }
0x78: {  	_ =	shalt  }
0x79: {  	_ =	shalt  }
0x7a: {  	_ =	shalt  }
0x7b: {  	_ =	shalt  }
0x7c: {  	_ =	shalt  }
0x7d: {  	_ =	shalt  }
0x7e: {  	_ =	shalt  }
0x7f: {  	_ =	shalt  }
0x80: {  	_ =	shalt  }
0x81: {  	_ =	shalt  }
0x82: {  	_ =	shalt  }
0x83: {  	_ =	shalt  }
0x84: {  	_ =	shalt  }
0x85: {  	_ =	shalt  }
0x86: {  	_ =	shalt  }
0x87: {  	_ =	shalt  }
.Lfunc_end0:
.L_simem_size_0:
called_computation.2_lowered:
.L_overlay_start_0:
0x88: {  	s2 =	sld [smem:$0x3FD9]  }
0x89: {  	s3 =	sld [smem:$0x3FFE];
	_ =	sdelay $0x1  }
0x8a: {  	s1 =	srdreg.scid  }
0x8b: {  	s0 =	sand.u32 $0x1, s1  }
0x8c: {  	s16 =	sshll.u32 s0, $0xA;
	s2 =	sadd.s32 s3, s2  }
0x8d: {  	s2 =	sadd.s32 s2, s16  }
0x8e: {  	[smem:$0x3FBF] =	sst s2  }
0x8f: {  	_ = 	snop  }
0x90: {  	(tm) =	ssettm $0x1  }
0x91: {  	s17 =	sld [smem:$0x3FFB];
	_ =	sdelay $0x3  }
0x92: {  	_ =	strace s17  }
0x93: {  	s2 =	sld [smem:$0x3FFC];
	_ =	sdelay $0x3  }
0x94: {  	_ =	strace s2  }
0x95: {  	s2 =	sld [smem:$0x3FFD];
	_ =	sdelay $0x3  }
0x96: {  	_ =	strace s2  }
0x97: {  	_ =	strace $0x8FFFFFFF  }
0x98: {  	s18 =	sld [smem:$0x3FDB];
	_ =	sdelay $0x1  }
0x99: {  	s19 =	simm.s32 $_scs_section_size  }
0x9a: {  	s4 =	simm.s32 $_size__tile_overlayer_lowered;
	s5 =	simm.s32 $_tile_overlayer_lowered  }
0x9b: {  	s22 =	simm.s32 $0x1BFF;
	s21 =	sshll.u32 s5, $0x1;
	s2 =	sadd.s32 s19, s18  }
0x9c: {  	s6 =	simm.s32 $0x0;
	s20 =	sshll.u32 s4, $0x1;
	s4 =	sadd.s32 s21, s2  }
0x9d: {  	[timem:s6], [sflag:s22] =	dma.local [hbm:s4], s20  }
0x9e: {  	_ =	swait.ge [sflag:s22], s20  }
0x9f: {  	s3 =	ssub.s32 $0x0, s20;
	[sflag:s22] =	ssyncset.done $0x0  }
0xa0: {  	[sflag:s22] =	ssyncadd.s32 s3;
	_ =	sdelay $0x1  }
0xa1: {  	s23 =	simm.s32 $0x1B8B  }
0xa2: {  	_ =	swait.ge [sflag:s23], $0x1  }
0xa3: {  	[sflag:s23] =	ssyncset.done $0x0  }
0xa4: {  	s25 =	simm.s32 $0x1B8E;
	s24 =	sld [smem:$0x3FFE];
	[sflag:s23] =	ssyncadd.s32 $0xFFFFFFFF  }
0xa5: {  	s26 =	simm.s32 $execute0_lowered;
	[smem:$0x3FD2] =	sst s25  }
0xa6: {  	s4 =	sshll.u32 s26, $0x1;
	_ =	strace $0x8000004C;
	[dreg:$0x1] =	wrdreg $0xFFFFFFFF  }
0xa7: {  	s28 =	simm.s32 $_size_execute0_lowered;
	s2 =	sadd.s32 s2, s4;
	[dreg:$0x0] =	wrdreg $0x0  }
0xa8: {  	s4 =	sshll.u32 s28, $0x1;
	[dreg:$0x2] =	wrdreg s2  }
0xa9: {  	[dreg:$0x3] =	wrdreg s4  }
0xaa: {  	[dreg:$0x4] =	wrdreg $0xC0  }
0xab: {  	_ =	task [dreg:s6], $0x5FFFF  }
0xac: {  	[dreg:$0x1] =	wrdreg $0xFFFFFFFF  }
0xad: {  	[dreg:$0x0] =	wrdreg $0x60  }
0xae: {  	[dreg:$0x2] =	wrdreg s24  }
0xaf: {  	[dreg:$0x3] =	wrdreg $0xC0000  }
0xb0: {  	[dreg:$0x4] =	wrdreg $0x9  }
0xb1: {  	_ =	task.clear_ibuf [dreg:s6], $0x5FFFF;
	_ =	strace $0x9000004C  }
0xb2: {  	s29 =	simm.s32 $0x9;
	_ =	strace $0x8000004E  }
0xb3: {  	_ =	swait.ge [sflag:s29], $0x1  }
0xb4: {  	[sflag:s29] =	ssyncadd.s32 $0xFFFFFFFF  }
0xb5: {  	_ =	strace $0x9000004E  }
0xb6: {  	_ =	sfence  }
0xb7: {  	s30 =	sld [smem:$0x0];
	_ =	sdelay $0x2  }
0xb8: {  	s31 =	sshll.u32 s1, $0xD;
	s1 =	sshrl.u32 s1, $0x2  }
0xb9: {  	s3 =	sand.u32 $0x4000, s31;
	s1 =	sadd.s32 s1, s30  }
0xba: {  	s0 =	sor.u32 s3, s0;
	s1 =	sshll.u32 s1, $0x11  }
0xbb: {  	s0 =	sor.u32 s1, s0  }
0xbc: {  	s0 =	sadd.s32 $0x8F2B, s0  }
0xbd: {  	[sflag:s0] =	ssyncadd.remote.s32 $0x1  }
0xbe: {  	_ =	sfence.sel $0xFFFF  }
0xbf: {  	[dreg:$0x0] =	wrdreg $0xFFFFFFFF;
	(pc) =	sbr.abs _section_cstart, $3  }
0xc0: {  	[dreg:$0x1] =	wrdreg $0xFFFFFFFF  }
0xc1: {  	_ =	task.clear_ibuf [dreg:s6], $0x2FFFF;
	_ =	strace $0x9FFFFFFF  }
0xc2: {  	(tm) =	ssettm $0x7FFFFFFF  }
0xc3: {  	_ =	shalt  }
tec
execute0_lowered:
.L_overlay_start_1:
0x0: {  	(tag) =	ssettag $0x1  }
0x1: {  	s0 =	rddreg [dreg:$0x0]  }
0x2: {  	s2 =	rddreg [dreg:$0x1];
	s3 =	simm.s32 $0x0  }
0x3: {  	s4 =	srdreg.scid;
	s1 =	stileid.u32;
	s19 =	simm.s32 $0x2000  }
0x4: {  	s20 =	simm.s32 $0x5;
	s21 =	simm.s32 $0x50;
	s22 =	simm.s32 $0x80  }
0x5: {  	s23 =	simm.s32 $0x4800;
	s24 =	simm.s32 $0x100;
	s25 =	simm.s32 $0x7000  }
0x6: {  	[smem:$0x7FF] =	sst s3;
	s8 =	sand.u32 $0x1, s4;
	s7 =	smul.u32 $0x2800, s1  }
0x7: {  	s4 =	sadd.s32 $0x20600, s0;
	s5 =	sadd.s32 $0x70600, s0;
	s10 =	smul.u32 $0x50000, s1  }
0x8: {  	s6 =	sadd.s32 $0x16600, s0;
	s9 =	smul.u32 $0x28000, s8;
	s28 =	ssub.s32 $0x2, s8  }
0x9: {  	_ =	strace $0x8000004D;
	s16 =	smul.u32 $0x50000, s8;
	s29 =	sshrl.u32 s28, $0x1  }
0xa: {  	s10 =	sshrl.u32 s10, $0x2;
	s7 =	sadd.s32 s7, s9;
	s18 =	ssub.s32 s28, s29  }
0xb: {  	s0 =	sadd.s32 s7, s0;
	s7 =	sadd.s32 s10, s2;
	s10 =	smul.u32 $0x5000, s1  }
0xc: {  	s18 =	smax.u32 s18, $0x1;
	s30 =	sadd.s32 $0x2800, s7;
	s31 =	sadd.s32 $0x5000, s7  }
0xd: {  	s11 =	sadd.s32 $0x7800, s7;
	s12 =	sadd.s32 $0xA000, s7;
	s13 =	sadd.s32 $0xC800, s7  }
0xe: {  	s14 =	sadd.s32 $0xF000, s7;
	s15 =	sadd.s32 $0x11800, s7;
	[dreg:$0x3] =	wrdreg s30  }
0xf: {  	v0 =	vimm.f32 $0.0e+00;
	s17 =	sadd.s32 $0x84600, s0;
	[dreg:$0x4] =	wrdreg s31;
	s16 =	sadd.s32 s16, s10  }
.LBB2_1:
0x10: {  	s26 =	simm.s32 $0x0;
	s28 =	simm.s32 $0x200  }
.LBB2_2:
0x11: {  	p0 =	sne.s32 s28, $0x9E00;
	[tilespmem:s26+$0x2070] =	vst v0  }
0x12: {  	[tilespmem:s26+$0x2000] =	vst v0  }
0x13: {  	[tilespmem:s26+$0x2010] =	vst v0  }
.Ltmp0:
0x14: {  	[tilespmem:s26+$0x2020] =	vst v0;
	(pc) =	sbr.rel @p0 .LBB2_2-.Ltmp0, $4  }
0x15: {  	[tilespmem:s26+$0x2030] =	vst v0  }
0x16: {  	[tilespmem:s26+$0x2040] =	vst v0  }
0x17: {  	[tilespmem:s26+$0x2050] =	vst v0  }
0x18: {  	[tilespmem:s26+$0x2060] =	vst v0;
	s26 =	sshra.s32 s28, $0x2;
	s28 =	sadd.s32 $0x200, s28  }
0x19: {  	[tilespmem:s26+$0x2070] =	vst v0  }
0x1a: {  	[tilespmem:s26+$0x2000] =	vst v0  }
0x1b: {  	[tilespmem:s26+$0x2010] =	vst v0  }
0x1c: {  	[tilespmem:s26+$0x2020] =	vst v0  }
0x1d: {  	[tilespmem:s26+$0x2030] =	vst v0  }
0x1e: {  	[tilespmem:s26+$0x2040] =	vst v0  }
0x1f: {  	[tilespmem:s26+$0x2050] =	vst v0  }
0x20: {  	[tilespmem:s26+$0x2060] =	vst v0  }
0x21: {  	[spmem:s7] =	stream.linear.scatter [tilespmem:s19], [sflag:$0x5], $0x2800, $0x38;
	v63 =	vld [tilespmem:$0x0]  }
0x22: {  	_ =	swait.ge [sflag:s20], $0x2800  }
0x23: {  	[sflag:s20] =	ssyncset.done $0x0  }
0x24: {  	s0 =	rddreg [dreg:$0x3];
	[sflag:s20] =	ssyncadd.s32 $0xFFFFD800  }
0x25: {  	[spmem:s0] =	stream.linear.scatter [tilespmem:s19], [sflag:$0x5], $0x2800, $0x38;
	v63 =	vld [tilespmem:$0x0]  }
0x26: {  	_ =	swait.ge [sflag:s20], $0x2800  }
0x27: {  	[sflag:s20] =	ssyncset.done $0x0  }
0x28: {  	s31 =	rddreg [dreg:$0x4];
	[sflag:s20] =	ssyncadd.s32 $0xFFFFD800  }
0x29: {  	[spmem:s31] =	stream.linear.scatter [tilespmem:s19], [sflag:$0x5], $0x2800, $0x38;
	v63 =	vld [tilespmem:$0x0]  }
0x2a: {  	_ =	swait.ge [sflag:s20], $0x2800  }
0x2b: {  	[sflag:s20] =	ssyncset.done $0x0  }
0x2c: {  	[sflag:s20] =	ssyncadd.s32 $0xFFFFD800  }
0x2d: {  	[spmem:s11] =	stream.linear.scatter [tilespmem:s19], [sflag:$0x5], $0x2800, $0x38;
	v63 =	vld [tilespmem:$0x0]  }
0x2e: {  	_ =	swait.ge [sflag:s20], $0x2800  }
0x2f: {  	[sflag:s20] =	ssyncset.done $0x0  }
0x30: {  	[sflag:s20] =	ssyncadd.s32 $0xFFFFD800  }
0x31: {  	[spmem:s12] =	stream.linear.scatter [tilespmem:s19], [sflag:$0x5], $0x2800, $0x38;
	v63 =	vld [tilespmem:$0x0]  }
0x32: {  	_ =	swait.ge [sflag:s20], $0x2800  }
0x33: {  	[sflag:s20] =	ssyncset.done $0x0  }
0x34: {  	[sflag:s20] =	ssyncadd.s32 $0xFFFFD800  }
0x35: {  	[spmem:s13] =	stream.linear.scatter [tilespmem:s19], [sflag:$0x5], $0x2800, $0x38;
	v63 =	vld [tilespmem:$0x0]  }
0x36: {  	_ =	swait.ge [sflag:s20], $0x2800  }
0x37: {  	[sflag:s20] =	ssyncset.done $0x0  }
0x38: {  	[sflag:s20] =	ssyncadd.s32 $0xFFFFD800  }
0x39: {  	[spmem:s14] =	stream.linear.scatter [tilespmem:s19], [sflag:$0x5], $0x2800, $0x38;
	v63 =	vld [tilespmem:$0x0]  }
0x3a: {  	_ =	swait.ge [sflag:s20], $0x2800  }
0x3b: {  	[sflag:s20] =	ssyncset.done $0x0  }
0x3c: {  	[sflag:s20] =	ssyncadd.s32 $0xFFFFD800  }
0x3d: {  	[spmem:s15] =	stream.linear.scatter [tilespmem:s19], [sflag:$0x5], $0x2800, $0x38;
	v63 =	vld [tilespmem:$0x0]  }
0x3e: {  	_ =	swait.ge [sflag:s20], $0x2800  }
0x3f: {  	[sflag:s20] =	ssyncset.done $0x0  }
0x40: {  	[sflag:s20] =	ssyncadd.s32 $0xFFFFD800  }
0x41: {  	s26 =	simm.s32 $0x0;
	s28 =	simm.s32 $0x0;
	[bflag:$0x0] =	sbarrier.arrive $0xFFFF  }
.LBB2_4:
0x42: {  	s0 =	sshll.u32 s28, $0xC  }
0x43: {  	s29 =	sadd.s32 s16, s0  }
0x44: {  	s29 =	sshrl.u32 s29, $0x3  }
0x45: {  	s29 =	sadd.s32 s5, s29  }
0x46: {  	[tilespmem:s26], [sflag:$0x5] =	stream.linear.gather [hbm4b:s29+s26], $0xC80, $0x38;
	v63 =	vld [tilespmem:$0x0]  }
0x47: {  	s0 =	sadd.s32 s10, s0;
	_ =	swait.ge [sflag:s20], $0xC80  }
0x48: {  	s0 =	sshrl.u32 s0, $0x3;
	[sflag:s20] =	ssyncset.done $0x0  }
0x49: {  	s0 =	sadd.s32 s6, s0;
	s29 =	simm.s32 $0x1000;
	[sflag:s20] =	ssyncadd.s32 $0xFFFFF380  }
0x4a: {  	[tilespmem:s29], [sflag:$0x5] =	stream.linear.gather [hbm4b:s0+s26], $0xC80, $0x38;
	v63 =	vld [tilespmem:$0x0]  }
0x4b: {  	_ =	swait.ge [sflag:s20], $0xC80  }
0x4c: {  	[sflag:s20] =	ssyncset.done $0x0  }
0x4d: {  	[sflag:s20] =	ssyncadd.s32 $0xFFFFF380  }
0x4e: {  	[tilespmem:s19], [sflag:$0x1] =	stream.indirect.gather [hbm4b:s4+s21], $0x80, s26, s21, $0xb8;
	v63 =	vld [tilespmem:$0x0]  }
0x4f: {  	_ = 	snop  }
0x50: {  	[tilespmem:s23], [sflag:$0x2] =	stream.indirect.gather [hbm4b:s4+s21], $0x80, s22, s21, $0xb8;
	v63 =	vld [tilespmem:$0x0]  }
0x51: {  	s30 =	simm.s32 $0x180;
	s31 =	simm.s32 $0x0  }
0x52: {  	[tilespmem:s25], [sflag:$0x3] =	stream.indirect.gather [hbm4b:s4+s21], $0x80, s24, s21, $0xb8;
	v63 =	vld [tilespmem:$0x0]  }
.LBB2_5:
0x53: {  	s0 =	sand.u32 $0x3, s31  }
0x54: {  	p0 =	sgt.s32 s0, $0x1  }
0x55: {  	p2 =	seq.s32 @p0 s0, $0x2  }
0x56: {  	p1 =	por !p2, !p0  }
0x57: {  	p3 =	sgt.u32 @!p1 s31, $0x15;
	s1 =	simm.s32 @!p1 $0x3  }
0x58: {  	_ =	swait.ge @!p1 [sflag:s1], $0x2800;
	p3 =	por @p0 p3, !p2  }
0x59: {  	[sflag:s1] =	ssyncset.done @!p1 $0x0;
	p3 =	por p3, !p0  }
0x5a: {  	[sflag:s1] =	ssyncadd.s32 @!p1 $0xFFFFD800;
	s1 =	simm.s32 @!p3 $0x50;
	s8 =	simm.s32 @!p3 $0x4800  }
0x5b: {  	[tilespmem:s8], [sflag:$0x2] =	stream.indirect.gather @!p3 [hbm4b:s4+s1], $0x80, s30, s1, $0xb8;
	v63 =	vld [tilespmem:$0x0]  }
0x5c: {  	s1 =	simm.s32 @!p1 $0x50;
	s8 =	simm.s32 @!p1 $0x7000;
	p3 =	por p2, !p0  }
0x5d: {  	[spmem:s2] =	stream.indirect.scatter.add.f32 @!p1 [tilespmem:s8], [sflag:$0x6], $0x80, s29, s1, $0xb8;
	v63 =	vld [tilespmem:$0x0]  }
0x5e: {  	p4 =	sgt.u32 @!p3 s31, $0x15;
	s1 =	simm.s32 @!p3 $0x4  }
0x5f: {  	p2 =	por @p0 p4, p2;
	_ =	swait.ge @!p3 [sflag:s1], $0x2800  }
0x60: {  	p2 =	por p2, !p0;
	[sflag:s1] =	ssyncset.done @!p3 $0x0  }
0x61: {  	s8 =	simm.s32 @!p2 $0x7000;
	[sflag:s1] =	ssyncadd.s32 @!p3 $0xFFFFD800;
	s1 =	simm.s32 @!p2 $0x50  }
0x62: {  	[tilespmem:s8], [sflag:$0x3] =	stream.indirect.gather @!p2 [hbm4b:s4+s1], $0x80, s30, s1, $0xb8;
	v63 =	vld [tilespmem:$0x0]  }
0x63: {  	s1 =	simm.s32 @!p3 $0x50;
	s8 =	simm.s32 @!p3 $0x9800  }
0x64: {  	[spmem:s2] =	stream.indirect.scatter.add.f32 @!p3 [tilespmem:s8], [sflag:$0x5], $0x80, s29, s1, $0xb8;
	v63 =	vld [tilespmem:$0x0]  }
0x65: {  	p3 =	seq.s32 @!p0 s0, $0x0  }
0x66: {  	p2 =	por !p3, p0  }
0x67: {  	p4 =	sgt.u32 @!p2 s31, $0x15;
	s0 =	simm.s32 @!p2 $0x1  }
0x68: {  	_ =	swait.ge @!p2 [sflag:s0], $0x2800;
	p4 =	por @!p0 p4, !p3  }
0x69: {  	[sflag:s0] =	ssyncset.done @!p2 $0x0;
	p4 =	por p4, p0  }
0x6a: {  	[sflag:s0] =	ssyncadd.s32 @!p2 $0xFFFFD800;
	s0 =	simm.s32 @!p4 $0x50;
	s1 =	simm.s32 @!p4 $0x9800  }
0x6b: {  	[tilespmem:s1], [sflag:$0x4] =	stream.indirect.gather @!p4 [hbm4b:s4+s0], $0x80, s30, s0, $0xb8;
	v63 =	vld [tilespmem:$0x0]  }
0x6c: {  	s0 =	simm.s32 @!p2 $0x50;
	s1 =	simm.s32 @!p2 $0x2000;
	p4 =	por p3, p0  }
0x6d: {  	[spmem:s2] =	stream.indirect.scatter.add.f32 @!p2 [tilespmem:s1], [sflag:$0x6], $0x80, s29, s0, $0xb8;
	v63 =	vld [tilespmem:$0x0]  }
0x6e: {  	p5 =	sgt.u32 @!p4 s31, $0x15;
	s0 =	simm.s32 @!p4 $0x2  }
0x6f: {  	p3 =	por @!p0 p5, p3;
	_ =	swait.ge @!p4 [sflag:s0], $0x2800  }
0x70: {  	p3 =	por p3, p0;
	[sflag:s0] =	ssyncset.done @!p4 $0x0  }
0x71: {  	s8 =	simm.s32 @!p3 $0x2000;
	[sflag:s0] =	ssyncadd.s32 @!p4 $0xFFFFD800;
	s0 =	simm.s32 @!p3 $0x50  }
0x72: {  	[tilespmem:s8], [sflag:$0x1] =	stream.indirect.gather @!p3 [hbm4b:s4+s0], $0x80, s30, s0, $0xb8;
	v63 =	vld [tilespmem:$0x0]  }
0x73: {  	s1 =	simm.s32 @!p1 $0x6;
	s0 =	simm.s32 @!p2 $0x6  }
0x74: {  	s31 =	sadd.s32 $0x1, s31;
	s1 =	simm.s32 @p1 $0x5;
	s0 =	simm.s32 @p2 $0x6  }
0x75: {  	s0 =	smov.u32 @p0 s1;
	p0 =	sne.s32 s31, $0x19  }
.Ltmp1:
0x76: {  	s9 =	simm.s32 @!p4 $0x4800;
	s8 =	simm.s32 @!p4 $0x50;
	(pc) =	sbr.rel @p0 .LBB2_5-.Ltmp1, $4  }
0x77: {  	[spmem:s2] =	stream.indirect.scatter.add.f32 @!p4 [tilespmem:s9], [sflag:$0x6], $0x80, s29, s8, $0xb8;
	v63 =	vld [tilespmem:$0x0]  }
0x78: {  	_ =	swait.ge [sflag:s0], $0x2800  }
0x79: {  	[sflag:s0] =	ssyncset.done $0x0  }
0x7a: {  	s30 =	sadd.s32 $0x80, s30;
	s29 =	sadd.s32 $0x80, s29;
	[sflag:s0] =	ssyncadd.s32 $0xFFFFD800  }
0x7b: {  	s28 =	sadd.s32 $0x1, s28  }
0x7c: {  	p0 =	sne.s32 s28, $0x5  }
.Ltmp2:
0x7d: {  	_ = 	snop;
	(pc) =	sbr.rel @p0 .LBB2_4-.Ltmp2, $1  }
0x7e: {  	_ =	sdelay $0x3  }
0x7f: {  	s0 =	stileid.u32;
	s3 =	sadd.s32 $0x1, s3  }
0x80: {  	[bflag:$0x0] =	sbarrier.arrive $0xFFFF;
	s0 =	sshll.u32 s0, $0x6;
	p0 =	sne.s32 s3, s18  }
.Ltmp3:
0x81: {  	s1 =	sshrl.u32 s7, $0x3;
	s0 =	sor.u32 $0x1C05, s0;
	(pc) =	sbr.rel @p0 .LBB2_1-.Ltmp3, $4  }
0x82: {  	[hbm:s17], [sflag:s0] =	dma.local [spmem:s1], $0x2800  }
0x83: {  	_ =	swait.ge [sflag:s20], $0x2800  }
0x84: {  	[sflag:s20] =	ssyncset.done $0x0  }
0x85: {  	[sflag:s20] =	ssyncadd.s32 $0xFFFFD800  }
0x86: {  	_ =	sfence.sel $0x180000  }
0x87: {  	[bflag:$0x0] =	sbarrier.arrive $0xFFFF  }
0x88: {  	_ =	strace $0x9000004D  }
0x89: {  	s0 =	stileid.u32;
	[bflag:$0x2] =	sbarrier.arrive $0xFFFF  }
0x8a: {  	p0 =	sne.s32 s0, $0x0;
	s0 =	rddreg [dreg:$0x2]  }
0x8b: {  	s0 =	sadd.s32 @!p0 $0x100000, s0  }
0x8c: {  	[sflag:s0] =	ssyncadd.tile.s32 @!p0 $0x1;
	_ =	shalt  }
.Lfunc_end2:
_tile_overlayer_lowered:
.L_overlay_start_2:
0x8d: {  	(tag) =	ssettag $0x2  }
0x8e: {  	s0 =	rddreg [dreg:$0x0];
	s2 =	stileid.u32  }
0x8f: {  	s1 =	rddreg [dreg:$0x1];
	p0 =	sne.s32 s2, $0x0  }
0x90: {  	s3 =	rddreg [dreg:$0x2];
	[bflag:$0x3] =	sbarrier.arrive $0xFFFF;
	s2 =	simm.s32 @!p0 $0x1C05  }
0x91: {  	[timem:s3], [sflag:s2] =	dma.local @!p0 [hbm:s0], s1  }
0x92: {  	s0 =	simm.s32 @!p0 $0x5  }
0x93: {  	_ =	swait.ge @!p0 [sflag:s0], s1  }
0x94: {  	s1 =	ssub.s32 @!p0 $0x0, s1;
	[sflag:s0] =	ssyncset.done @!p0 $0x0  }
0x95: {  	[sflag:s0] =	ssyncadd.s32 @!p0 s1  }
0x96: {  	[bflag:$0x3] =	sbarrier.arrive $0xFFFF  }
0x97: {  	_ =	shalt  }

// kernel: kernel.8.cloned.1.call-start
scs
__scs_entry_jumppad:
0x0: {  	(pc) =	sbr.rel $0x88, $3  }
0x1: {  	(tag) =	ssettag $0x0;
	lr =	simm.s32 $0x1  }
0x2: {  	[smem:$0x3F98] =	sst lr;
	_ =	strace $0xD0000000  }
0x3: {  	_ = 	snop  }
0x4: {  	_ = 	snop  }
0x5: {  	_ = 	snop  }
0x6: {  	_ = 	snop  }
0x7: {  	_ = 	snop  }
__scs_overlays_trampoline_lowered:
0x8: {  	[smem:$0x3FA7] =	sst s0  }
0x9: {  	[smem:$0x3FA8] =	sst s1  }
0xa: {  	[smem:$0x3FA9] =	sst s2  }
0xb: {  	[smem:$0x3FAA] =	sst s3  }
0xc: {  	[smem:$0x3FAB] =	sst s4  }
0xd: {  	[smem:$0x3FAC] =	sst s5  }
0xe: {  	[smem:$0x3FAD] =	sst s6  }
0xf: {  	[smem:$0x3FAE] =	sst s7  }
0x10: {  	[smem:$0x3FAF] =	sst s8  }
0x11: {  	[smem:$0x3FB0] =	sst s9;
	s0 =	simm.s32 @!p0 $0x0  }
0x12: {  	s1 =	sld [smem:$0x3F96];
	s0 =	simm.s32 @p0 $0x1  }
0x13: {  	[smem:$0x3FB1] =	sst s0;
	s0 =	simm.s32 @!p1 $0x0  }
0x14: {  	s2 =	sld [smem:$0x3F95];
	s0 =	simm.s32 @p1 $0x1  }
0x15: {  	[smem:$0x3FB2] =	sst s0;
	s0 =	simm.s32 @!p2 $0x0  }
0x16: {  	s3 =	sld [smem:$0x3FDB];
	s0 =	simm.s32 @p2 $0x1  }
0x17: {  	s4 =	simm.s32 $0x1BF5;
	[smem:$0x3FB4] =	sst s0  }
0x18: {  	s0 =	sld [smem:$0x3F97];
	_ =	swait.ge [sflag:s4], $0x0  }
0x19: {  	s7 =	sld [smem:$0x3F98]  }
0x1a: {  	s8 =	sadd.s32 $0xFFFFE003, lr  }
0x1b: {  	s9 =	sadd.s32 $0xFFFFFEF7, lr;
	s5 =	simm.s32 $0xFFFFFFFF;
	p2 =	slt.u32 s8, $0xFFFFF086  }
0x1c: {  	p1 =	slt.u32 s9, $0xF7A;
	s5 =	simm.s32 @!p2 $0x0  }
0x1d: {  	s5 =	simm.s32 @p1 $0x1;
	p0 =	seq.s32 s7, s2  }
0x1e: {  	s7 =	smul.u32 @!p0 $0xF7A, s2;
	p2 =	seq.s32 @!p0 s5, $0x0  }
0x1f: {  	s9 =	smul.u32 $0xF7A, s1;
	s8 =	simm.s32 @!p0 $0x1BF5;
	p2 =	por !p2, p0  }
0x20: {  	[sflag:s8] =	ssyncset.s32 @!p0 $0xFFFFF086;
	s6 =	sadd.s32 @!p0 s3, s7;
	s7 =	simm.s32 @!p0 $0x108  }
0x21: {  	s3 =	sadd.s32 s3, s9;
	s6 =	sadd.s32 @!p0 $0x88, s6;
	s7 =	simm.s32 @p2 $0x1082  }
0x22: {  	[simem:s7], [sflag:s8] =	dma.local @!p0 [hbm:s6], $0xF7A  }
0x23: {  	s9 =	sor.u32 $0xD0000000, s2;
	s6 =	simm.s32 $0x108;
	_ =	swait.ge @!p0 [sflag:s8], $0x0  }
0x24: {  	s3 =	sadd.s32 $0x88, s3;
	s6 =	simm.s32 @!p1 $0x1082;
	[sflag:s4] =	ssyncset.s32 $0xFFFFF086  }
0x25: {  	[simem:s6], [sflag:s4] =	dma.local [hbm:s3], $0xF7A  }
0x26: {  	[smem:$0x3F98] =	sst s1;
	(tag) =	ssettag s2;
	_ =	strace s9  }
0x27: {  	s1 =	sld [smem:$0x3FA8]  }
0x28: {  	s2 =	sld [smem:$0x3FA9]  }
0x29: {  	s4 =	sld [smem:$0x3FAB]  }
0x2a: {  	p0 =	seq.s32 s5, $0x0;
	s5 =	sld [smem:$0x3FAC]  }
0x2b: {  	s6 =	sld [smem:$0x3FAD]  }
0x2c: {  	s7 =	sld [smem:$0x3FAE]  }
0x2d: {  	s3 =	simm.s32 $0x108;
	s8 =	sld [smem:$0x3FAF]  }
0x2e: {  	s3 =	simm.s32 @!p0 $0x1082;
	s9 =	sld [smem:$0x3FB0]  }
0x2f: {  	lr =	sadd.s32 s0, s3;
	s0 =	sld [smem:$0x3FA7]  }
0x30: {  	s3 =	sld [smem:$0x3FAA]  }
0x31: {  	[smem:$0x3FB3] =	sst s10  }
0x32: {  	s10 =	sld [smem:$0x3FB1];
	_ =	sdelay $0x3  }
0x33: {  	p0 =	seq.s32 s10, $0x1;
	s10 =	sld [smem:$0x3FB3];
	_ =	sdelay $0x3  }
0x34: {  	[smem:$0x3FB3] =	sst s10  }
0x35: {  	s10 =	sld [smem:$0x3FB2];
	_ =	sdelay $0x3  }
0x36: {  	p1 =	seq.s32 s10, $0x1;
	s10 =	sld [smem:$0x3FB3];
	_ =	sdelay $0x3  }
0x37: {  	[smem:$0x3FB3] =	sst s10  }
0x38: {  	s10 =	sld [smem:$0x3FB4]  }
0x39: {  	_ = 	snop;
	(pc) =	sbr.ind lr, $3  }
0x3a: {  	_ = 	snop  }
0x3b: {  	_ = 	snop  }
0x3c: {  	p2 =	seq.s32 s10, $0x1;
	s10 =	sld [smem:$0x3FB3]  }
0x3d: {  	_ =	shalt  }
0x3e: {  	_ =	shalt  }
0x3f: {  	_ =	shalt  }
0x40: {  	_ =	shalt  }
0x41: {  	_ =	shalt  }
0x42: {  	_ =	shalt  }
0x43: {  	_ =	shalt  }
0x44: {  	_ =	shalt  }
0x45: {  	_ =	shalt  }
0x46: {  	_ =	shalt  }
0x47: {  	_ =	shalt  }
0x48: {  	_ =	shalt  }
0x49: {  	_ =	shalt  }
0x4a: {  	_ =	shalt  }
0x4b: {  	_ =	shalt  }
0x4c: {  	_ =	shalt  }
0x4d: {  	_ =	shalt  }
0x4e: {  	_ =	shalt  }
0x4f: {  	_ =	shalt  }
0x50: {  	_ =	shalt  }
0x51: {  	_ =	shalt  }
0x52: {  	_ =	shalt  }
0x53: {  	_ =	shalt  }
0x54: {  	_ =	shalt  }
0x55: {  	_ =	shalt  }
0x56: {  	_ =	shalt  }
0x57: {  	_ =	shalt  }
0x58: {  	_ =	shalt  }
0x59: {  	_ =	shalt  }
0x5a: {  	_ =	shalt  }
0x5b: {  	_ =	shalt  }
0x5c: {  	_ =	shalt  }
0x5d: {  	_ =	shalt  }
0x5e: {  	_ =	shalt  }
0x5f: {  	_ =	shalt  }
0x60: {  	_ =	shalt  }
0x61: {  	_ =	shalt  }
0x62: {  	_ =	shalt  }
0x63: {  	_ =	shalt  }
0x64: {  	_ =	shalt  }
0x65: {  	_ =	shalt  }
0x66: {  	_ =	shalt  }
0x67: {  	_ =	shalt  }
0x68: {  	_ =	shalt  }
0x69: {  	_ =	shalt  }
0x6a: {  	_ =	shalt  }
0x6b: {  	_ =	shalt  }
0x6c: {  	_ =	shalt  }
0x6d: {  	_ =	shalt  }
0x6e: {  	_ =	shalt  }
0x6f: {  	_ =	shalt  }
0x70: {  	_ =	shalt  }
0x71: {  	_ =	shalt  }
0x72: {  	_ =	shalt  }
0x73: {  	_ =	shalt  }
0x74: {  	_ =	shalt  }
0x75: {  	_ =	shalt  }
0x76: {  	_ =	shalt  }
0x77: {  	_ =	shalt  }
0x78: {  	_ =	shalt  }
0x79: {  	_ =	shalt  }
0x7a: {  	_ =	shalt  }
0x7b: {  	_ =	shalt  }
0x7c: {  	_ =	shalt  }
0x7d: {  	_ =	shalt  }
0x7e: {  	_ =	shalt  }
0x7f: {  	_ =	shalt  }
0x80: {  	_ =	shalt  }
0x81: {  	_ =	shalt  }
0x82: {  	_ =	shalt  }
0x83: {  	_ =	shalt  }
0x84: {  	_ =	shalt  }
0x85: {  	_ =	shalt  }
0x86: {  	_ =	shalt  }
0x87: {  	_ =	shalt  }
.Lfunc_end0:
.L_simem_size_0:
called_computation_lowered:
.L_overlay_start_0:
0x88: {  	s2 =	sld [smem:$0x3FD9]  }
0x89: {  	s3 =	sld [smem:$0x3FFE];
	_ =	sdelay $0x1  }
0x8a: {  	s1 =	srdreg.scid  }
0x8b: {  	s0 =	sand.u32 $0x1, s1  }
0x8c: {  	s16 =	sshll.u32 s0, $0xA;
	s2 =	sadd.s32 s3, s2  }
0x8d: {  	s2 =	sadd.s32 s2, s16  }
0x8e: {  	[smem:$0x3FBF] =	sst s2  }
0x8f: {  	_ = 	snop  }
0x90: {  	(tm) =	ssettm $0x1  }
0x91: {  	s17 =	sld [smem:$0x3FFB];
	_ =	sdelay $0x3  }
0x92: {  	_ =	strace s17  }
0x93: {  	s2 =	sld [smem:$0x3FFC];
	_ =	sdelay $0x3  }
0x94: {  	_ =	strace s2  }
0x95: {  	s2 =	sld [smem:$0x3FFD];
	_ =	sdelay $0x3  }
0x96: {  	_ =	strace s2  }
0x97: {  	_ =	strace $0x8FFFFFFF  }
0x98: {  	s18 =	sld [smem:$0x3FDB];
	_ =	sdelay $0x1  }
0x99: {  	s19 =	simm.s32 $_scs_section_size  }
0x9a: {  	s4 =	simm.s32 $_size__tile_overlayer_lowered;
	s5 =	simm.s32 $_tile_overlayer_lowered  }
0x9b: {  	s22 =	simm.s32 $0x1BFF;
	s21 =	sshll.u32 s5, $0x1;
	s2 =	sadd.s32 s19, s18  }
0x9c: {  	s6 =	simm.s32 $0x0;
	s20 =	sshll.u32 s4, $0x1;
	s4 =	sadd.s32 s21, s2  }
0x9d: {  	[timem:s6], [sflag:s22] =	dma.local [hbm:s4], s20  }
0x9e: {  	_ =	swait.ge [sflag:s22], s20  }
0x9f: {  	s3 =	ssub.s32 $0x0, s20;
	[sflag:s22] =	ssyncset.done $0x0  }
0xa0: {  	[sflag:s22] =	ssyncadd.s32 s3;
	_ =	sdelay $0x1  }
0xa1: {  	s23 =	simm.s32 $0x1B8B  }
0xa2: {  	_ =	swait.ge [sflag:s23], $0x1  }
0xa3: {  	[sflag:s23] =	ssyncset.done $0x0  }
0xa4: {  	s25 =	simm.s32 $0x1B8E;
	s24 =	sld [smem:$0x3FFE];
	[sflag:s23] =	ssyncadd.s32 $0xFFFFFFFF  }
0xa5: {  	s26 =	simm.s32 $execute0_lowered;
	[smem:$0x3FD2] =	sst s25  }
0xa6: {  	s4 =	sshll.u32 s26, $0x1;
	_ =	strace $0x80000046;
	[dreg:$0x1] =	wrdreg $0xFFFFFFFF  }
0xa7: {  	s28 =	simm.s32 $_size_execute0_lowered;
	s2 =	sadd.s32 s2, s4;
	[dreg:$0x0] =	wrdreg $0x0  }
0xa8: {  	s4 =	sshll.u32 s28, $0x1;
	[dreg:$0x2] =	wrdreg s2  }
0xa9: {  	[dreg:$0x3] =	wrdreg s4  }
0xaa: {  	[dreg:$0x4] =	wrdreg $0xC0  }
0xab: {  	_ =	task [dreg:s6], $0x5FFFF  }
0xac: {  	[dreg:$0x1] =	wrdreg $0xFFFFFFFF  }
0xad: {  	[dreg:$0x0] =	wrdreg $0x60  }
0xae: {  	[dreg:$0x2] =	wrdreg s24  }
0xaf: {  	[dreg:$0x3] =	wrdreg $0x13000  }
0xb0: {  	[dreg:$0x4] =	wrdreg $0x9  }
0xb1: {  	_ =	task.clear_ibuf [dreg:s6], $0x5FFFF;
	_ =	strace $0x90000046  }
0xb2: {  	s29 =	simm.s32 $0x9;
	_ =	strace $0x80000048  }
0xb3: {  	_ =	swait.ge [sflag:s29], $0x1  }
0xb4: {  	[sflag:s29] =	ssyncadd.s32 $0xFFFFFFFF  }
0xb5: {  	_ =	strace $0x90000048  }
0xb6: {  	_ =	sfence  }
0xb7: {  	s30 =	sld [smem:$0x0];
	_ =	sdelay $0x2  }
0xb8: {  	s31 =	sshll.u32 s1, $0xD;
	s1 =	sshrl.u32 s1, $0x2  }
0xb9: {  	s3 =	sand.u32 $0x4000, s31;
	s1 =	sadd.s32 s1, s30  }
0xba: {  	s0 =	sor.u32 s3, s0;
	s1 =	sshll.u32 s1, $0x11  }
0xbb: {  	s0 =	sor.u32 s1, s0  }
0xbc: {  	s0 =	sadd.s32 $0x8F2B, s0  }
0xbd: {  	[sflag:s0] =	ssyncadd.remote.s32 $0x1  }
0xbe: {  	_ =	sfence.sel $0xFFFF  }
0xbf: {  	[dreg:$0x0] =	wrdreg $0xFFFFFFFF;
	(pc) =	sbr.abs _section_cstart, $3  }
0xc0: {  	[dreg:$0x1] =	wrdreg $0xFFFFFFFF  }
0xc1: {  	_ =	task.clear_ibuf [dreg:s6], $0x2FFFF;
	_ =	strace $0x9FFFFFFF  }
0xc2: {  	(tm) =	ssettm $0x7FFFFFFF  }
0xc3: {  	_ =	shalt  }
tec
execute0_lowered:
.L_overlay_start_1:
0x0: {  	(tag) =	ssettag $0x1  }
0x1: {  	s0 =	srdreg.scid;
	s5 =	rddreg [dreg:$0x0]  }
0x2: {  	s2 =	rddreg [dreg:$0x1];
	s3 =	simm.s32 $0x0;
	s12 =	simm.s32 $0x1080  }
0x3: {  	s13 =	simm.s32 $0x1;
	s14 =	simm.s32 $0x28;
	s15 =	simm.s32 $0x1000  }
0x4: {  	s16 =	simm.s32 $0x0;
	s4 =	sand.u32 $0x1, s0;
	s0 =	stileid.u32  }
0x5: {  	[smem:$0x7FF] =	sst s3;
	s1 =	sshll.u32 s4, $0x4;
	s7 =	smul.u32 $0x280, s0  }
0x6: {  	s8 =	smul.u32 $0x2800, s4;
	s4 =	ssub.s32 $0x2, s4;
	s1 =	sor.u32 s0, s1  }
0x7: {  	s30 =	sshrl.u32 s4, $0x1;
	s6 =	smul.u32 $0x5000, s1;
	s1 =	rddreg [dreg:$0x2]  }
0x8: {  	_ =	strace $0x80000047;
	s8 =	sadd.s32 s7, s8;
	s31 =	ssub.s32 s4, s30  }
0x9: {  	s4 =	sadd.s32 s7, s2;
	s29 =	sshrl.u32 s8, $0x3;
	s6 =	sshrl.u32 s6, $0x3  }
0xa: {  	s11 =	sadd.s32 s6, s5;
	s5 =	sadd.s32 s29, s5;
	s6 =	smax.u32 s31, $0x1  }
0xb: {  	s5 =	sadd.s32 $0x15C00, s5;
	s7 =	sadd.s32 $0x1C00, s11;
	s8 =	sadd.s32 $0x1E00, s11  }
0xc: {  	v0 =	vimm.f32 $0.0e+00;
	v1 =	vimm.f32 $1.000000000e+00;
	s9 =	sadd.s32 $0x2000, s11;
	s10 =	sadd.s32 $0x2200, s11;
	s11 =	sadd.s32 $0x2400, s11  }
.LBB2_1:
0xd: {  	[tilespmem:$0x1080] =	vst v0  }
0xe: {  	[tilespmem:$0x1090] =	vst v0  }
0xf: {  	[tilespmem:$0x10A0] =	vst v0  }
0x10: {  	[tilespmem:$0x10B0] =	vst v0  }
0x11: {  	[tilespmem:$0x10C0] =	vst v0  }
0x12: {  	[tilespmem:$0x10D0] =	vst v0  }
0x13: {  	[tilespmem:$0x10E0] =	vst v0  }
0x14: {  	[tilespmem:$0x10F0] =	vst v0  }
0x15: {  	[tilespmem:$0x1100] =	vst v0  }
0x16: {  	[tilespmem:$0x1110] =	vst v0  }
0x17: {  	[tilespmem:$0x1120] =	vst v0  }
0x18: {  	[tilespmem:$0x1130] =	vst v0  }
0x19: {  	[tilespmem:$0x1140] =	vst v0  }
0x1a: {  	[tilespmem:$0x1150] =	vst v0  }
0x1b: {  	[tilespmem:$0x1160] =	vst v0  }
0x1c: {  	[tilespmem:$0x1170] =	vst v0  }
0x1d: {  	[tilespmem:$0x1180] =	vst v0  }
0x1e: {  	[tilespmem:$0x1190] =	vst v0  }
0x1f: {  	[tilespmem:$0x11A0] =	vst v0  }
0x20: {  	[tilespmem:$0x11B0] =	vst v0  }
0x21: {  	[tilespmem:$0x11C0] =	vst v0  }
0x22: {  	[tilespmem:$0x11D0] =	vst v0  }
0x23: {  	[tilespmem:$0x11E0] =	vst v0  }
0x24: {  	[tilespmem:$0x11F0] =	vst v0  }
0x25: {  	[tilespmem:$0x1200] =	vst v0  }
0x26: {  	[tilespmem:$0x1210] =	vst v0  }
0x27: {  	[tilespmem:$0x1220] =	vst v0  }
0x28: {  	[tilespmem:$0x1230] =	vst v0  }
0x29: {  	[tilespmem:$0x1240] =	vst v0  }
0x2a: {  	[tilespmem:$0x1250] =	vst v0  }
0x2b: {  	[tilespmem:$0x1260] =	vst v0  }
0x2c: {  	[tilespmem:$0x1270] =	vst v0  }
0x2d: {  	[tilespmem:$0x1280] =	vst v0  }
0x2e: {  	[tilespmem:$0x1290] =	vst v0  }
0x2f: {  	[tilespmem:$0x12A0] =	vst v0  }
0x30: {  	[tilespmem:$0x12B0] =	vst v0  }
0x31: {  	[tilespmem:$0x12C0] =	vst v0  }
0x32: {  	[tilespmem:$0x12D0] =	vst v0  }
0x33: {  	[tilespmem:$0x12E0] =	vst v0  }
0x34: {  	[tilespmem:$0x12F0] =	vst v0  }
0x35: {  	[spmem:s4] =	stream.linear.scatter [tilespmem:s12], [sflag:$0x1], $0x280, $0x38;
	[tilespmem:$0x1580] =	vst v63  }
0x36: {  	_ =	swait.ge [sflag:s13], $0x280  }
0x37: {  	[sflag:s13] =	ssyncset.done $0x0  }
0x38: {  	[sflag:s13] =	ssyncadd.s32 $0xFFFFFD80  }
0x39: {  	[bflag:$0x0] =	sbarrier.arrive $0xFFFF  }
0x3a: {  	[tilespmem:$0x1000] =	vst v1  }
0x3b: {  	[tilespmem:$0x1010] =	vst v1  }
0x3c: {  	[tilespmem:$0x1020] =	vst v1  }
0x3d: {  	[tilespmem:s3], [sflag:$0x1] =	stream.linear.gather [hbm4b:s7+s3], $0xC80, $0x38;
	[tilespmem:$0x1580] =	vst v63  }
0x3e: {  	_ =	swait.ge [sflag:s13], $0xC80  }
0x3f: {  	[sflag:s13] =	ssyncset.done $0x0  }
0x40: {  	s17 =	simm.s32 $0x0;
	[sflag:s13] =	ssyncadd.s32 $0xFFFFF380  }
0x41: {  	[spmem:s2] =	stream.indirect.scatter.add.f32 [tilespmem:s15], [sflag:$0x1], $0x1, s17, s14, $0xb8;
	[tilespmem:$0x1580] =	vst v63  }
0x42: {  	_ =	swait.ge [sflag:s13], $0x28  }
0x43: {  	s17 =	simm.s32 $0x200;
	[sflag:s13] =	ssyncset.done $0x0  }
.LBB2_2:
0x44: {  	s18 =	sshra.s32 s17, $0x2;
	[sflag:s13] =	ssyncadd.s32 $0xFFFFFFD8;
	p0 =	sne.s32 s17, $0x3000  }
0x45: {  	[spmem:s2] =	stream.indirect.scatter.add.f32 [tilespmem:s15], [sflag:$0x1], $0x1, s18, s14, $0xb8;
	[tilespmem:$0x1580] =	vst v63  }
.Ltmp0:
0x46: {  	_ = 	snop;
	(pc) =	sbr.rel @p0 .LBB2_2-.Ltmp0, $4  }
0x47: {  	_ = 	snop  }
0x48: {  	s17 =	sadd.s32 $0x200, s17  }
0x49: {  	_ =	swait.ge [sflag:s13], $0x28  }
0x4a: {  	[sflag:s13] =	ssyncset.done $0x0  }
0x4b: {  	[sflag:s13] =	ssyncadd.s32 $0xFFFFFFD8;
	s17 =	simm.s32 $0x0  }
0x4c: {  	[tilespmem:s17], [sflag:$0x1] =	stream.linear.gather [hbm4b:s8+s17], $0xC80, $0x38;
	[tilespmem:$0x1580] =	vst v63  }
0x4d: {  	_ =	swait.ge [sflag:s13], $0xC80  }
0x4e: {  	[sflag:s13] =	ssyncset.done $0x0  }
0x4f: {  	s31 =	simm.s32 $0x0;
	[sflag:s13] =	ssyncadd.s32 $0xFFFFF380  }
0x50: {  	[spmem:s2] =	stream.indirect.scatter.add.f32 [tilespmem:s15], [sflag:$0x1], $0x1, s31, s14, $0xb8;
	[tilespmem:$0x1580] =	vst v63  }
0x51: {  	_ =	swait.ge [sflag:s13], $0x28  }
0x52: {  	s17 =	simm.s32 $0x200;
	[sflag:s13] =	ssyncset.done $0x0  }
.LBB2_4:
0x53: {  	s18 =	sshra.s32 s17, $0x2;
	[sflag:s13] =	ssyncadd.s32 $0xFFFFFFD8;
	p0 =	sne.s32 s17, $0x3000  }
0x54: {  	[spmem:s2] =	stream.indirect.scatter.add.f32 [tilespmem:s15], [sflag:$0x1], $0x1, s18, s14, $0xb8;
	[tilespmem:$0x1580] =	vst v63  }
.Ltmp1:
0x55: {  	_ = 	snop;
	(pc) =	sbr.rel @p0 .LBB2_4-.Ltmp1, $4  }
0x56: {  	_ = 	snop  }
0x57: {  	s17 =	sadd.s32 $0x200, s17  }
0x58: {  	_ =	swait.ge [sflag:s13], $0x28  }
0x59: {  	[sflag:s13] =	ssyncset.done $0x0  }
0x5a: {  	[sflag:s13] =	ssyncadd.s32 $0xFFFFFFD8;
	s17 =	simm.s32 $0x0  }
0x5b: {  	[tilespmem:s17], [sflag:$0x1] =	stream.linear.gather [hbm4b:s9+s17], $0xC80, $0x38;
	[tilespmem:$0x1580] =	vst v63  }
0x5c: {  	_ =	swait.ge [sflag:s13], $0xC80  }
0x5d: {  	[sflag:s13] =	ssyncset.done $0x0  }
0x5e: {  	s31 =	simm.s32 $0x0;
	[sflag:s13] =	ssyncadd.s32 $0xFFFFF380  }
0x5f: {  	[spmem:s2] =	stream.indirect.scatter.add.f32 [tilespmem:s15], [sflag:$0x1], $0x1, s31, s14, $0xb8;
	[tilespmem:$0x1580] =	vst v63  }
0x60: {  	_ =	swait.ge [sflag:s13], $0x28  }
0x61: {  	s17 =	simm.s32 $0x200;
	[sflag:s13] =	ssyncset.done $0x0  }
.LBB2_6:
0x62: {  	s18 =	sshra.s32 s17, $0x2;
	[sflag:s13] =	ssyncadd.s32 $0xFFFFFFD8;
	p0 =	sne.s32 s17, $0x3000  }
0x63: {  	[spmem:s2] =	stream.indirect.scatter.add.f32 [tilespmem:s15], [sflag:$0x1], $0x1, s18, s14, $0xb8;
	[tilespmem:$0x1580] =	vst v63  }
.Ltmp2:
0x64: {  	_ = 	snop;
	(pc) =	sbr.rel @p0 .LBB2_6-.Ltmp2, $4  }
0x65: {  	_ = 	snop  }
0x66: {  	s17 =	sadd.s32 $0x200, s17  }
0x67: {  	_ =	swait.ge [sflag:s13], $0x28  }
0x68: {  	[sflag:s13] =	ssyncset.done $0x0  }
0x69: {  	[sflag:s13] =	ssyncadd.s32 $0xFFFFFFD8;
	s17 =	simm.s32 $0x0  }
0x6a: {  	[tilespmem:s17], [sflag:$0x1] =	stream.linear.gather [hbm4b:s10+s17], $0xC80, $0x38;
	[tilespmem:$0x1580] =	vst v63  }
0x6b: {  	_ =	swait.ge [sflag:s13], $0xC80  }
0x6c: {  	[sflag:s13] =	ssyncset.done $0x0  }
0x6d: {  	s31 =	simm.s32 $0x0;
	[sflag:s13] =	ssyncadd.s32 $0xFFFFF380  }
0x6e: {  	[spmem:s2] =	stream.indirect.scatter.add.f32 [tilespmem:s15], [sflag:$0x1], $0x1, s31, s14, $0xb8;
	[tilespmem:$0x1580] =	vst v63  }
0x6f: {  	_ =	swait.ge [sflag:s13], $0x28  }
0x70: {  	s17 =	simm.s32 $0x200;
	[sflag:s13] =	ssyncset.done $0x0  }
.LBB2_8:
0x71: {  	s18 =	sshra.s32 s17, $0x2;
	[sflag:s13] =	ssyncadd.s32 $0xFFFFFFD8;
	p0 =	sne.s32 s17, $0x3000  }
0x72: {  	[spmem:s2] =	stream.indirect.scatter.add.f32 [tilespmem:s15], [sflag:$0x1], $0x1, s18, s14, $0xb8;
	[tilespmem:$0x1580] =	vst v63  }
.Ltmp3:
0x73: {  	_ = 	snop;
	(pc) =	sbr.rel @p0 .LBB2_8-.Ltmp3, $4  }
0x74: {  	_ = 	snop  }
0x75: {  	s17 =	sadd.s32 $0x200, s17  }
0x76: {  	_ =	swait.ge [sflag:s13], $0x28  }
0x77: {  	[sflag:s13] =	ssyncset.done $0x0  }
0x78: {  	[sflag:s13] =	ssyncadd.s32 $0xFFFFFFD8;
	s17 =	simm.s32 $0x0  }
0x79: {  	[tilespmem:s17], [sflag:$0x1] =	stream.linear.gather [hbm4b:s11+s17], $0xC80, $0x38;
	[tilespmem:$0x1580] =	vst v63  }
0x7a: {  	_ =	swait.ge [sflag:s13], $0xC80  }
0x7b: {  	[sflag:s13] =	ssyncset.done $0x0  }
0x7c: {  	s31 =	simm.s32 $0x0;
	[sflag:s13] =	ssyncadd.s32 $0xFFFFF380  }
0x7d: {  	[spmem:s2] =	stream.indirect.scatter.add.f32 [tilespmem:s15], [sflag:$0x1], $0x1, s31, s14, $0xb8;
	[tilespmem:$0x1580] =	vst v63  }
0x7e: {  	_ =	swait.ge [sflag:s13], $0x28  }
0x7f: {  	s17 =	simm.s32 $0x200;
	[sflag:s13] =	ssyncset.done $0x0  }
.LBB2_10:
0x80: {  	s18 =	sshra.s32 s17, $0x2;
	[sflag:s13] =	ssyncadd.s32 $0xFFFFFFD8;
	p0 =	sne.s32 s17, $0x3000  }
0x81: {  	[spmem:s2] =	stream.indirect.scatter.add.f32 [tilespmem:s15], [sflag:$0x1], $0x1, s18, s14, $0xb8;
	[tilespmem:$0x1580] =	vst v63  }
.Ltmp4:
0x82: {  	_ = 	snop;
	(pc) =	sbr.rel @p0 .LBB2_10-.Ltmp4, $4  }
0x83: {  	_ = 	snop  }
0x84: {  	s17 =	sadd.s32 $0x200, s17  }
0x85: {  	_ =	swait.ge [sflag:s13], $0x28  }
0x86: {  	[sflag:s13] =	ssyncset.done $0x0  }
0x87: {  	[sflag:s13] =	ssyncadd.s32 $0xFFFFFFD8  }
0x88: {  	[bflag:$0x0] =	sbarrier.arrive $0xFFFF  }
0x89: {  	[tilespmem:s12], [sflag:$0x1] =	stream.linear.gather [spmem:s4], $0x280, $0x38;
	[tilespmem:$0x1580] =	vst v63  }
0x8a: {  	s16 =	sadd.s32 $0x1, s16;
	_ =	swait.ge [sflag:s13], $0x280  }
0x8b: {  	p0 =	sne.s32 s16, s6;
	[sflag:s13] =	ssyncset.done $0x0  }
.Ltmp5:
0x8c: {  	[sflag:s13] =	ssyncadd.s32 $0xFFFFFD80;
	(pc) =	sbr.rel @p0 .LBB2_1-.Ltmp5, $4  }
0x8d: {  	[hbm4b:s5+s3] =	stream.linear.scatter [tilespmem:s12], [sflag:$0x1], $0x280, $0x38;
	[tilespmem:$0x1580] =	vst v63  }
0x8e: {  	_ =	swait.ge [sflag:s13], $0x280  }
0x8f: {  	[sflag:s13] =	ssyncset.done $0x0  }
0x90: {  	[sflag:s13] =	ssyncadd.s32 $0xFFFFFD80  }
0x91: {  	_ =	sfence.sel $0x180000  }
0x92: {  	[bflag:$0x0] =	sbarrier.arrive $0xFFFF  }
0x93: {  	p0 =	sne.s32 s0, $0x0;
	_ =	strace $0x90000047  }
0x94: {  	s0 =	sadd.s32 @!p0 $0x100000, s1;
	[bflag:$0x2] =	sbarrier.arrive $0xFFFF  }
0x95: {  	[sflag:s0] =	ssyncadd.tile.s32 @!p0 $0x1;
	_ =	shalt  }
.Lfunc_end2:
_tile_overlayer_lowered:
.L_overlay_start_2:
0x96: {  	(tag) =	ssettag $0x2  }
0x97: {  	s0 =	rddreg [dreg:$0x0];
	s2 =	stileid.u32  }
0x98: {  	s1 =	rddreg [dreg:$0x1];
	p0 =	sne.s32 s2, $0x0  }
0x99: {  	s3 =	rddreg [dreg:$0x2];
	[bflag:$0x3] =	sbarrier.arrive $0xFFFF;
	s2 =	simm.s32 @!p0 $0x1C01  }
0x9a: {  	[timem:s3], [sflag:s2] =	dma.local @!p0 [hbm:s0], s1  }
0x9b: {  	s0 =	simm.s32 @!p0 $0x1  }
0x9c: {  	_ =	swait.ge @!p0 [sflag:s0], s1  }
0x9d: {  	s1 =	ssub.s32 @!p0 $0x0, s1;
	[sflag:s0] =	ssyncset.done @!p0 $0x0  }
0x9e: {  	[sflag:s0] =	ssyncadd.s32 @!p0 s1  }
0x9f: {  	[bflag:$0x3] =	sbarrier.arrive $0xFFFF  }
0xa0: {  	_ =	shalt  }

</sc_bundles>
